<compile_context>
chip_gen: v7x
topology: tpu7x:2x2x1
jax: 0.10.2.dev20260603
libtpu: 0.0.44.dev20260713+nightly
codegen_flags: <defaults>
</compile_context>

<pallas_src>
import functools

import jax
import jax.numpy as jnp
from jax import lax
from jax.experimental import pallas as pl
from jax.experimental.pallas import tpu as pltpu
from jax.experimental.pallas import tpu_sc as plsc

_BATCH = 16384
_EMB = 32
_L = 65536
_LBITS = 16
_QBITS = _LBITS - 2
_NW = 32
_BPW = _BATCH // _NW
_RND = 2
_HB = _BPW // _RND
_BB = 2048


def _t_body(in_ref, out_ref):
    x = in_ref[...]
    L = x.shape[1]
    q = L // 4
    xs = jnp.concatenate([x[:, j * q:(j + 1) * q] for j in range(4)], axis=0)
    out_ref[...] = jnp.transpose(xs, (1, 0))


def _transpose_tc(embT, L=_L):
    n = embT.shape[1]
    nblk = (n + L - 1) // L
    grid = (nblk,)
    return pl.pallas_call(
        _t_body,
        grid=grid,
        in_specs=[pl.BlockSpec((_EMB, L), lambda m: (0, m))],
        out_specs=pl.BlockSpec((L // 4, 128), lambda m: (m, 0)),
        out_shape=jax.ShapeDtypeStruct((nblk * L // 4, 128), jnp.float32),
    )(embT)


def _gather_sc(t4, idx):
    mesh = plsc.VectorSubcoreMesh(core_axis_name="c", subcore_axis_name="s")

    @functools.partial(
        pl.kernel,
        mesh=mesh,
        out_type=jax.ShapeDtypeStruct((_BATCH, 128), jnp.float32),
        scratch_types=[
            pltpu.VMEM((_BPW,), jnp.int32),
            pltpu.VMEM((_HB, 128), jnp.float32),
            pltpu.VMEM((_HB, 128), jnp.float32),
            pltpu.SemaphoreType.DMA,
            pltpu.SemaphoreType.DMA,
        ],
    )
    def k(t4_hbm, idx_hbm, r_out, tid, buf0, buf1, s0, s1):
        wid = lax.axis_index("s") * 2 + lax.axis_index("c")
        base = wid * _BPW
        pltpu.sync_copy(idx_hbm.at[pl.ds(base, _BPW)], tid)
        for g in range(_BPW // 16):
            tv = tid[pl.ds(g * 16, 16)]
            tid[pl.ds(g * 16, 16)] = (
                ((tv >> _LBITS) << _QBITS) | (tv & (_L // 4 - 1)))
        c0 = pltpu.async_copy(t4_hbm.at[tid.at[pl.ds(0, _HB)]], buf0, s0)
        c1 = pltpu.async_copy(t4_hbm.at[tid.at[pl.ds(_HB, _HB)]], buf1, s1)
        c0.wait()
        pltpu.sync_copy(buf0, r_out.at[pl.ds(base, _HB)])
        c1.wait()
        pltpu.sync_copy(buf1, r_out.at[pl.ds(base + _HB, _HB)])

    return k(t4, idx)


def _mlp_body(ru_ref, ri_ref, uk_ref, ik_ref, w1e, b1r, w2, b2r, w3r, b3r,
              out_ref):
    ru = ru_ref[...]
    ri = ri_ref[...]
    uk = (uk_ref[...] >> _QBITS) & 3
    ik = (ik_ref[...] >> _QBITS) & 3
    lane = jax.lax.broadcasted_iota(jnp.int32, (1, 128), 1) >> 5
    xu = jnp.where(lane == uk[:, None], ru, 0.0)
    xi = jnp.where(lane == ik[:, None], ri, 0.0)
    xcat = jnp.concatenate([xu, xi], axis=1)
    h1 = jnp.maximum(
        jnp.dot(xcat, w1e[...], preferred_element_type=jnp.float32)
        + b1r[...], 0.0)
    h2 = jnp.maximum(
        jnp.dot(h1, w2[...], preferred_element_type=jnp.float32) + b2r[...],
        0.0)
    res = lax.dot_general(
        w3r[...].reshape(1, 64), h2, (((1,), (1,)), ((), ())),
        preferred_element_type=jnp.float32)
    out_ref[...] = res.reshape(res.shape[1]) + b3r[0]


def _mlp_tc(ru, ri, users, items, W1, b1, W2, b2, W3, b3):
    w1e = jnp.concatenate([W1[:_EMB]] * 4 + [W1[_EMB:]] * 4, axis=0)
    w3row = W3[:, 0]
    grid = (_BATCH // _BB,)
    return pl.pallas_call(
        _mlp_body,
        grid=grid,
        in_specs=[
            pl.BlockSpec((_BB, 128), lambda i: (i, 0)),
            pl.BlockSpec((_BB, 128), lambda i: (i, 0)),
            pl.BlockSpec((_BB,), lambda i: (i,)),
            pl.BlockSpec((_BB,), lambda i: (i,)),
            pl.BlockSpec((256, 128), lambda i: (0, 0)),
            pl.BlockSpec((128,), lambda i: (0,)),
            pl.BlockSpec((128, 64), lambda i: (0, 0)),
            pl.BlockSpec((64,), lambda i: (0,)),
            pl.BlockSpec((64,), lambda i: (0,)),
            pl.BlockSpec((1,), lambda i: (0,)),
        ],
        out_specs=pl.BlockSpec((_BB,), lambda i: (i,)),
        out_shape=jax.ShapeDtypeStruct((_BATCH,), jnp.float32),
    )(ru, ri, users, items, w1e, b1, W2, b2, w3row, b3)


def kernel(users, items, user_emb, item_emb, W1, b1, W2, b2, W3, b3):
    users = users.astype(jnp.int32)
    items = items.astype(jnp.int32)
    i4 = _transpose_tc(item_emb.T)
    ri = _gather_sc(i4, items)
    u4 = _transpose_tc(user_emb.T)
    ru = _gather_sc(u4, users)
    return _mlp_tc(ru, ri, users, items, W1, b1, W2, b2, W3, b3)

# --- scband reference (transcript-rebuilt; emitter-appended) ---
"""Pipeline reference for scband-neural-cf-5076651344114 (READ-ONLY COPY).

The authoritative reference and input builder live on the scoring server;
editing this copy changes nothing except your own understanding.
"""

import jax, jax.numpy as jnp
import numpy as np

N_USERS = 1000000
N_ITEMS = 100000
EMB_DIM = 32
BATCH = 16384


def setup_inputs(seed: int = 0) -> dict:
    key = jax.random.key(seed)
    ks = jax.random.split(key, 12)
    users = jax.random.randint(ks[0], (BATCH,), 0, N_USERS, dtype=jnp.int64 if jax.config.jax_enable_x64 else jnp.int32)
    items = jax.random.randint(ks[1], (BATCH,), 0, N_ITEMS, dtype=jnp.int64 if jax.config.jax_enable_x64 else jnp.int32)
    user_emb = jax.random.normal(ks[2], (N_USERS, EMB_DIM), dtype=jnp.float32) * 0.05
    item_emb = jax.random.normal(ks[3], (N_ITEMS, EMB_DIM), dtype=jnp.float32) * 0.05
    W1 = jax.random.normal(ks[4], (EMB_DIM * 2, 128), dtype=jnp.float32) * (1.0 / np.sqrt(EMB_DIM * 2))
    b1 = jnp.zeros((128,), dtype=jnp.float32)
    W2 = jax.random.normal(ks[5], (128, 64), dtype=jnp.float32) * (1.0 / np.sqrt(128))
    b2 = jnp.zeros((64,), dtype=jnp.float32)
    W3 = jax.random.normal(ks[6], (64, 1), dtype=jnp.float32) * (1.0 / np.sqrt(64))
    b3 = jnp.zeros((1,), dtype=jnp.float32)
    return {"users": users, "items": items, "user_emb": user_emb, "item_emb": item_emb,
            "W1": W1, "b1": b1, "W2": W2, "b2": b2, "W3": W3, "b3": b3}


def reference(users, items, user_emb, item_emb, W1, b1, W2, b2, W3, b3):
    ue = jnp.take(user_emb, users, axis=0)
    ie = jnp.take(item_emb, items, axis=0)
    x = jnp.concatenate([ue, ie], axis=-1)
    h = jax.nn.relu(x @ W1 + b1)
    h = jax.nn.relu(h @ W2 + b2)
    out = (h @ W3 + b3)
    return jnp.squeeze(out, axis=-1)

if __name__ == "__main__":
    import jax
    _d = setup_inputs()
    print(jax.jit(kernel)(*tuple(_d.values())))

</pallas_src>

<mosaic_0001>
#map = affine_map<(d0, d1) -> (0, 0)>
#map1 = affine_map<(d0, d1) -> (0)>
module attributes {stable_mosaic.version = 14 : i64} {
  func.func @k(%arg0: i32, %arg1: i32, %arg2: memref<262144x128xf32, #tpu.memory_space<hbm>>, %arg3: memref<16384xi32, #tpu.memory_space<hbm>>, %arg4: memref<16384x128xf32, #tpu.memory_space<hbm>>, %arg5: memref<512xi32, #tpu.memory_space<vmem>>, %arg6: memref<256x128xf32, #tpu.memory_space<vmem>>, %arg7: memref<256x128xf32, #tpu.memory_space<vmem>>, %arg8: memref<!tpu.dma_semaphore, #tpu.memory_space<semaphore_mem>>, %arg9: memref<!tpu.dma_semaphore, #tpu.memory_space<semaphore_mem>>) attributes {dimension_semantics = [#tpu.dimension_semantics<core_parallel>, #tpu.dimension_semantics<subcore_parallel>], iteration_bounds = array<i64: 2, 16>, scalar_prefetch = 0 : i64, scratch_operands = 5 : i64, tpu.core_type = #tpu.core_type<sc_vector_subcore>, window_params = [{transform_indices = #map}, {transform_indices = #map1}, {transform_indices = #map}]} {
    %mul3A = arith.constant 2 : i32
    %mul3A_0 = arith.muli %arg1, %mul3A : i32
    %add3A = arith.addi %mul3A_0, %arg0 : i32
    %mul3A_1 = arith.constant 512 : i32
    %mul3A_2 = arith.muli %add3A, %mul3A_1 : i32
    "tpu.region"() ({
      %run_scoped3A = tpu.sem_alloc : memref<!tpu.dma_semaphore, #tpu.memory_space<semaphore_mem>>
      %dma_start3A_561 = tpu.memref_slice %arg3[%mul3A_2] : memref<16384xi32, #tpu.memory_space<hbm>> -> memref<512xi32, #tpu.memory_space<hbm>>
      %dma_start3A_562 = tpu.memref_slice %arg3[%mul3A_2] : memref<16384xi32, #tpu.memory_space<hbm>> -> memref<512xi32, #tpu.memory_space<hbm>>
      tpu.enqueue_dma source(%dma_start3A_562 : memref<512xi32, #tpu.memory_space<hbm>>) target(%arg5 : memref<512xi32, #tpu.memory_space<vmem>>) target_semaphore(%run_scoped3A : memref<!tpu.dma_semaphore, #tpu.memory_space<semaphore_mem>>)
      %dma_wait3A_563 = tpu.memref_slice %arg3[%mul3A_2] : memref<16384xi32, #tpu.memory_space<hbm>> -> memref<512xi32, #tpu.memory_space<hbm>>
      %dma_wait3A_564 = tpu.memref_slice %arg3[%mul3A_2] : memref<16384xi32, #tpu.memory_space<hbm>> -> memref<512xi32, #tpu.memory_space<hbm>>
      tpu.wait_dma2 semaphore(%run_scoped3A : memref<!tpu.dma_semaphore, #tpu.memory_space<semaphore_mem>>) src(%dma_wait3A_564 : memref<512xi32, #tpu.memory_space<hbm>>) dst(%arg5 : memref<512xi32, #tpu.memory_space<vmem>>)
      tpu.yield
    }) : () -> ()
    %get3A = arith.constant 0 : index
    %get3A_3 = tpu.vector_load %arg5[%get3A] {strides = array<i32>} : memref<512xi32, #tpu.memory_space<vmem>>, vector<16xi32>,
    %get3A_4 = vector.shape_cast %get3A_3 : vector<16xi32> to vector<16xi32>
    %shift_right_arithmetic3A = arith.constant 16 : i32
    %shift_right_arithmetic3A_5 = vector.broadcast %shift_right_arithmetic3A : i32 to vector<16xi32>
    %shift_right_arithmetic3A_6 = arith.shrsi %get3A_4, %shift_right_arithmetic3A_5 : vector<16xi32>
    %shift_left3A = arith.constant 14 : i32
    %shift_left3A_7 = vector.broadcast %shift_left3A : i32 to vector<16xi32>
    %shift_left3A_8 = arith.shli %shift_right_arithmetic3A_6, %shift_left3A_7 : vector<16xi32>
    %and3A = arith.constant 16383 : i32
    %and3A_9 = vector.broadcast %and3A : i32 to vector<16xi32>
    %and3A_10 = arith.andi %get3A_4, %and3A_9 : vector<16xi32>
    %or3A = arith.ori %shift_left3A_8, %and3A_10 : vector<16xi32>
    %swap3A = arith.constant 0 : index
    %swap3A_11 = tpu.vector_load %arg5[%swap3A] {strides = array<i32>} : memref<512xi32, #tpu.memory_space<vmem>>, vector<16xi32>,
    %swap3A_12 = vector.shape_cast %swap3A_11 : vector<16xi32> to vector<16xi32>
    %swap3A_13 = vector.shape_cast %or3A : vector<16xi32> to vector<16xi32>
    tpu.vector_store %arg5[%swap3A], %swap3A_13 {strides = array<i32>} : memref<512xi32, #tpu.memory_space<vmem>>, vector<16xi32>,
    %get3A_14 = arith.constant 16 : index
    %get3A_15 = tpu.vector_load %arg5[%get3A_14] {strides = array<i32>} : memref<512xi32, #tpu.memory_space<vmem>>, vector<16xi32>,
    %get3A_16 = vector.shape_cast %get3A_15 : vector<16xi32> to vector<16xi32>
    %shift_right_arithmetic3A_17 = arith.constant 16 : i32
    %shift_right_arithmetic3A_18 = vector.broadcast %shift_right_arithmetic3A_17 : i32 to vector<16xi32>
    %shift_right_arithmetic3A_19 = arith.shrsi %get3A_16, %shift_right_arithmetic3A_18 : vector<16xi32>
    %shift_left3A_20 = arith.constant 14 : i32
    %shift_left3A_21 = vector.broadcast %shift_left3A_20 : i32 to vector<16xi32>
    %shift_left3A_22 = arith.shli %shift_right_arithmetic3A_19, %shift_left3A_21 : vector<16xi32>
    %and3A_23 = arith.constant 16383 : i32
    %and3A_24 = vector.broadcast %and3A_23 : i32 to vector<16xi32>
    %and3A_25 = arith.andi %get3A_16, %and3A_24 : vector<16xi32>
    %or3A_26 = arith.ori %shift_left3A_22, %and3A_25 : vector<16xi32>
    %swap3A_27 = arith.constant 16 : index
    %swap3A_28 = tpu.vector_load %arg5[%swap3A_27] {strides = array<i32>} : memref<512xi32, #tpu.memory_space<vmem>>, vector<16xi32>,
    %swap3A_29 = vector.shape_cast %swap3A_28 : vector<16xi32> to vector<16xi32>
    %swap3A_30 = vector.shape_cast %or3A_26 : vector<16xi32> to vector<16xi32>
    tpu.vector_store %arg5[%swap3A_27], %swap3A_30 {strides = array<i32>} : memref<512xi32, #tpu.memory_space<vmem>>, vector<16xi32>,
    %get3A_31 = arith.constant 32 : index
    %get3A_32 = tpu.vector_load %arg5[%get3A_31] {strides = array<i32>} : memref<512xi32, #tpu.memory_space<vmem>>, vector<16xi32>,
    %get3A_33 = vector.shape_cast %get3A_32 : vector<16xi32> to vector<16xi32>
    %shift_right_arithmetic3A_34 = arith.constant 16 : i32
    %shift_right_arithmetic3A_35 = vector.broadcast %shift_right_arithmetic3A_34 : i32 to vector<16xi32>
    %shift_right_arithmetic3A_36 = arith.shrsi %get3A_33, %shift_right_arithmetic3A_35 : vector<16xi32>
    %shift_left3A_37 = arith.constant 14 : i32
    %shift_left3A_38 = vector.broadcast %shift_left3A_37 : i32 to vector<16xi32>
    %shift_left3A_39 = arith.shli %shift_right_arithmetic3A_36, %shift_left3A_38 : vector<16xi32>
    %and3A_40 = arith.constant 16383 : i32
    %and3A_41 = vector.broadcast %and3A_40 : i32 to vector<16xi32>
    %and3A_42 = arith.andi %get3A_33, %and3A_41 : vector<16xi32>
    %or3A_43 = arith.ori %shift_left3A_39, %and3A_42 : vector<16xi32>
    %swap3A_44 = arith.constant 32 : index
    %swap3A_45 = tpu.vector_load %arg5[%swap3A_44] {strides = array<i32>} : memref<512xi32, #tpu.memory_space<vmem>>, vector<16xi32>,
    %swap3A_46 = vector.shape_cast %swap3A_45 : vector<16xi32> to vector<16xi32>
    %swap3A_47 = vector.shape_cast %or3A_43 : vector<16xi32> to vector<16xi32>
    tpu.vector_store %arg5[%swap3A_44], %swap3A_47 {strides = array<i32>} : memref<512xi32, #tpu.memory_space<vmem>>, vector<16xi32>,
    %get3A_48 = arith.constant 48 : index
    %get3A_49 = tpu.vector_load %arg5[%get3A_48] {strides = array<i32>} : memref<512xi32, #tpu.memory_space<vmem>>, vector<16xi32>,
    %get3A_50 = vector.shape_cast %get3A_49 : vector<16xi32> to vector<16xi32>
    %shift_right_arithmetic3A_51 = arith.constant 16 : i32
    %shift_right_arithmetic3A_52 = vector.broadcast %shift_right_arithmetic3A_51 : i32 to vector<16xi32>
    %shift_right_arithmetic3A_53 = arith.shrsi %get3A_50, %shift_right_arithmetic3A_52 : vector<16xi32>
    %shift_left3A_54 = arith.constant 14 : i32
    %shift_left3A_55 = vector.broadcast %shift_left3A_54 : i32 to vector<16xi32>
    %shift_left3A_56 = arith.shli %shift_right_arithmetic3A_53, %shift_left3A_55 : vector<16xi32>
    %and3A_57 = arith.constant 16383 : i32
    %and3A_58 = vector.broadcast %and3A_57 : i32 to vector<16xi32>
    %and3A_59 = arith.andi %get3A_50, %and3A_58 : vector<16xi32>
    %or3A_60 = arith.ori %shift_left3A_56, %and3A_59 : vector<16xi32>
    %swap3A_61 = arith.constant 48 : index
    %swap3A_62 = tpu.vector_load %arg5[%swap3A_61] {strides = array<i32>} : memref<512xi32, #tpu.memory_space<vmem>>, vector<16xi32>,
    %swap3A_63 = vector.shape_cast %swap3A_62 : vector<16xi32> to vector<16xi32>
    %swap3A_64 = vector.shape_cast %or3A_60 : vector<16xi32> to vector<16xi32>
    tpu.vector_store %arg5[%swap3A_61], %swap3A_64 {strides = array<i32>} : memref<512xi32, #tpu.memory_space<vmem>>, vector<16xi32>,
    %get3A_65 = arith.constant 64 : index
    %get3A_66 = tpu.vector_load %arg5[%get3A_65] {strides = array<i32>} : memref<512xi32, #tpu.memory_space<vmem>>, vector<16xi32>,
    %get3A_67 = vector.shape_cast %get3A_66 : vector<16xi32> to vector<16xi32>
    %shift_right_arithmetic3A_68 = arith.constant 16 : i32
    %shift_right_arithmetic3A_69 = vector.broadcast %shift_right_arithmetic3A_68 : i32 to vector<16xi32>
    %shift_right_arithmetic3A_70 = arith.shrsi %get3A_67, %shift_right_arithmetic3A_69 : vector<16xi32>
    %shift_left3A_71 = arith.constant 14 : i32
    %shift_left3A_72 = vector.broadcast %shift_left3A_71 : i32 to vector<16xi32>
    %shift_left3A_73 = arith.shli %shift_right_arithmetic3A_70, %shift_left3A_72 : vector<16xi32>
    %and3A_74 = arith.constant 16383 : i32
    %and3A_75 = vector.broadcast %and3A_74 : i32 to vector<16xi32>
    %and3A_76 = arith.andi %get3A_67, %and3A_75 : vector<16xi32>
    %or3A_77 = arith.ori %shift_left3A_73, %and3A_76 : vector<16xi32>
    %swap3A_78 = arith.constant 64 : index
    %swap3A_79 = tpu.vector_load %arg5[%swap3A_78] {strides = array<i32>} : memref<512xi32, #tpu.memory_space<vmem>>, vector<16xi32>,
    %swap3A_80 = vector.shape_cast %swap3A_79 : vector<16xi32> to vector<16xi32>
    %swap3A_81 = vector.shape_cast %or3A_77 : vector<16xi32> to vector<16xi32>
    tpu.vector_store %arg5[%swap3A_78], %swap3A_81 {strides = array<i32>} : memref<512xi32, #tpu.memory_space<vmem>>, vector<16xi32>,
    %get3A_82 = arith.constant 80 : index
    %get3A_83 = tpu.vector_load %arg5[%get3A_82] {strides = array<i32>} : memref<512xi32, #tpu.memory_space<vmem>>, vector<16xi32>,
    %get3A_84 = vector.shape_cast %get3A_83 : vector<16xi32> to vector<16xi32>
    %shift_right_arithmetic3A_85 = arith.constant 16 : i32
    %shift_right_arithmetic3A_86 = vector.broadcast %shift_right_arithmetic3A_85 : i32 to vector<16xi32>
    %shift_right_arithmetic3A_87 = arith.shrsi %get3A_84, %shift_right_arithmetic3A_86 : vector<16xi32>
    %shift_left3A_88 = arith.constant 14 : i32
    %shift_left3A_89 = vector.broadcast %shift_left3A_88 : i32 to vector<16xi32>
    %shift_left3A_90 = arith.shli %shift_right_arithmetic3A_87, %shift_left3A_89 : vector<16xi32>
    %and3A_91 = arith.constant 16383 : i32
    %and3A_92 = vector.broadcast %and3A_91 : i32 to vector<16xi32>
    %and3A_93 = arith.andi %get3A_84, %and3A_92 : vector<16xi32>
    %or3A_94 = arith.ori %shift_left3A_90, %and3A_93 : vector<16xi32>
    %swap3A_95 = arith.constant 80 : index
    %swap3A_96 = tpu.vector_load %arg5[%swap3A_95] {strides = array<i32>} : memref<512xi32, #tpu.memory_space<vmem>>, vector<16xi32>,
    %swap3A_97 = vector.shape_cast %swap3A_96 : vector<16xi32> to vector<16xi32>
    %swap3A_98 = vector.shape_cast %or3A_94 : vector<16xi32> to vector<16xi32>
    tpu.vector_store %arg5[%swap3A_95], %swap3A_98 {strides = array<i32>} : memref<512xi32, #tpu.memory_space<vmem>>, vector<16xi32>,
    %get3A_99 = arith.constant 96 : index
    %get3A_100 = tpu.vector_load %arg5[%get3A_99] {strides = array<i32>} : memref<512xi32, #tpu.memory_space<vmem>>, vector<16xi32>,
    %get3A_101 = vector.shape_cast %get3A_100 : vector<16xi32> to vector<16xi32>
    %shift_right_arithmetic3A_102 = arith.constant 16 : i32
    %shift_right_arithmetic3A_103 = vector.broadcast %shift_right_arithmetic3A_102 : i32 to vector<16xi32>
    %shift_right_arithmetic3A_104 = arith.shrsi %get3A_101, %shift_right_arithmetic3A_103 : vector<16xi32>
    %shift_left3A_105 = arith.constant 14 : i32
    %shift_left3A_106 = vector.broadcast %shift_left3A_105 : i32 to vector<16xi32>
    %shift_left3A_107 = arith.shli %shift_right_arithmetic3A_104, %shift_left3A_106 : vector<16xi32>
    %and3A_108 = arith.constant 16383 : i32
    %and3A_109 = vector.broadcast %and3A_108 : i32 to vector<16xi32>
    %and3A_110 = arith.andi %get3A_101, %and3A_109 : vector<16xi32>
    %or3A_111 = arith.ori %shift_left3A_107, %and3A_110 : vector<16xi32>
    %swap3A_112 = arith.constant 96 : index
    %swap3A_113 = tpu.vector_load %arg5[%swap3A_112] {strides = array<i32>} : memref<512xi32, #tpu.memory_space<vmem>>, vector<16xi32>,
    %swap3A_114 = vector.shape_cast %swap3A_113 : vector<16xi32> to vector<16xi32>
    %swap3A_115 = vector.shape_cast %or3A_111 : vector<16xi32> to vector<16xi32>
    tpu.vector_store %arg5[%swap3A_112], %swap3A_115 {strides = array<i32>} : memref<512xi32, #tpu.memory_space<vmem>>, vector<16xi32>,
    %get3A_116 = arith.constant 112 : index
    %get3A_117 = tpu.vector_load %arg5[%get3A_116] {strides = array<i32>} : memref<512xi32, #tpu.memory_space<vmem>>, vector<16xi32>,
    %get3A_118 = vector.shape_cast %get3A_117 : vector<16xi32> to vector<16xi32>
    %shift_right_arithmetic3A_119 = arith.constant 16 : i32
    %shift_right_arithmetic3A_120 = vector.broadcast %shift_right_arithmetic3A_119 : i32 to vector<16xi32>
    %shift_right_arithmetic3A_121 = arith.shrsi %get3A_118, %shift_right_arithmetic3A_120 : vector<16xi32>
    %shift_left3A_122 = arith.constant 14 : i32
    %shift_left3A_123 = vector.broadcast %shift_left3A_122 : i32 to vector<16xi32>
    %shift_left3A_124 = arith.shli %shift_right_arithmetic3A_121, %shift_left3A_123 : vector<16xi32>
    %and3A_125 = arith.constant 16383 : i32
    %and3A_126 = vector.broadcast %and3A_125 : i32 to vector<16xi32>
    %and3A_127 = arith.andi %get3A_118, %and3A_126 : vector<16xi32>
    %or3A_128 = arith.ori %shift_left3A_124, %and3A_127 : vector<16xi32>
    %swap3A_129 = arith.constant 112 : index
    %swap3A_130 = tpu.vector_load %arg5[%swap3A_129] {strides = array<i32>} : memref<512xi32, #tpu.memory_space<vmem>>, vector<16xi32>,
    %swap3A_131 = vector.shape_cast %swap3A_130 : vector<16xi32> to vector<16xi32>
    %swap3A_132 = vector.shape_cast %or3A_128 : vector<16xi32> to vector<16xi32>
    tpu.vector_store %arg5[%swap3A_129], %swap3A_132 {strides = array<i32>} : memref<512xi32, #tpu.memory_space<vmem>>, vector<16xi32>,
    %get3A_133 = arith.constant 128 : index
    %get3A_134 = tpu.vector_load %arg5[%get3A_133] {strides = array<i32>} : memref<512xi32, #tpu.memory_space<vmem>>, vector<16xi32>,
    %get3A_135 = vector.shape_cast %get3A_134 : vector<16xi32> to vector<16xi32>
    %shift_right_arithmetic3A_136 = arith.constant 16 : i32
    %shift_right_arithmetic3A_137 = vector.broadcast %shift_right_arithmetic3A_136 : i32 to vector<16xi32>
    %shift_right_arithmetic3A_138 = arith.shrsi %get3A_135, %shift_right_arithmetic3A_137 : vector<16xi32>
    %shift_left3A_139 = arith.constant 14 : i32
    %shift_left3A_140 = vector.broadcast %shift_left3A_139 : i32 to vector<16xi32>
    %shift_left3A_141 = arith.shli %shift_right_arithmetic3A_138, %shift_left3A_140 : vector<16xi32>
    %and3A_142 = arith.constant 16383 : i32
    %and3A_143 = vector.broadcast %and3A_142 : i32 to vector<16xi32>
    %and3A_144 = arith.andi %get3A_135, %and3A_143 : vector<16xi32>
    %or3A_145 = arith.ori %shift_left3A_141, %and3A_144 : vector<16xi32>
    %swap3A_146 = arith.constant 128 : index
    %swap3A_147 = tpu.vector_load %arg5[%swap3A_146] {strides = array<i32>} : memref<512xi32, #tpu.memory_space<vmem>>, vector<16xi32>,
    %swap3A_148 = vector.shape_cast %swap3A_147 : vector<16xi32> to vector<16xi32>
    %swap3A_149 = vector.shape_cast %or3A_145 : vector<16xi32> to vector<16xi32>
    tpu.vector_store %arg5[%swap3A_146], %swap3A_149 {strides = array<i32>} : memref<512xi32, #tpu.memory_space<vmem>>, vector<16xi32>,
    %get3A_150 = arith.constant 144 : index
    %get3A_151 = tpu.vector_load %arg5[%get3A_150] {strides = array<i32>} : memref<512xi32, #tpu.memory_space<vmem>>, vector<16xi32>,
    %get3A_152 = vector.shape_cast %get3A_151 : vector<16xi32> to vector<16xi32>
    %shift_right_arithmetic3A_153 = arith.constant 16 : i32
    %shift_right_arithmetic3A_154 = vector.broadcast %shift_right_arithmetic3A_153 : i32 to vector<16xi32>
    %shift_right_arithmetic3A_155 = arith.shrsi %get3A_152, %shift_right_arithmetic3A_154 : vector<16xi32>
    %shift_left3A_156 = arith.constant 14 : i32
    %shift_left3A_157 = vector.broadcast %shift_left3A_156 : i32 to vector<16xi32>
    %shift_left3A_158 = arith.shli %shift_right_arithmetic3A_155, %shift_left3A_157 : vector<16xi32>
    %and3A_159 = arith.constant 16383 : i32
    %and3A_160 = vector.broadcast %and3A_159 : i32 to vector<16xi32>
    %and3A_161 = arith.andi %get3A_152, %and3A_160 : vector<16xi32>
    %or3A_162 = arith.ori %shift_left3A_158, %and3A_161 : vector<16xi32>
    %swap3A_163 = arith.constant 144 : index
    %swap3A_164 = tpu.vector_load %arg5[%swap3A_163] {strides = array<i32>} : memref<512xi32, #tpu.memory_space<vmem>>, vector<16xi32>,
    %swap3A_165 = vector.shape_cast %swap3A_164 : vector<16xi32> to vector<16xi32>
    %swap3A_166 = vector.shape_cast %or3A_162 : vector<16xi32> to vector<16xi32>
    tpu.vector_store %arg5[%swap3A_163], %swap3A_166 {strides = array<i32>} : memref<512xi32, #tpu.memory_space<vmem>>, vector<16xi32>,
    %get3A_167 = arith.constant 160 : index
    %get3A_168 = tpu.vector_load %arg5[%get3A_167] {strides = array<i32>} : memref<512xi32, #tpu.memory_space<vmem>>, vector<16xi32>,
    %get3A_169 = vector.shape_cast %get3A_168 : vector<16xi32> to vector<16xi32>
    %shift_right_arithmetic3A_170 = arith.constant 16 : i32
    %shift_right_arithmetic3A_171 = vector.broadcast %shift_right_arithmetic3A_170 : i32 to vector<16xi32>
    %shift_right_arithmetic3A_172 = arith.shrsi %get3A_169, %shift_right_arithmetic3A_171 : vector<16xi32>
    %shift_left3A_173 = arith.constant 14 : i32
    %shift_left3A_174 = vector.broadcast %shift_left3A_173 : i32 to vector<16xi32>
    %shift_left3A_175 = arith.shli %shift_right_arithmetic3A_172, %shift_left3A_174 : vector<16xi32>
    %and3A_176 = arith.constant 16383 : i32
    %and3A_177 = vector.broadcast %and3A_176 : i32 to vector<16xi32>
    %and3A_178 = arith.andi %get3A_169, %and3A_177 : vector<16xi32>
    %or3A_179 = arith.ori %shift_left3A_175, %and3A_178 : vector<16xi32>
    %swap3A_180 = arith.constant 160 : index
    %swap3A_181 = tpu.vector_load %arg5[%swap3A_180] {strides = array<i32>} : memref<512xi32, #tpu.memory_space<vmem>>, vector<16xi32>,
    %swap3A_182 = vector.shape_cast %swap3A_181 : vector<16xi32> to vector<16xi32>
    %swap3A_183 = vector.shape_cast %or3A_179 : vector<16xi32> to vector<16xi32>
    tpu.vector_store %arg5[%swap3A_180], %swap3A_183 {strides = array<i32>} : memref<512xi32, #tpu.memory_space<vmem>>, vector<16xi32>,
    %get3A_184 = arith.constant 176 : index
    %get3A_185 = tpu.vector_load %arg5[%get3A_184] {strides = array<i32>} : memref<512xi32, #tpu.memory_space<vmem>>, vector<16xi32>,
    %get3A_186 = vector.shape_cast %get3A_185 : vector<16xi32> to vector<16xi32>
    %shift_right_arithmetic3A_187 = arith.constant 16 : i32
    %shift_right_arithmetic3A_188 = vector.broadcast %shift_right_arithmetic3A_187 : i32 to vector<16xi32>
    %shift_right_arithmetic3A_189 = arith.shrsi %get3A_186, %shift_right_arithmetic3A_188 : vector<16xi32>
    %shift_left3A_190 = arith.constant 14 : i32
    %shift_left3A_191 = vector.broadcast %shift_left3A_190 : i32 to vector<16xi32>
    %shift_left3A_192 = arith.shli %shift_right_arithmetic3A_189, %shift_left3A_191 : vector<16xi32>
    %and3A_193 = arith.constant 16383 : i32
    %and3A_194 = vector.broadcast %and3A_193 : i32 to vector<16xi32>
    %and3A_195 = arith.andi %get3A_186, %and3A_194 : vector<16xi32>
    %or3A_196 = arith.ori %shift_left3A_192, %and3A_195 : vector<16xi32>
    %swap3A_197 = arith.constant 176 : index
    %swap3A_198 = tpu.vector_load %arg5[%swap3A_197] {strides = array<i32>} : memref<512xi32, #tpu.memory_space<vmem>>, vector<16xi32>,
    %swap3A_199 = vector.shape_cast %swap3A_198 : vector<16xi32> to vector<16xi32>
    %swap3A_200 = vector.shape_cast %or3A_196 : vector<16xi32> to vector<16xi32>
    tpu.vector_store %arg5[%swap3A_197], %swap3A_200 {strides = array<i32>} : memref<512xi32, #tpu.memory_space<vmem>>, vector<16xi32>,
    %get3A_201 = arith.constant 192 : index
    %get3A_202 = tpu.vector_load %arg5[%get3A_201] {strides = array<i32>} : memref<512xi32, #tpu.memory_space<vmem>>, vector<16xi32>,
    %get3A_203 = vector.shape_cast %get3A_202 : vector<16xi32> to vector<16xi32>
    %shift_right_arithmetic3A_204 = arith.constant 16 : i32
    %shift_right_arithmetic3A_205 = vector.broadcast %shift_right_arithmetic3A_204 : i32 to vector<16xi32>
    %shift_right_arithmetic3A_206 = arith.shrsi %get3A_203, %shift_right_arithmetic3A_205 : vector<16xi32>
    %shift_left3A_207 = arith.constant 14 : i32
    %shift_left3A_208 = vector.broadcast %shift_left3A_207 : i32 to vector<16xi32>
    %shift_left3A_209 = arith.shli %shift_right_arithmetic3A_206, %shift_left3A_208 : vector<16xi32>
    %and3A_210 = arith.constant 16383 : i32
    %and3A_211 = vector.broadcast %and3A_210 : i32 to vector<16xi32>
    %and3A_212 = arith.andi %get3A_203, %and3A_211 : vector<16xi32>
    %or3A_213 = arith.ori %shift_left3A_209, %and3A_212 : vector<16xi32>
    %swap3A_214 = arith.constant 192 : index
    %swap3A_215 = tpu.vector_load %arg5[%swap3A_214] {strides = array<i32>} : memref<512xi32, #tpu.memory_space<vmem>>, vector<16xi32>,
    %swap3A_216 = vector.shape_cast %swap3A_215 : vector<16xi32> to vector<16xi32>
    %swap3A_217 = vector.shape_cast %or3A_213 : vector<16xi32> to vector<16xi32>
    tpu.vector_store %arg5[%swap3A_214], %swap3A_217 {strides = array<i32>} : memref<512xi32, #tpu.memory_space<vmem>>, vector<16xi32>,
    %get3A_218 = arith.constant 208 : index
    %get3A_219 = tpu.vector_load %arg5[%get3A_218] {strides = array<i32>} : memref<512xi32, #tpu.memory_space<vmem>>, vector<16xi32>,
    %get3A_220 = vector.shape_cast %get3A_219 : vector<16xi32> to vector<16xi32>
    %shift_right_arithmetic3A_221 = arith.constant 16 : i32
    %shift_right_arithmetic3A_222 = vector.broadcast %shift_right_arithmetic3A_221 : i32 to vector<16xi32>
    %shift_right_arithmetic3A_223 = arith.shrsi %get3A_220, %shift_right_arithmetic3A_222 : vector<16xi32>
    %shift_left3A_224 = arith.constant 14 : i32
    %shift_left3A_225 = vector.broadcast %shift_left3A_224 : i32 to vector<16xi32>
    %shift_left3A_226 = arith.shli %shift_right_arithmetic3A_223, %shift_left3A_225 : vector<16xi32>
    %and3A_227 = arith.constant 16383 : i32
    %and3A_228 = vector.broadcast %and3A_227 : i32 to vector<16xi32>
    %and3A_229 = arith.andi %get3A_220, %and3A_228 : vector<16xi32>
    %or3A_230 = arith.ori %shift_left3A_226, %and3A_229 : vector<16xi32>
    %swap3A_231 = arith.constant 208 : index
    %swap3A_232 = tpu.vector_load %arg5[%swap3A_231] {strides = array<i32>} : memref<512xi32, #tpu.memory_space<vmem>>, vector<16xi32>,
    %swap3A_233 = vector.shape_cast %swap3A_232 : vector<16xi32> to vector<16xi32>
    %swap3A_234 = vector.shape_cast %or3A_230 : vector<16xi32> to vector<16xi32>
    tpu.vector_store %arg5[%swap3A_231], %swap3A_234 {strides = array<i32>} : memref<512xi32, #tpu.memory_space<vmem>>, vector<16xi32>,
    %get3A_235 = arith.constant 224 : index
    %get3A_236 = tpu.vector_load %arg5[%get3A_235] {strides = array<i32>} : memref<512xi32, #tpu.memory_space<vmem>>, vector<16xi32>,
    %get3A_237 = vector.shape_cast %get3A_236 : vector<16xi32> to vector<16xi32>
    %shift_right_arithmetic3A_238 = arith.constant 16 : i32
    %shift_right_arithmetic3A_239 = vector.broadcast %shift_right_arithmetic3A_238 : i32 to vector<16xi32>
    %shift_right_arithmetic3A_240 = arith.shrsi %get3A_237, %shift_right_arithmetic3A_239 : vector<16xi32>
    %shift_left3A_241 = arith.constant 14 : i32
    %shift_left3A_242 = vector.broadcast %shift_left3A_241 : i32 to vector<16xi32>
    %shift_left3A_243 = arith.shli %shift_right_arithmetic3A_240, %shift_left3A_242 : vector<16xi32>
    %and3A_244 = arith.constant 16383 : i32
    %and3A_245 = vector.broadcast %and3A_244 : i32 to vector<16xi32>
    %and3A_246 = arith.andi %get3A_237, %and3A_245 : vector<16xi32>
    %or3A_247 = arith.ori %shift_left3A_243, %and3A_246 : vector<16xi32>
    %swap3A_248 = arith.constant 224 : index
    %swap3A_249 = tpu.vector_load %arg5[%swap3A_248] {strides = array<i32>} : memref<512xi32, #tpu.memory_space<vmem>>, vector<16xi32>,
    %swap3A_250 = vector.shape_cast %swap3A_249 : vector<16xi32> to vector<16xi32>
    %swap3A_251 = vector.shape_cast %or3A_247 : vector<16xi32> to vector<16xi32>
    tpu.vector_store %arg5[%swap3A_248], %swap3A_251 {strides = array<i32>} : memref<512xi32, #tpu.memory_space<vmem>>, vector<16xi32>,
    %get3A_252 = arith.constant 240 : index
    %get3A_253 = tpu.vector_load %arg5[%get3A_252] {strides = array<i32>} : memref<512xi32, #tpu.memory_space<vmem>>, vector<16xi32>,
    %get3A_254 = vector.shape_cast %get3A_253 : vector<16xi32> to vector<16xi32>
    %shift_right_arithmetic3A_255 = arith.constant 16 : i32
    %shift_right_arithmetic3A_256 = vector.broadcast %shift_right_arithmetic3A_255 : i32 to vector<16xi32>
    %shift_right_arithmetic3A_257 = arith.shrsi %get3A_254, %shift_right_arithmetic3A_256 : vector<16xi32>
    %shift_left3A_258 = arith.constant 14 : i32
    %shift_left3A_259 = vector.broadcast %shift_left3A_258 : i32 to vector<16xi32>
    %shift_left3A_260 = arith.shli %shift_right_arithmetic3A_257, %shift_left3A_259 : vector<16xi32>
    %and3A_261 = arith.constant 16383 : i32
    %and3A_262 = vector.broadcast %and3A_261 : i32 to vector<16xi32>
    %and3A_263 = arith.andi %get3A_254, %and3A_262 : vector<16xi32>
    %or3A_264 = arith.ori %shift_left3A_260, %and3A_263 : vector<16xi32>
    %swap3A_265 = arith.constant 240 : index
    %swap3A_266 = tpu.vector_load %arg5[%swap3A_265] {strides = array<i32>} : memref<512xi32, #tpu.memory_space<vmem>>, vector<16xi32>,
    %swap3A_267 = vector.shape_cast %swap3A_266 : vector<16xi32> to vector<16xi32>
    %swap3A_268 = vector.shape_cast %or3A_264 : vector<16xi32> to vector<16xi32>
    tpu.vector_store %arg5[%swap3A_265], %swap3A_268 {strides = array<i32>} : memref<512xi32, #tpu.memory_space<vmem>>, vector<16xi32>,
    %get3A_269 = arith.constant 256 : index
    %get3A_270 = tpu.vector_load %arg5[%get3A_269] {strides = array<i32>} : memref<512xi32, #tpu.memory_space<vmem>>, vector<16xi32>,
    %get3A_271 = vector.shape_cast %get3A_270 : vector<16xi32> to vector<16xi32>
    %shift_right_arithmetic3A_272 = arith.constant 16 : i32
    %shift_right_arithmetic3A_273 = vector.broadcast %shift_right_arithmetic3A_272 : i32 to vector<16xi32>
    %shift_right_arithmetic3A_274 = arith.shrsi %get3A_271, %shift_right_arithmetic3A_273 : vector<16xi32>
    %shift_left3A_275 = arith.constant 14 : i32
    %shift_left3A_276 = vector.broadcast %shift_left3A_275 : i32 to vector<16xi32>
    %shift_left3A_277 = arith.shli %shift_right_arithmetic3A_274, %shift_left3A_276 : vector<16xi32>
    %and3A_278 = arith.constant 16383 : i32
    %and3A_279 = vector.broadcast %and3A_278 : i32 to vector<16xi32>
    %and3A_280 = arith.andi %get3A_271, %and3A_279 : vector<16xi32>
    %or3A_281 = arith.ori %shift_left3A_277, %and3A_280 : vector<16xi32>
    %swap3A_282 = arith.constant 256 : index
    %swap3A_283 = tpu.vector_load %arg5[%swap3A_282] {strides = array<i32>} : memref<512xi32, #tpu.memory_space<vmem>>, vector<16xi32>,
    %swap3A_284 = vector.shape_cast %swap3A_283 : vector<16xi32> to vector<16xi32>
    %swap3A_285 = vector.shape_cast %or3A_281 : vector<16xi32> to vector<16xi32>
    tpu.vector_store %arg5[%swap3A_282], %swap3A_285 {strides = array<i32>} : memref<512xi32, #tpu.memory_space<vmem>>, vector<16xi32>,
    %get3A_286 = arith.constant 272 : index
    %get3A_287 = tpu.vector_load %arg5[%get3A_286] {strides = array<i32>} : memref<512xi32, #tpu.memory_space<vmem>>, vector<16xi32>,
    %get3A_288 = vector.shape_cast %get3A_287 : vector<16xi32> to vector<16xi32>
    %shift_right_arithmetic3A_289 = arith.constant 16 : i32
    %shift_right_arithmetic3A_290 = vector.broadcast %shift_right_arithmetic3A_289 : i32 to vector<16xi32>
    %shift_right_arithmetic3A_291 = arith.shrsi %get3A_288, %shift_right_arithmetic3A_290 : vector<16xi32>
    %shift_left3A_292 = arith.constant 14 : i32
    %shift_left3A_293 = vector.broadcast %shift_left3A_292 : i32 to vector<16xi32>
    %shift_left3A_294 = arith.shli %shift_right_arithmetic3A_291, %shift_left3A_293 : vector<16xi32>
    %and3A_295 = arith.constant 16383 : i32
    %and3A_296 = vector.broadcast %and3A_295 : i32 to vector<16xi32>
    %and3A_297 = arith.andi %get3A_288, %and3A_296 : vector<16xi32>
    %or3A_298 = arith.ori %shift_left3A_294, %and3A_297 : vector<16xi32>
    %swap3A_299 = arith.constant 272 : index
    %swap3A_300 = tpu.vector_load %arg5[%swap3A_299] {strides = array<i32>} : memref<512xi32, #tpu.memory_space<vmem>>, vector<16xi32>,
    %swap3A_301 = vector.shape_cast %swap3A_300 : vector<16xi32> to vector<16xi32>
    %swap3A_302 = vector.shape_cast %or3A_298 : vector<16xi32> to vector<16xi32>
    tpu.vector_store %arg5[%swap3A_299], %swap3A_302 {strides = array<i32>} : memref<512xi32, #tpu.memory_space<vmem>>, vector<16xi32>,
    %get3A_303 = arith.constant 288 : index
    %get3A_304 = tpu.vector_load %arg5[%get3A_303] {strides = array<i32>} : memref<512xi32, #tpu.memory_space<vmem>>, vector<16xi32>,
    %get3A_305 = vector.shape_cast %get3A_304 : vector<16xi32> to vector<16xi32>
    %shift_right_arithmetic3A_306 = arith.constant 16 : i32
    %shift_right_arithmetic3A_307 = vector.broadcast %shift_right_arithmetic3A_306 : i32 to vector<16xi32>
    %shift_right_arithmetic3A_308 = arith.shrsi %get3A_305, %shift_right_arithmetic3A_307 : vector<16xi32>
    %shift_left3A_309 = arith.constant 14 : i32
    %shift_left3A_310 = vector.broadcast %shift_left3A_309 : i32 to vector<16xi32>
    %shift_left3A_311 = arith.shli %shift_right_arithmetic3A_308, %shift_left3A_310 : vector<16xi32>
    %and3A_312 = arith.constant 16383 : i32
    %and3A_313 = vector.broadcast %and3A_312 : i32 to vector<16xi32>
    %and3A_314 = arith.andi %get3A_305, %and3A_313 : vector<16xi32>
    %or3A_315 = arith.ori %shift_left3A_311, %and3A_314 : vector<16xi32>
    %swap3A_316 = arith.constant 288 : index
    %swap3A_317 = tpu.vector_load %arg5[%swap3A_316] {strides = array<i32>} : memref<512xi32, #tpu.memory_space<vmem>>, vector<16xi32>,
    %swap3A_318 = vector.shape_cast %swap3A_317 : vector<16xi32> to vector<16xi32>
    %swap3A_319 = vector.shape_cast %or3A_315 : vector<16xi32> to vector<16xi32>
    tpu.vector_store %arg5[%swap3A_316], %swap3A_319 {strides = array<i32>} : memref<512xi32, #tpu.memory_space<vmem>>, vector<16xi32>,
    %get3A_320 = arith.constant 304 : index
    %get3A_321 = tpu.vector_load %arg5[%get3A_320] {strides = array<i32>} : memref<512xi32, #tpu.memory_space<vmem>>, vector<16xi32>,
    %get3A_322 = vector.shape_cast %get3A_321 : vector<16xi32> to vector<16xi32>
    %shift_right_arithmetic3A_323 = arith.constant 16 : i32
    %shift_right_arithmetic3A_324 = vector.broadcast %shift_right_arithmetic3A_323 : i32 to vector<16xi32>
    %shift_right_arithmetic3A_325 = arith.shrsi %get3A_322, %shift_right_arithmetic3A_324 : vector<16xi32>
    %shift_left3A_326 = arith.constant 14 : i32
    %shift_left3A_327 = vector.broadcast %shift_left3A_326 : i32 to vector<16xi32>
    %shift_left3A_328 = arith.shli %shift_right_arithmetic3A_325, %shift_left3A_327 : vector<16xi32>
    %and3A_329 = arith.constant 16383 : i32
    %and3A_330 = vector.broadcast %and3A_329 : i32 to vector<16xi32>
    %and3A_331 = arith.andi %get3A_322, %and3A_330 : vector<16xi32>
    %or3A_332 = arith.ori %shift_left3A_328, %and3A_331 : vector<16xi32>
    %swap3A_333 = arith.constant 304 : index
    %swap3A_334 = tpu.vector_load %arg5[%swap3A_333] {strides = array<i32>} : memref<512xi32, #tpu.memory_space<vmem>>, vector<16xi32>,
    %swap3A_335 = vector.shape_cast %swap3A_334 : vector<16xi32> to vector<16xi32>
    %swap3A_336 = vector.shape_cast %or3A_332 : vector<16xi32> to vector<16xi32>
    tpu.vector_store %arg5[%swap3A_333], %swap3A_336 {strides = array<i32>} : memref<512xi32, #tpu.memory_space<vmem>>, vector<16xi32>,
    %get3A_337 = arith.constant 320 : index
    %get3A_338 = tpu.vector_load %arg5[%get3A_337] {strides = array<i32>} : memref<512xi32, #tpu.memory_space<vmem>>, vector<16xi32>,
    %get3A_339 = vector.shape_cast %get3A_338 : vector<16xi32> to vector<16xi32>
    %shift_right_arithmetic3A_340 = arith.constant 16 : i32
    %shift_right_arithmetic3A_341 = vector.broadcast %shift_right_arithmetic3A_340 : i32 to vector<16xi32>
    %shift_right_arithmetic3A_342 = arith.shrsi %get3A_339, %shift_right_arithmetic3A_341 : vector<16xi32>
    %shift_left3A_343 = arith.constant 14 : i32
    %shift_left3A_344 = vector.broadcast %shift_left3A_343 : i32 to vector<16xi32>
    %shift_left3A_345 = arith.shli %shift_right_arithmetic3A_342, %shift_left3A_344 : vector<16xi32>
    %and3A_346 = arith.constant 16383 : i32
    %and3A_347 = vector.broadcast %and3A_346 : i32 to vector<16xi32>
    %and3A_348 = arith.andi %get3A_339, %and3A_347 : vector<16xi32>
    %or3A_349 = arith.ori %shift_left3A_345, %and3A_348 : vector<16xi32>
    %swap3A_350 = arith.constant 320 : index
    %swap3A_351 = tpu.vector_load %arg5[%swap3A_350] {strides = array<i32>} : memref<512xi32, #tpu.memory_space<vmem>>, vector<16xi32>,
    %swap3A_352 = vector.shape_cast %swap3A_351 : vector<16xi32> to vector<16xi32>
    %swap3A_353 = vector.shape_cast %or3A_349 : vector<16xi32> to vector<16xi32>
    tpu.vector_store %arg5[%swap3A_350], %swap3A_353 {strides = array<i32>} : memref<512xi32, #tpu.memory_space<vmem>>, vector<16xi32>,
    %get3A_354 = arith.constant 336 : index
    %get3A_355 = tpu.vector_load %arg5[%get3A_354] {strides = array<i32>} : memref<512xi32, #tpu.memory_space<vmem>>, vector<16xi32>,
    %get3A_356 = vector.shape_cast %get3A_355 : vector<16xi32> to vector<16xi32>
    %shift_right_arithmetic3A_357 = arith.constant 16 : i32
    %shift_right_arithmetic3A_358 = vector.broadcast %shift_right_arithmetic3A_357 : i32 to vector<16xi32>
    %shift_right_arithmetic3A_359 = arith.shrsi %get3A_356, %shift_right_arithmetic3A_358 : vector<16xi32>
    %shift_left3A_360 = arith.constant 14 : i32
    %shift_left3A_361 = vector.broadcast %shift_left3A_360 : i32 to vector<16xi32>
    %shift_left3A_362 = arith.shli %shift_right_arithmetic3A_359, %shift_left3A_361 : vector<16xi32>
    %and3A_363 = arith.constant 16383 : i32
    %and3A_364 = vector.broadcast %and3A_363 : i32 to vector<16xi32>
    %and3A_365 = arith.andi %get3A_356, %and3A_364 : vector<16xi32>
    %or3A_366 = arith.ori %shift_left3A_362, %and3A_365 : vector<16xi32>
    %swap3A_367 = arith.constant 336 : index
    %swap3A_368 = tpu.vector_load %arg5[%swap3A_367] {strides = array<i32>} : memref<512xi32, #tpu.memory_space<vmem>>, vector<16xi32>,
    %swap3A_369 = vector.shape_cast %swap3A_368 : vector<16xi32> to vector<16xi32>
    %swap3A_370 = vector.shape_cast %or3A_366 : vector<16xi32> to vector<16xi32>
    tpu.vector_store %arg5[%swap3A_367], %swap3A_370 {strides = array<i32>} : memref<512xi32, #tpu.memory_space<vmem>>, vector<16xi32>,
    %get3A_371 = arith.constant 352 : index
    %get3A_372 = tpu.vector_load %arg5[%get3A_371] {strides = array<i32>} : memref<512xi32, #tpu.memory_space<vmem>>, vector<16xi32>,
    %get3A_373 = vector.shape_cast %get3A_372 : vector<16xi32> to vector<16xi32>
    %shift_right_arithmetic3A_374 = arith.constant 16 : i32
    %shift_right_arithmetic3A_375 = vector.broadcast %shift_right_arithmetic3A_374 : i32 to vector<16xi32>
    %shift_right_arithmetic3A_376 = arith.shrsi %get3A_373, %shift_right_arithmetic3A_375 : vector<16xi32>
    %shift_left3A_377 = arith.constant 14 : i32
    %shift_left3A_378 = vector.broadcast %shift_left3A_377 : i32 to vector<16xi32>
    %shift_left3A_379 = arith.shli %shift_right_arithmetic3A_376, %shift_left3A_378 : vector<16xi32>
    %and3A_380 = arith.constant 16383 : i32
    %and3A_381 = vector.broadcast %and3A_380 : i32 to vector<16xi32>
    %and3A_382 = arith.andi %get3A_373, %and3A_381 : vector<16xi32>
    %or3A_383 = arith.ori %shift_left3A_379, %and3A_382 : vector<16xi32>
    %swap3A_384 = arith.constant 352 : index
    %swap3A_385 = tpu.vector_load %arg5[%swap3A_384] {strides = array<i32>} : memref<512xi32, #tpu.memory_space<vmem>>, vector<16xi32>,
    %swap3A_386 = vector.shape_cast %swap3A_385 : vector<16xi32> to vector<16xi32>
    %swap3A_387 = vector.shape_cast %or3A_383 : vector<16xi32> to vector<16xi32>
    tpu.vector_store %arg5[%swap3A_384], %swap3A_387 {strides = array<i32>} : memref<512xi32, #tpu.memory_space<vmem>>, vector<16xi32>,
    %get3A_388 = arith.constant 368 : index
    %get3A_389 = tpu.vector_load %arg5[%get3A_388] {strides = array<i32>} : memref<512xi32, #tpu.memory_space<vmem>>, vector<16xi32>,
    %get3A_390 = vector.shape_cast %get3A_389 : vector<16xi32> to vector<16xi32>
    %shift_right_arithmetic3A_391 = arith.constant 16 : i32
    %shift_right_arithmetic3A_392 = vector.broadcast %shift_right_arithmetic3A_391 : i32 to vector<16xi32>
    %shift_right_arithmetic3A_393 = arith.shrsi %get3A_390, %shift_right_arithmetic3A_392 : vector<16xi32>
    %shift_left3A_394 = arith.constant 14 : i32
    %shift_left3A_395 = vector.broadcast %shift_left3A_394 : i32 to vector<16xi32>
    %shift_left3A_396 = arith.shli %shift_right_arithmetic3A_393, %shift_left3A_395 : vector<16xi32>
    %and3A_397 = arith.constant 16383 : i32
    %and3A_398 = vector.broadcast %and3A_397 : i32 to vector<16xi32>
    %and3A_399 = arith.andi %get3A_390, %and3A_398 : vector<16xi32>
    %or3A_400 = arith.ori %shift_left3A_396, %and3A_399 : vector<16xi32>
    %swap3A_401 = arith.constant 368 : index
    %swap3A_402 = tpu.vector_load %arg5[%swap3A_401] {strides = array<i32>} : memref<512xi32, #tpu.memory_space<vmem>>, vector<16xi32>,
    %swap3A_403 = vector.shape_cast %swap3A_402 : vector<16xi32> to vector<16xi32>
    %swap3A_404 = vector.shape_cast %or3A_400 : vector<16xi32> to vector<16xi32>
    tpu.vector_store %arg5[%swap3A_401], %swap3A_404 {strides = array<i32>} : memref<512xi32, #tpu.memory_space<vmem>>, vector<16xi32>,
    %get3A_405 = arith.constant 384 : index
    %get3A_406 = tpu.vector_load %arg5[%get3A_405] {strides = array<i32>} : memref<512xi32, #tpu.memory_space<vmem>>, vector<16xi32>,
    %get3A_407 = vector.shape_cast %get3A_406 : vector<16xi32> to vector<16xi32>
    %shift_right_arithmetic3A_408 = arith.constant 16 : i32
    %shift_right_arithmetic3A_409 = vector.broadcast %shift_right_arithmetic3A_408 : i32 to vector<16xi32>
    %shift_right_arithmetic3A_410 = arith.shrsi %get3A_407, %shift_right_arithmetic3A_409 : vector<16xi32>
    %shift_left3A_411 = arith.constant 14 : i32
    %shift_left3A_412 = vector.broadcast %shift_left3A_411 : i32 to vector<16xi32>
    %shift_left3A_413 = arith.shli %shift_right_arithmetic3A_410, %shift_left3A_412 : vector<16xi32>
    %and3A_414 = arith.constant 16383 : i32
    %and3A_415 = vector.broadcast %and3A_414 : i32 to vector<16xi32>
    %and3A_416 = arith.andi %get3A_407, %and3A_415 : vector<16xi32>
    %or3A_417 = arith.ori %shift_left3A_413, %and3A_416 : vector<16xi32>
    %swap3A_418 = arith.constant 384 : index
    %swap3A_419 = tpu.vector_load %arg5[%swap3A_418] {strides = array<i32>} : memref<512xi32, #tpu.memory_space<vmem>>, vector<16xi32>,
    %swap3A_420 = vector.shape_cast %swap3A_419 : vector<16xi32> to vector<16xi32>
    %swap3A_421 = vector.shape_cast %or3A_417 : vector<16xi32> to vector<16xi32>
    tpu.vector_store %arg5[%swap3A_418], %swap3A_421 {strides = array<i32>} : memref<512xi32, #tpu.memory_space<vmem>>, vector<16xi32>,
    %get3A_422 = arith.constant 400 : index
    %get3A_423 = tpu.vector_load %arg5[%get3A_422] {strides = array<i32>} : memref<512xi32, #tpu.memory_space<vmem>>, vector<16xi32>,
    %get3A_424 = vector.shape_cast %get3A_423 : vector<16xi32> to vector<16xi32>
    %shift_right_arithmetic3A_425 = arith.constant 16 : i32
    %shift_right_arithmetic3A_426 = vector.broadcast %shift_right_arithmetic3A_425 : i32 to vector<16xi32>
    %shift_right_arithmetic3A_427 = arith.shrsi %get3A_424, %shift_right_arithmetic3A_426 : vector<16xi32>
    %shift_left3A_428 = arith.constant 14 : i32
    %shift_left3A_429 = vector.broadcast %shift_left3A_428 : i32 to vector<16xi32>
    %shift_left3A_430 = arith.shli %shift_right_arithmetic3A_427, %shift_left3A_429 : vector<16xi32>
    %and3A_431 = arith.constant 16383 : i32
    %and3A_432 = vector.broadcast %and3A_431 : i32 to vector<16xi32>
    %and3A_433 = arith.andi %get3A_424, %and3A_432 : vector<16xi32>
    %or3A_434 = arith.ori %shift_left3A_430, %and3A_433 : vector<16xi32>
    %swap3A_435 = arith.constant 400 : index
    %swap3A_436 = tpu.vector_load %arg5[%swap3A_435] {strides = array<i32>} : memref<512xi32, #tpu.memory_space<vmem>>, vector<16xi32>,
    %swap3A_437 = vector.shape_cast %swap3A_436 : vector<16xi32> to vector<16xi32>
    %swap3A_438 = vector.shape_cast %or3A_434 : vector<16xi32> to vector<16xi32>
    tpu.vector_store %arg5[%swap3A_435], %swap3A_438 {strides = array<i32>} : memref<512xi32, #tpu.memory_space<vmem>>, vector<16xi32>,
    %get3A_439 = arith.constant 416 : index
    %get3A_440 = tpu.vector_load %arg5[%get3A_439] {strides = array<i32>} : memref<512xi32, #tpu.memory_space<vmem>>, vector<16xi32>,
    %get3A_441 = vector.shape_cast %get3A_440 : vector<16xi32> to vector<16xi32>
    %shift_right_arithmetic3A_442 = arith.constant 16 : i32
    %shift_right_arithmetic3A_443 = vector.broadcast %shift_right_arithmetic3A_442 : i32 to vector<16xi32>
    %shift_right_arithmetic3A_444 = arith.shrsi %get3A_441, %shift_right_arithmetic3A_443 : vector<16xi32>
    %shift_left3A_445 = arith.constant 14 : i32
    %shift_left3A_446 = vector.broadcast %shift_left3A_445 : i32 to vector<16xi32>
    %shift_left3A_447 = arith.shli %shift_right_arithmetic3A_444, %shift_left3A_446 : vector<16xi32>
    %and3A_448 = arith.constant 16383 : i32
    %and3A_449 = vector.broadcast %and3A_448 : i32 to vector<16xi32>
    %and3A_450 = arith.andi %get3A_441, %and3A_449 : vector<16xi32>
    %or3A_451 = arith.ori %shift_left3A_447, %and3A_450 : vector<16xi32>
    %swap3A_452 = arith.constant 416 : index
    %swap3A_453 = tpu.vector_load %arg5[%swap3A_452] {strides = array<i32>} : memref<512xi32, #tpu.memory_space<vmem>>, vector<16xi32>,
    %swap3A_454 = vector.shape_cast %swap3A_453 : vector<16xi32> to vector<16xi32>
    %swap3A_455 = vector.shape_cast %or3A_451 : vector<16xi32> to vector<16xi32>
    tpu.vector_store %arg5[%swap3A_452], %swap3A_455 {strides = array<i32>} : memref<512xi32, #tpu.memory_space<vmem>>, vector<16xi32>,
    %get3A_456 = arith.constant 432 : index
    %get3A_457 = tpu.vector_load %arg5[%get3A_456] {strides = array<i32>} : memref<512xi32, #tpu.memory_space<vmem>>, vector<16xi32>,
    %get3A_458 = vector.shape_cast %get3A_457 : vector<16xi32> to vector<16xi32>
    %shift_right_arithmetic3A_459 = arith.constant 16 : i32
    %shift_right_arithmetic3A_460 = vector.broadcast %shift_right_arithmetic3A_459 : i32 to vector<16xi32>
    %shift_right_arithmetic3A_461 = arith.shrsi %get3A_458, %shift_right_arithmetic3A_460 : vector<16xi32>
    %shift_left3A_462 = arith.constant 14 : i32
    %shift_left3A_463 = vector.broadcast %shift_left3A_462 : i32 to vector<16xi32>
    %shift_left3A_464 = arith.shli %shift_right_arithmetic3A_461, %shift_left3A_463 : vector<16xi32>
    %and3A_465 = arith.constant 16383 : i32
    %and3A_466 = vector.broadcast %and3A_465 : i32 to vector<16xi32>
    %and3A_467 = arith.andi %get3A_458, %and3A_466 : vector<16xi32>
    %or3A_468 = arith.ori %shift_left3A_464, %and3A_467 : vector<16xi32>
    %swap3A_469 = arith.constant 432 : index
    %swap3A_470 = tpu.vector_load %arg5[%swap3A_469] {strides = array<i32>} : memref<512xi32, #tpu.memory_space<vmem>>, vector<16xi32>,
    %swap3A_471 = vector.shape_cast %swap3A_470 : vector<16xi32> to vector<16xi32>
    %swap3A_472 = vector.shape_cast %or3A_468 : vector<16xi32> to vector<16xi32>
    tpu.vector_store %arg5[%swap3A_469], %swap3A_472 {strides = array<i32>} : memref<512xi32, #tpu.memory_space<vmem>>, vector<16xi32>,
    %get3A_473 = arith.constant 448 : index
    %get3A_474 = tpu.vector_load %arg5[%get3A_473] {strides = array<i32>} : memref<512xi32, #tpu.memory_space<vmem>>, vector<16xi32>,
    %get3A_475 = vector.shape_cast %get3A_474 : vector<16xi32> to vector<16xi32>
    %shift_right_arithmetic3A_476 = arith.constant 16 : i32
    %shift_right_arithmetic3A_477 = vector.broadcast %shift_right_arithmetic3A_476 : i32 to vector<16xi32>
    %shift_right_arithmetic3A_478 = arith.shrsi %get3A_475, %shift_right_arithmetic3A_477 : vector<16xi32>
    %shift_left3A_479 = arith.constant 14 : i32
    %shift_left3A_480 = vector.broadcast %shift_left3A_479 : i32 to vector<16xi32>
    %shift_left3A_481 = arith.shli %shift_right_arithmetic3A_478, %shift_left3A_480 : vector<16xi32>
    %and3A_482 = arith.constant 16383 : i32
    %and3A_483 = vector.broadcast %and3A_482 : i32 to vector<16xi32>
    %and3A_484 = arith.andi %get3A_475, %and3A_483 : vector<16xi32>
    %or3A_485 = arith.ori %shift_left3A_481, %and3A_484 : vector<16xi32>
    %swap3A_486 = arith.constant 448 : index
    %swap3A_487 = tpu.vector_load %arg5[%swap3A_486] {strides = array<i32>} : memref<512xi32, #tpu.memory_space<vmem>>, vector<16xi32>,
    %swap3A_488 = vector.shape_cast %swap3A_487 : vector<16xi32> to vector<16xi32>
    %swap3A_489 = vector.shape_cast %or3A_485 : vector<16xi32> to vector<16xi32>
    tpu.vector_store %arg5[%swap3A_486], %swap3A_489 {strides = array<i32>} : memref<512xi32, #tpu.memory_space<vmem>>, vector<16xi32>,
    %get3A_490 = arith.constant 464 : index
    %get3A_491 = tpu.vector_load %arg5[%get3A_490] {strides = array<i32>} : memref<512xi32, #tpu.memory_space<vmem>>, vector<16xi32>,
    %get3A_492 = vector.shape_cast %get3A_491 : vector<16xi32> to vector<16xi32>
    %shift_right_arithmetic3A_493 = arith.constant 16 : i32
    %shift_right_arithmetic3A_494 = vector.broadcast %shift_right_arithmetic3A_493 : i32 to vector<16xi32>
    %shift_right_arithmetic3A_495 = arith.shrsi %get3A_492, %shift_right_arithmetic3A_494 : vector<16xi32>
    %shift_left3A_496 = arith.constant 14 : i32
    %shift_left3A_497 = vector.broadcast %shift_left3A_496 : i32 to vector<16xi32>
    %shift_left3A_498 = arith.shli %shift_right_arithmetic3A_495, %shift_left3A_497 : vector<16xi32>
    %and3A_499 = arith.constant 16383 : i32
    %and3A_500 = vector.broadcast %and3A_499 : i32 to vector<16xi32>
    %and3A_501 = arith.andi %get3A_492, %and3A_500 : vector<16xi32>
    %or3A_502 = arith.ori %shift_left3A_498, %and3A_501 : vector<16xi32>
    %swap3A_503 = arith.constant 464 : index
    %swap3A_504 = tpu.vector_load %arg5[%swap3A_503] {strides = array<i32>} : memref<512xi32, #tpu.memory_space<vmem>>, vector<16xi32>,
    %swap3A_505 = vector.shape_cast %swap3A_504 : vector<16xi32> to vector<16xi32>
    %swap3A_506 = vector.shape_cast %or3A_502 : vector<16xi32> to vector<16xi32>
    tpu.vector_store %arg5[%swap3A_503], %swap3A_506 {strides = array<i32>} : memref<512xi32, #tpu.memory_space<vmem>>, vector<16xi32>,
    %get3A_507 = arith.constant 480 : index
    %get3A_508 = tpu.vector_load %arg5[%get3A_507] {strides = array<i32>} : memref<512xi32, #tpu.memory_space<vmem>>, vector<16xi32>,
    %get3A_509 = vector.shape_cast %get3A_508 : vector<16xi32> to vector<16xi32>
    %shift_right_arithmetic3A_510 = arith.constant 16 : i32
    %shift_right_arithmetic3A_511 = vector.broadcast %shift_right_arithmetic3A_510 : i32 to vector<16xi32>
    %shift_right_arithmetic3A_512 = arith.shrsi %get3A_509, %shift_right_arithmetic3A_511 : vector<16xi32>
    %shift_left3A_513 = arith.constant 14 : i32
    %shift_left3A_514 = vector.broadcast %shift_left3A_513 : i32 to vector<16xi32>
    %shift_left3A_515 = arith.shli %shift_right_arithmetic3A_512, %shift_left3A_514 : vector<16xi32>
    %and3A_516 = arith.constant 16383 : i32
    %and3A_517 = vector.broadcast %and3A_516 : i32 to vector<16xi32>
    %and3A_518 = arith.andi %get3A_509, %and3A_517 : vector<16xi32>
    %or3A_519 = arith.ori %shift_left3A_515, %and3A_518 : vector<16xi32>
    %swap3A_520 = arith.constant 480 : index
    %swap3A_521 = tpu.vector_load %arg5[%swap3A_520] {strides = array<i32>} : memref<512xi32, #tpu.memory_space<vmem>>, vector<16xi32>,
    %swap3A_522 = vector.shape_cast %swap3A_521 : vector<16xi32> to vector<16xi32>
    %swap3A_523 = vector.shape_cast %or3A_519 : vector<16xi32> to vector<16xi32>
    tpu.vector_store %arg5[%swap3A_520], %swap3A_523 {strides = array<i32>} : memref<512xi32, #tpu.memory_space<vmem>>, vector<16xi32>,
    %get3A_524 = arith.constant 496 : index
    %get3A_525 = tpu.vector_load %arg5[%get3A_524] {strides = array<i32>} : memref<512xi32, #tpu.memory_space<vmem>>, vector<16xi32>,
    %get3A_526 = vector.shape_cast %get3A_525 : vector<16xi32> to vector<16xi32>
    %shift_right_arithmetic3A_527 = arith.constant 16 : i32
    %shift_right_arithmetic3A_528 = vector.broadcast %shift_right_arithmetic3A_527 : i32 to vector<16xi32>
    %shift_right_arithmetic3A_529 = arith.shrsi %get3A_526, %shift_right_arithmetic3A_528 : vector<16xi32>
    %shift_left3A_530 = arith.constant 14 : i32
    %shift_left3A_531 = vector.broadcast %shift_left3A_530 : i32 to vector<16xi32>
    %shift_left3A_532 = arith.shli %shift_right_arithmetic3A_529, %shift_left3A_531 : vector<16xi32>
    %and3A_533 = arith.constant 16383 : i32
    %and3A_534 = vector.broadcast %and3A_533 : i32 to vector<16xi32>
    %and3A_535 = arith.andi %get3A_526, %and3A_534 : vector<16xi32>
    %or3A_536 = arith.ori %shift_left3A_532, %and3A_535 : vector<16xi32>
    %swap3A_537 = arith.constant 496 : index
    %swap3A_538 = tpu.vector_load %arg5[%swap3A_537] {strides = array<i32>} : memref<512xi32, #tpu.memory_space<vmem>>, vector<16xi32>,
    %swap3A_539 = vector.shape_cast %swap3A_538 : vector<16xi32> to vector<16xi32>
    %swap3A_540 = vector.shape_cast %or3A_536 : vector<16xi32> to vector<16xi32>
    tpu.vector_store %arg5[%swap3A_537], %swap3A_540 {strides = array<i32>} : memref<512xi32, #tpu.memory_space<vmem>>, vector<16xi32>,
    %dma_start3A = arith.constant 0 : i32
    %dma_start3A_541 = tpu.memref_slice %arg5[%dma_start3A] : memref<512xi32, #tpu.memory_space<vmem>> -> memref<256xi32, #tpu.memory_space<vmem>>
    %dma_start3A_542 = arith.constant 0 : i32
    %dma_start3A_543 = arith.constant 0 : i32
    %dma_start3A_544 = tpu.memref_slice %arg2[%dma_start3A_542, %dma_start3A_543] : memref<262144x128xf32, #tpu.memory_space<hbm>> -> memref<262144x128xf32, #tpu.memory_space<hbm>>
    tpu.enqueue_indirect_dma source(%dma_start3A_544 : memref<262144x128xf32, #tpu.memory_space<hbm>>) target(%arg6 : memref<256x128xf32, #tpu.memory_space<vmem>>) offsets(%dma_start3A_541 : memref<256xi32, #tpu.memory_space<vmem>>) semaphore(%arg8 : memref<!tpu.dma_semaphore, #tpu.memory_space<semaphore_mem>>)
    %dma_start3A_545 = arith.constant 256 : i32
    %dma_start3A_546 = tpu.memref_slice %arg5[%dma_start3A_545] : memref<512xi32, #tpu.memory_space<vmem>> -> memref<256xi32, #tpu.memory_space<vmem>>
    %dma_start3A_547 = arith.constant 0 : i32
    %dma_start3A_548 = arith.constant 0 : i32
    %dma_start3A_549 = tpu.memref_slice %arg2[%dma_start3A_547, %dma_start3A_548] : memref<262144x128xf32, #tpu.memory_space<hbm>> -> memref<262144x128xf32, #tpu.memory_space<hbm>>
    tpu.enqueue_indirect_dma source(%dma_start3A_549 : memref<262144x128xf32, #tpu.memory_space<hbm>>) target(%arg7 : memref<256x128xf32, #tpu.memory_space<vmem>>) offsets(%dma_start3A_546 : memref<256xi32, #tpu.memory_space<vmem>>) semaphore(%arg9 : memref<!tpu.dma_semaphore, #tpu.memory_space<semaphore_mem>>)
    %dma_wait3A = arith.constant 0 : i32
    %dma_wait3A_550 = tpu.memref_slice %arg5[%dma_wait3A] : memref<512xi32, #tpu.memory_space<vmem>> -> memref<256xi32, #tpu.memory_space<vmem>>
    %dma_wait3A_551 = arith.constant 0 : i32
    %dma_wait3A_552 = arith.constant 0 : i32
    %dma_wait3A_553 = tpu.memref_slice %arg2[%dma_wait3A_551, %dma_wait3A_552] : memref<262144x128xf32, #tpu.memory_space<hbm>> -> memref<262144x128xf32, #tpu.memory_space<hbm>>
    tpu.wait_indirect_dma semaphore(%arg8 : memref<!tpu.dma_semaphore, #tpu.memory_space<semaphore_mem>>) src(%dma_wait3A_553 : memref<262144x128xf32, #tpu.memory_space<hbm>>) dst(%arg6 : memref<256x128xf32, #tpu.memory_space<vmem>>)
    "tpu.region"() ({
      %run_scoped3A = tpu.sem_alloc : memref<!tpu.dma_semaphore, #tpu.memory_space<semaphore_mem>>
      %dma_start3A_561 = arith.constant 0 : i32
      %dma_start3A_562 = tpu.memref_slice %arg4[%mul3A_2, %dma_start3A_561] : memref<16384x128xf32, #tpu.memory_space<hbm>> -> memref<256x128xf32, #tpu.memory_space<hbm>>
      %dma_start3A_563 = arith.constant 0 : i32
      %dma_start3A_564 = tpu.memref_slice %arg4[%mul3A_2, %dma_start3A_563] : memref<16384x128xf32, #tpu.memory_space<hbm>> -> memref<256x128xf32, #tpu.memory_space<hbm>>
      tpu.enqueue_dma source(%arg6 : memref<256x128xf32, #tpu.memory_space<vmem>>) target(%dma_start3A_564 : memref<256x128xf32, #tpu.memory_space<hbm>>) target_semaphore(%run_scoped3A : memref<!tpu.dma_semaphore, #tpu.memory_space<semaphore_mem>>)
      %dma_wait3A_565 = arith.constant 0 : i32
      %dma_wait3A_566 = tpu.memref_slice %arg4[%mul3A_2, %dma_wait3A_565] : memref<16384x128xf32, #tpu.memory_space<hbm>> -> memref<256x128xf32, #tpu.memory_space<hbm>>
      %dma_wait3A_567 = arith.constant 0 : i32
      %dma_wait3A_568 = tpu.memref_slice %arg4[%mul3A_2, %dma_wait3A_567] : memref<16384x128xf32, #tpu.memory_space<hbm>> -> memref<256x128xf32, #tpu.memory_space<hbm>>
      tpu.wait_dma2 semaphore(%run_scoped3A : memref<!tpu.dma_semaphore, #tpu.memory_space<semaphore_mem>>) src(%arg6 : memref<256x128xf32, #tpu.memory_space<vmem>>) dst(%dma_wait3A_568 : memref<256x128xf32, #tpu.memory_space<hbm>>)
      tpu.yield
    }) : () -> ()
    %dma_wait3A_554 = arith.constant 256 : i32
    %dma_wait3A_555 = tpu.memref_slice %arg5[%dma_wait3A_554] : memref<512xi32, #tpu.memory_space<vmem>> -> memref<256xi32, #tpu.memory_space<vmem>>
    %dma_wait3A_556 = arith.constant 0 : i32
    %dma_wait3A_557 = arith.constant 0 : i32
    %dma_wait3A_558 = tpu.memref_slice %arg2[%dma_wait3A_556, %dma_wait3A_557] : memref<262144x128xf32, #tpu.memory_space<hbm>> -> memref<262144x128xf32, #tpu.memory_space<hbm>>
    tpu.wait_indirect_dma semaphore(%arg9 : memref<!tpu.dma_semaphore, #tpu.memory_space<semaphore_mem>>) src(%dma_wait3A_558 : memref<262144x128xf32, #tpu.memory_space<hbm>>) dst(%arg7 : memref<256x128xf32, #tpu.memory_space<vmem>>)
    %add3A_559 = arith.constant 256 : i32
    %add3A_560 = arith.addi %mul3A_2, %add3A_559 : i32
    "tpu.region"() ({
      %run_scoped3A = tpu.sem_alloc : memref<!tpu.dma_semaphore, #tpu.memory_space<semaphore_mem>>
      %dma_start3A_561 = arith.constant 0 : i32
      %dma_start3A_562 = tpu.memref_slice %arg4[%add3A_560, %dma_start3A_561] : memref<16384x128xf32, #tpu.memory_space<hbm>> -> memref<256x128xf32, #tpu.memory_space<hbm>>
      %dma_start3A_563 = arith.constant 0 : i32
      %dma_start3A_564 = tpu.memref_slice %arg4[%add3A_560, %dma_start3A_563] : memref<16384x128xf32, #tpu.memory_space<hbm>> -> memref<256x128xf32, #tpu.memory_space<hbm>>
      tpu.enqueue_dma source(%arg7 : memref<256x128xf32, #tpu.memory_space<vmem>>) target(%dma_start3A_564 : memref<256x128xf32, #tpu.memory_space<hbm>>) target_semaphore(%run_scoped3A : memref<!tpu.dma_semaphore, #tpu.memory_space<semaphore_mem>>)
      %dma_wait3A_565 = arith.constant 0 : i32
      %dma_wait3A_566 = tpu.memref_slice %arg4[%add3A_560, %dma_wait3A_565] : memref<16384x128xf32, #tpu.memory_space<hbm>> -> memref<256x128xf32, #tpu.memory_space<hbm>>
      %dma_wait3A_567 = arith.constant 0 : i32
      %dma_wait3A_568 = tpu.memref_slice %arg4[%add3A_560, %dma_wait3A_567] : memref<16384x128xf32, #tpu.memory_space<hbm>> -> memref<256x128xf32, #tpu.memory_space<hbm>>
      tpu.wait_dma2 semaphore(%run_scoped3A : memref<!tpu.dma_semaphore, #tpu.memory_space<semaphore_mem>>) src(%arg7 : memref<256x128xf32, #tpu.memory_space<vmem>>) dst(%dma_wait3A_568 : memref<256x128xf32, #tpu.memory_space<hbm>>)
      tpu.yield
    }) : () -> ()
    return
  }
}

#map = affine_map<(d0, d1) -> (0, 0)>
#map1 = affine_map<(d0, d1) -> (0)>
module attributes {stable_mosaic.version = 14 : i64} {
  func.func @k(%arg0: i32, %arg1: i32, %arg2: memref<32768x128xf32, #tpu.memory_space<hbm>>, %arg3: memref<16384xi32, #tpu.memory_space<hbm>>, %arg4: memref<16384x128xf32, #tpu.memory_space<hbm>>, %arg5: memref<512xi32, #tpu.memory_space<vmem>>, %arg6: memref<256x128xf32, #tpu.memory_space<vmem>>, %arg7: memref<256x128xf32, #tpu.memory_space<vmem>>, %arg8: memref<!tpu.dma_semaphore, #tpu.memory_space<semaphore_mem>>, %arg9: memref<!tpu.dma_semaphore, #tpu.memory_space<semaphore_mem>>) attributes {dimension_semantics = [#tpu.dimension_semantics<core_parallel>, #tpu.dimension_semantics<subcore_parallel>], iteration_bounds = array<i64: 2, 16>, scalar_prefetch = 0 : i64, scratch_operands = 5 : i64, tpu.core_type = #tpu.core_type<sc_vector_subcore>, window_params = [{transform_indices = #map}, {transform_indices = #map1}, {transform_indices = #map}]} {
    %mul3A = arith.constant 2 : i32
    %mul3A_0 = arith.muli %arg1, %mul3A : i32
    %add3A = arith.addi %mul3A_0, %arg0 : i32
    %mul3A_1 = arith.constant 512 : i32
    %mul3A_2 = arith.muli %add3A, %mul3A_1 : i32
    "tpu.region"() ({
      %run_scoped3A = tpu.sem_alloc : memref<!tpu.dma_semaphore, #tpu.memory_space<semaphore_mem>>
      %dma_start3A_561 = tpu.memref_slice %arg3[%mul3A_2] : memref<16384xi32, #tpu.memory_space<hbm>> -> memref<512xi32, #tpu.memory_space<hbm>>
      %dma_start3A_562 = tpu.memref_slice %arg3[%mul3A_2] : memref<16384xi32, #tpu.memory_space<hbm>> -> memref<512xi32, #tpu.memory_space<hbm>>
      tpu.enqueue_dma source(%dma_start3A_562 : memref<512xi32, #tpu.memory_space<hbm>>) target(%arg5 : memref<512xi32, #tpu.memory_space<vmem>>) target_semaphore(%run_scoped3A : memref<!tpu.dma_semaphore, #tpu.memory_space<semaphore_mem>>)
      %dma_wait3A_563 = tpu.memref_slice %arg3[%mul3A_2] : memref<16384xi32, #tpu.memory_space<hbm>> -> memref<512xi32, #tpu.memory_space<hbm>>
      %dma_wait3A_564 = tpu.memref_slice %arg3[%mul3A_2] : memref<16384xi32, #tpu.memory_space<hbm>> -> memref<512xi32, #tpu.memory_space<hbm>>
      tpu.wait_dma2 semaphore(%run_scoped3A : memref<!tpu.dma_semaphore, #tpu.memory_space<semaphore_mem>>) src(%dma_wait3A_564 : memref<512xi32, #tpu.memory_space<hbm>>) dst(%arg5 : memref<512xi32, #tpu.memory_space<vmem>>)
      tpu.yield
    }) : () -> ()
    %get3A = arith.constant 0 : index
    %get3A_3 = tpu.vector_load %arg5[%get3A] {strides = array<i32>} : memref<512xi32, #tpu.memory_space<vmem>>, vector<16xi32>,
    %get3A_4 = vector.shape_cast %get3A_3 : vector<16xi32> to vector<16xi32>
    %shift_right_arithmetic3A = arith.constant 16 : i32
    %shift_right_arithmetic3A_5 = vector.broadcast %shift_right_arithmetic3A : i32 to vector<16xi32>
    %shift_right_arithmetic3A_6 = arith.shrsi %get3A_4, %shift_right_arithmetic3A_5 : vector<16xi32>
    %shift_left3A = arith.constant 14 : i32
    %shift_left3A_7 = vector.broadcast %shift_left3A : i32 to vector<16xi32>
    %shift_left3A_8 = arith.shli %shift_right_arithmetic3A_6, %shift_left3A_7 : vector<16xi32>
    %and3A = arith.constant 16383 : i32
    %and3A_9 = vector.broadcast %and3A : i32 to vector<16xi32>
    %and3A_10 = arith.andi %get3A_4, %and3A_9 : vector<16xi32>
    %or3A = arith.ori %shift_left3A_8, %and3A_10 : vector<16xi32>
    %swap3A = arith.constant 0 : index
    %swap3A_11 = tpu.vector_load %arg5[%swap3A] {strides = array<i32>} : memref<512xi32, #tpu.memory_space<vmem>>, vector<16xi32>,
    %swap3A_12 = vector.shape_cast %swap3A_11 : vector<16xi32> to vector<16xi32>
    %swap3A_13 = vector.shape_cast %or3A : vector<16xi32> to vector<16xi32>
    tpu.vector_store %arg5[%swap3A], %swap3A_13 {strides = array<i32>} : memref<512xi32, #tpu.memory_space<vmem>>, vector<16xi32>,
    %get3A_14 = arith.constant 16 : index
    %get3A_15 = tpu.vector_load %arg5[%get3A_14] {strides = array<i32>} : memref<512xi32, #tpu.memory_space<vmem>>, vector<16xi32>,
    %get3A_16 = vector.shape_cast %get3A_15 : vector<16xi32> to vector<16xi32>
    %shift_right_arithmetic3A_17 = arith.constant 16 : i32
    %shift_right_arithmetic3A_18 = vector.broadcast %shift_right_arithmetic3A_17 : i32 to vector<16xi32>
    %shift_right_arithmetic3A_19 = arith.shrsi %get3A_16, %shift_right_arithmetic3A_18 : vector<16xi32>
    %shift_left3A_20 = arith.constant 14 : i32
    %shift_left3A_21 = vector.broadcast %shift_left3A_20 : i32 to vector<16xi32>
    %shift_left3A_22 = arith.shli %shift_right_arithmetic3A_19, %shift_left3A_21 : vector<16xi32>
    %and3A_23 = arith.constant 16383 : i32
    %and3A_24 = vector.broadcast %and3A_23 : i32 to vector<16xi32>
    %and3A_25 = arith.andi %get3A_16, %and3A_24 : vector<16xi32>
    %or3A_26 = arith.ori %shift_left3A_22, %and3A_25 : vector<16xi32>
    %swap3A_27 = arith.constant 16 : index
    %swap3A_28 = tpu.vector_load %arg5[%swap3A_27] {strides = array<i32>} : memref<512xi32, #tpu.memory_space<vmem>>, vector<16xi32>,
    %swap3A_29 = vector.shape_cast %swap3A_28 : vector<16xi32> to vector<16xi32>
    %swap3A_30 = vector.shape_cast %or3A_26 : vector<16xi32> to vector<16xi32>
    tpu.vector_store %arg5[%swap3A_27], %swap3A_30 {strides = array<i32>} : memref<512xi32, #tpu.memory_space<vmem>>, vector<16xi32>,
    %get3A_31 = arith.constant 32 : index
    %get3A_32 = tpu.vector_load %arg5[%get3A_31] {strides = array<i32>} : memref<512xi32, #tpu.memory_space<vmem>>, vector<16xi32>,
    %get3A_33 = vector.shape_cast %get3A_32 : vector<16xi32> to vector<16xi32>
    %shift_right_arithmetic3A_34 = arith.constant 16 : i32
    %shift_right_arithmetic3A_35 = vector.broadcast %shift_right_arithmetic3A_34 : i32 to vector<16xi32>
    %shift_right_arithmetic3A_36 = arith.shrsi %get3A_33, %shift_right_arithmetic3A_35 : vector<16xi32>
    %shift_left3A_37 = arith.constant 14 : i32
    %shift_left3A_38 = vector.broadcast %shift_left3A_37 : i32 to vector<16xi32>
    %shift_left3A_39 = arith.shli %shift_right_arithmetic3A_36, %shift_left3A_38 : vector<16xi32>
    %and3A_40 = arith.constant 16383 : i32
    %and3A_41 = vector.broadcast %and3A_40 : i32 to vector<16xi32>
    %and3A_42 = arith.andi %get3A_33, %and3A_41 : vector<16xi32>
    %or3A_43 = arith.ori %shift_left3A_39, %and3A_42 : vector<16xi32>
    %swap3A_44 = arith.constant 32 : index
    %swap3A_45 = tpu.vector_load %arg5[%swap3A_44] {strides = array<i32>} : memref<512xi32, #tpu.memory_space<vmem>>, vector<16xi32>,
    %swap3A_46 = vector.shape_cast %swap3A_45 : vector<16xi32> to vector<16xi32>
    %swap3A_47 = vector.shape_cast %or3A_43 : vector<16xi32> to vector<16xi32>
    tpu.vector_store %arg5[%swap3A_44], %swap3A_47 {strides = array<i32>} : memref<512xi32, #tpu.memory_space<vmem>>, vector<16xi32>,
    %get3A_48 = arith.constant 48 : index
    %get3A_49 = tpu.vector_load %arg5[%get3A_48] {strides = array<i32>} : memref<512xi32, #tpu.memory_space<vmem>>, vector<16xi32>,
    %get3A_50 = vector.shape_cast %get3A_49 : vector<16xi32> to vector<16xi32>
    %shift_right_arithmetic3A_51 = arith.constant 16 : i32
    %shift_right_arithmetic3A_52 = vector.broadcast %shift_right_arithmetic3A_51 : i32 to vector<16xi32>
    %shift_right_arithmetic3A_53 = arith.shrsi %get3A_50, %shift_right_arithmetic3A_52 : vector<16xi32>
    %shift_left3A_54 = arith.constant 14 : i32
    %shift_left3A_55 = vector.broadcast %shift_left3A_54 : i32 to vector<16xi32>
    %shift_left3A_56 = arith.shli %shift_right_arithmetic3A_53, %shift_left3A_55 : vector<16xi32>
    %and3A_57 = arith.constant 16383 : i32
    %and3A_58 = vector.broadcast %and3A_57 : i32 to vector<16xi32>
    %and3A_59 = arith.andi %get3A_50, %and3A_58 : vector<16xi32>
    %or3A_60 = arith.ori %shift_left3A_56, %and3A_59 : vector<16xi32>
    %swap3A_61 = arith.constant 48 : index
    %swap3A_62 = tpu.vector_load %arg5[%swap3A_61] {strides = array<i32>} : memref<512xi32, #tpu.memory_space<vmem>>, vector<16xi32>,
    %swap3A_63 = vector.shape_cast %swap3A_62 : vector<16xi32> to vector<16xi32>
    %swap3A_64 = vector.shape_cast %or3A_60 : vector<16xi32> to vector<16xi32>
    tpu.vector_store %arg5[%swap3A_61], %swap3A_64 {strides = array<i32>} : memref<512xi32, #tpu.memory_space<vmem>>, vector<16xi32>,
    %get3A_65 = arith.constant 64 : index
    %get3A_66 = tpu.vector_load %arg5[%get3A_65] {strides = array<i32>} : memref<512xi32, #tpu.memory_space<vmem>>, vector<16xi32>,
    %get3A_67 = vector.shape_cast %get3A_66 : vector<16xi32> to vector<16xi32>
    %shift_right_arithmetic3A_68 = arith.constant 16 : i32
    %shift_right_arithmetic3A_69 = vector.broadcast %shift_right_arithmetic3A_68 : i32 to vector<16xi32>
    %shift_right_arithmetic3A_70 = arith.shrsi %get3A_67, %shift_right_arithmetic3A_69 : vector<16xi32>
    %shift_left3A_71 = arith.constant 14 : i32
    %shift_left3A_72 = vector.broadcast %shift_left3A_71 : i32 to vector<16xi32>
    %shift_left3A_73 = arith.shli %shift_right_arithmetic3A_70, %shift_left3A_72 : vector<16xi32>
    %and3A_74 = arith.constant 16383 : i32
    %and3A_75 = vector.broadcast %and3A_74 : i32 to vector<16xi32>
    %and3A_76 = arith.andi %get3A_67, %and3A_75 : vector<16xi32>
    %or3A_77 = arith.ori %shift_left3A_73, %and3A_76 : vector<16xi32>
    %swap3A_78 = arith.constant 64 : index
    %swap3A_79 = tpu.vector_load %arg5[%swap3A_78] {strides = array<i32>} : memref<512xi32, #tpu.memory_space<vmem>>, vector<16xi32>,
    %swap3A_80 = vector.shape_cast %swap3A_79 : vector<16xi32> to vector<16xi32>
    %swap3A_81 = vector.shape_cast %or3A_77 : vector<16xi32> to vector<16xi32>
    tpu.vector_store %arg5[%swap3A_78], %swap3A_81 {strides = array<i32>} : memref<512xi32, #tpu.memory_space<vmem>>, vector<16xi32>,
    %get3A_82 = arith.constant 80 : index
    %get3A_83 = tpu.vector_load %arg5[%get3A_82] {strides = array<i32>} : memref<512xi32, #tpu.memory_space<vmem>>, vector<16xi32>,
    %get3A_84 = vector.shape_cast %get3A_83 : vector<16xi32> to vector<16xi32>
    %shift_right_arithmetic3A_85 = arith.constant 16 : i32
    %shift_right_arithmetic3A_86 = vector.broadcast %shift_right_arithmetic3A_85 : i32 to vector<16xi32>
    %shift_right_arithmetic3A_87 = arith.shrsi %get3A_84, %shift_right_arithmetic3A_86 : vector<16xi32>
    %shift_left3A_88 = arith.constant 14 : i32
    %shift_left3A_89 = vector.broadcast %shift_left3A_88 : i32 to vector<16xi32>
    %shift_left3A_90 = arith.shli %shift_right_arithmetic3A_87, %shift_left3A_89 : vector<16xi32>
    %and3A_91 = arith.constant 16383 : i32
    %and3A_92 = vector.broadcast %and3A_91 : i32 to vector<16xi32>
    %and3A_93 = arith.andi %get3A_84, %and3A_92 : vector<16xi32>
    %or3A_94 = arith.ori %shift_left3A_90, %and3A_93 : vector<16xi32>
    %swap3A_95 = arith.constant 80 : index
    %swap3A_96 = tpu.vector_load %arg5[%swap3A_95] {strides = array<i32>} : memref<512xi32, #tpu.memory_space<vmem>>, vector<16xi32>,
    %swap3A_97 = vector.shape_cast %swap3A_96 : vector<16xi32> to vector<16xi32>
    %swap3A_98 = vector.shape_cast %or3A_94 : vector<16xi32> to vector<16xi32>
    tpu.vector_store %arg5[%swap3A_95], %swap3A_98 {strides = array<i32>} : memref<512xi32, #tpu.memory_space<vmem>>, vector<16xi32>,
    %get3A_99 = arith.constant 96 : index
    %get3A_100 = tpu.vector_load %arg5[%get3A_99] {strides = array<i32>} : memref<512xi32, #tpu.memory_space<vmem>>, vector<16xi32>,
    %get3A_101 = vector.shape_cast %get3A_100 : vector<16xi32> to vector<16xi32>
    %shift_right_arithmetic3A_102 = arith.constant 16 : i32
    %shift_right_arithmetic3A_103 = vector.broadcast %shift_right_arithmetic3A_102 : i32 to vector<16xi32>
    %shift_right_arithmetic3A_104 = arith.shrsi %get3A_101, %shift_right_arithmetic3A_103 : vector<16xi32>
    %shift_left3A_105 = arith.constant 14 : i32
    %shift_left3A_106 = vector.broadcast %shift_left3A_105 : i32 to vector<16xi32>
    %shift_left3A_107 = arith.shli %shift_right_arithmetic3A_104, %shift_left3A_106 : vector<16xi32>
    %and3A_108 = arith.constant 16383 : i32
    %and3A_109 = vector.broadcast %and3A_108 : i32 to vector<16xi32>
    %and3A_110 = arith.andi %get3A_101, %and3A_109 : vector<16xi32>
    %or3A_111 = arith.ori %shift_left3A_107, %and3A_110 : vector<16xi32>
    %swap3A_112 = arith.constant 96 : index
    %swap3A_113 = tpu.vector_load %arg5[%swap3A_112] {strides = array<i32>} : memref<512xi32, #tpu.memory_space<vmem>>, vector<16xi32>,
    %swap3A_114 = vector.shape_cast %swap3A_113 : vector<16xi32> to vector<16xi32>
    %swap3A_115 = vector.shape_cast %or3A_111 : vector<16xi32> to vector<16xi32>
    tpu.vector_store %arg5[%swap3A_112], %swap3A_115 {strides = array<i32>} : memref<512xi32, #tpu.memory_space<vmem>>, vector<16xi32>,
    %get3A_116 = arith.constant 112 : index
    %get3A_117 = tpu.vector_load %arg5[%get3A_116] {strides = array<i32>} : memref<512xi32, #tpu.memory_space<vmem>>, vector<16xi32>,
    %get3A_118 = vector.shape_cast %get3A_117 : vector<16xi32> to vector<16xi32>
    %shift_right_arithmetic3A_119 = arith.constant 16 : i32
    %shift_right_arithmetic3A_120 = vector.broadcast %shift_right_arithmetic3A_119 : i32 to vector<16xi32>
    %shift_right_arithmetic3A_121 = arith.shrsi %get3A_118, %shift_right_arithmetic3A_120 : vector<16xi32>
    %shift_left3A_122 = arith.constant 14 : i32
    %shift_left3A_123 = vector.broadcast %shift_left3A_122 : i32 to vector<16xi32>
    %shift_left3A_124 = arith.shli %shift_right_arithmetic3A_121, %shift_left3A_123 : vector<16xi32>
    %and3A_125 = arith.constant 16383 : i32
    %and3A_126 = vector.broadcast %and3A_125 : i32 to vector<16xi32>
    %and3A_127 = arith.andi %get3A_118, %and3A_126 : vector<16xi32>
    %or3A_128 = arith.ori %shift_left3A_124, %and3A_127 : vector<16xi32>
    %swap3A_129 = arith.constant 112 : index
    %swap3A_130 = tpu.vector_load %arg5[%swap3A_129] {strides = array<i32>} : memref<512xi32, #tpu.memory_space<vmem>>, vector<16xi32>,
    %swap3A_131 = vector.shape_cast %swap3A_130 : vector<16xi32> to vector<16xi32>
    %swap3A_132 = vector.shape_cast %or3A_128 : vector<16xi32> to vector<16xi32>
    tpu.vector_store %arg5[%swap3A_129], %swap3A_132 {strides = array<i32>} : memref<512xi32, #tpu.memory_space<vmem>>, vector<16xi32>,
    %get3A_133 = arith.constant 128 : index
    %get3A_134 = tpu.vector_load %arg5[%get3A_133] {strides = array<i32>} : memref<512xi32, #tpu.memory_space<vmem>>, vector<16xi32>,
    %get3A_135 = vector.shape_cast %get3A_134 : vector<16xi32> to vector<16xi32>
    %shift_right_arithmetic3A_136 = arith.constant 16 : i32
    %shift_right_arithmetic3A_137 = vector.broadcast %shift_right_arithmetic3A_136 : i32 to vector<16xi32>
    %shift_right_arithmetic3A_138 = arith.shrsi %get3A_135, %shift_right_arithmetic3A_137 : vector<16xi32>
    %shift_left3A_139 = arith.constant 14 : i32
    %shift_left3A_140 = vector.broadcast %shift_left3A_139 : i32 to vector<16xi32>
    %shift_left3A_141 = arith.shli %shift_right_arithmetic3A_138, %shift_left3A_140 : vector<16xi32>
    %and3A_142 = arith.constant 16383 : i32
    %and3A_143 = vector.broadcast %and3A_142 : i32 to vector<16xi32>
    %and3A_144 = arith.andi %get3A_135, %and3A_143 : vector<16xi32>
    %or3A_145 = arith.ori %shift_left3A_141, %and3A_144 : vector<16xi32>
    %swap3A_146 = arith.constant 128 : index
    %swap3A_147 = tpu.vector_load %arg5[%swap3A_146] {strides = array<i32>} : memref<512xi32, #tpu.memory_space<vmem>>, vector<16xi32>,
    %swap3A_148 = vector.shape_cast %swap3A_147 : vector<16xi32> to vector<16xi32>
    %swap3A_149 = vector.shape_cast %or3A_145 : vector<16xi32> to vector<16xi32>
    tpu.vector_store %arg5[%swap3A_146], %swap3A_149 {strides = array<i32>} : memref<512xi32, #tpu.memory_space<vmem>>, vector<16xi32>,
    %get3A_150 = arith.constant 144 : index
    %get3A_151 = tpu.vector_load %arg5[%get3A_150] {strides = array<i32>} : memref<512xi32, #tpu.memory_space<vmem>>, vector<16xi32>,
    %get3A_152 = vector.shape_cast %get3A_151 : vector<16xi32> to vector<16xi32>
    %shift_right_arithmetic3A_153 = arith.constant 16 : i32
    %shift_right_arithmetic3A_154 = vector.broadcast %shift_right_arithmetic3A_153 : i32 to vector<16xi32>
    %shift_right_arithmetic3A_155 = arith.shrsi %get3A_152, %shift_right_arithmetic3A_154 : vector<16xi32>
    %shift_left3A_156 = arith.constant 14 : i32
    %shift_left3A_157 = vector.broadcast %shift_left3A_156 : i32 to vector<16xi32>
    %shift_left3A_158 = arith.shli %shift_right_arithmetic3A_155, %shift_left3A_157 : vector<16xi32>
    %and3A_159 = arith.constant 16383 : i32
    %and3A_160 = vector.broadcast %and3A_159 : i32 to vector<16xi32>
    %and3A_161 = arith.andi %get3A_152, %and3A_160 : vector<16xi32>
    %or3A_162 = arith.ori %shift_left3A_158, %and3A_161 : vector<16xi32>
    %swap3A_163 = arith.constant 144 : index
    %swap3A_164 = tpu.vector_load %arg5[%swap3A_163] {strides = array<i32>} : memref<512xi32, #tpu.memory_space<vmem>>, vector<16xi32>,
    %swap3A_165 = vector.shape_cast %swap3A_164 : vector<16xi32> to vector<16xi32>
    %swap3A_166 = vector.shape_cast %or3A_162 : vector<16xi32> to vector<16xi32>
    tpu.vector_store %arg5[%swap3A_163], %swap3A_166 {strides = array<i32>} : memref<512xi32, #tpu.memory_space<vmem>>, vector<16xi32>,
    %get3A_167 = arith.constant 160 : index
    %get3A_168 = tpu.vector_load %arg5[%get3A_167] {strides = array<i32>} : memref<512xi32, #tpu.memory_space<vmem>>, vector<16xi32>,
    %get3A_169 = vector.shape_cast %get3A_168 : vector<16xi32> to vector<16xi32>
    %shift_right_arithmetic3A_170 = arith.constant 16 : i32
    %shift_right_arithmetic3A_171 = vector.broadcast %shift_right_arithmetic3A_170 : i32 to vector<16xi32>
    %shift_right_arithmetic3A_172 = arith.shrsi %get3A_169, %shift_right_arithmetic3A_171 : vector<16xi32>
    %shift_left3A_173 = arith.constant 14 : i32
    %shift_left3A_174 = vector.broadcast %shift_left3A_173 : i32 to vector<16xi32>
    %shift_left3A_175 = arith.shli %shift_right_arithmetic3A_172, %shift_left3A_174 : vector<16xi32>
    %and3A_176 = arith.constant 16383 : i32
    %and3A_177 = vector.broadcast %and3A_176 : i32 to vector<16xi32>
    %and3A_178 = arith.andi %get3A_169, %and3A_177 : vector<16xi32>
    %or3A_179 = arith.ori %shift_left3A_175, %and3A_178 : vector<16xi32>
    %swap3A_180 = arith.constant 160 : index
    %swap3A_181 = tpu.vector_load %arg5[%swap3A_180] {strides = array<i32>} : memref<512xi32, #tpu.memory_space<vmem>>, vector<16xi32>,
    %swap3A_182 = vector.shape_cast %swap3A_181 : vector<16xi32> to vector<16xi32>
    %swap3A_183 = vector.shape_cast %or3A_179 : vector<16xi32> to vector<16xi32>
    tpu.vector_store %arg5[%swap3A_180], %swap3A_183 {strides = array<i32>} : memref<512xi32, #tpu.memory_space<vmem>>, vector<16xi32>,
    %get3A_184 = arith.constant 176 : index
    %get3A_185 = tpu.vector_load %arg5[%get3A_184] {strides = array<i32>} : memref<512xi32, #tpu.memory_space<vmem>>, vector<16xi32>,
    %get3A_186 = vector.shape_cast %get3A_185 : vector<16xi32> to vector<16xi32>
    %shift_right_arithmetic3A_187 = arith.constant 16 : i32
    %shift_right_arithmetic3A_188 = vector.broadcast %shift_right_arithmetic3A_187 : i32 to vector<16xi32>
    %shift_right_arithmetic3A_189 = arith.shrsi %get3A_186, %shift_right_arithmetic3A_188 : vector<16xi32>
    %shift_left3A_190 = arith.constant 14 : i32
    %shift_left3A_191 = vector.broadcast %shift_left3A_190 : i32 to vector<16xi32>
    %shift_left3A_192 = arith.shli %shift_right_arithmetic3A_189, %shift_left3A_191 : vector<16xi32>
    %and3A_193 = arith.constant 16383 : i32
    %and3A_194 = vector.broadcast %and3A_193 : i32 to vector<16xi32>
    %and3A_195 = arith.andi %get3A_186, %and3A_194 : vector<16xi32>
    %or3A_196 = arith.ori %shift_left3A_192, %and3A_195 : vector<16xi32>
    %swap3A_197 = arith.constant 176 : index
    %swap3A_198 = tpu.vector_load %arg5[%swap3A_197] {strides = array<i32>} : memref<512xi32, #tpu.memory_space<vmem>>, vector<16xi32>,
    %swap3A_199 = vector.shape_cast %swap3A_198 : vector<16xi32> to vector<16xi32>
    %swap3A_200 = vector.shape_cast %or3A_196 : vector<16xi32> to vector<16xi32>
    tpu.vector_store %arg5[%swap3A_197], %swap3A_200 {strides = array<i32>} : memref<512xi32, #tpu.memory_space<vmem>>, vector<16xi32>,
    %get3A_201 = arith.constant 192 : index
    %get3A_202 = tpu.vector_load %arg5[%get3A_201] {strides = array<i32>} : memref<512xi32, #tpu.memory_space<vmem>>, vector<16xi32>,
    %get3A_203 = vector.shape_cast %get3A_202 : vector<16xi32> to vector<16xi32>
    %shift_right_arithmetic3A_204 = arith.constant 16 : i32
    %shift_right_arithmetic3A_205 = vector.broadcast %shift_right_arithmetic3A_204 : i32 to vector<16xi32>
    %shift_right_arithmetic3A_206 = arith.shrsi %get3A_203, %shift_right_arithmetic3A_205 : vector<16xi32>
    %shift_left3A_207 = arith.constant 14 : i32
    %shift_left3A_208 = vector.broadcast %shift_left3A_207 : i32 to vector<16xi32>
    %shift_left3A_209 = arith.shli %shift_right_arithmetic3A_206, %shift_left3A_208 : vector<16xi32>
    %and3A_210 = arith.constant 16383 : i32
    %and3A_211 = vector.broadcast %and3A_210 : i32 to vector<16xi32>
    %and3A_212 = arith.andi %get3A_203, %and3A_211 : vector<16xi32>
    %or3A_213 = arith.ori %shift_left3A_209, %and3A_212 : vector<16xi32>
    %swap3A_214 = arith.constant 192 : index
    %swap3A_215 = tpu.vector_load %arg5[%swap3A_214] {strides = array<i32>} : memref<512xi32, #tpu.memory_space<vmem>>, vector<16xi32>,
    %swap3A_216 = vector.shape_cast %swap3A_215 : vector<16xi32> to vector<16xi32>
    %swap3A_217 = vector.shape_cast %or3A_213 : vector<16xi32> to vector<16xi32>
    tpu.vector_store %arg5[%swap3A_214], %swap3A_217 {strides = array<i32>} : memref<512xi32, #tpu.memory_space<vmem>>, vector<16xi32>,
    %get3A_218 = arith.constant 208 : index
    %get3A_219 = tpu.vector_load %arg5[%get3A_218] {strides = array<i32>} : memref<512xi32, #tpu.memory_space<vmem>>, vector<16xi32>,
    %get3A_220 = vector.shape_cast %get3A_219 : vector<16xi32> to vector<16xi32>
    %shift_right_arithmetic3A_221 = arith.constant 16 : i32
    %shift_right_arithmetic3A_222 = vector.broadcast %shift_right_arithmetic3A_221 : i32 to vector<16xi32>
    %shift_right_arithmetic3A_223 = arith.shrsi %get3A_220, %shift_right_arithmetic3A_222 : vector<16xi32>
    %shift_left3A_224 = arith.constant 14 : i32
    %shift_left3A_225 = vector.broadcast %shift_left3A_224 : i32 to vector<16xi32>
    %shift_left3A_226 = arith.shli %shift_right_arithmetic3A_223, %shift_left3A_225 : vector<16xi32>
    %and3A_227 = arith.constant 16383 : i32
    %and3A_228 = vector.broadcast %and3A_227 : i32 to vector<16xi32>
    %and3A_229 = arith.andi %get3A_220, %and3A_228 : vector<16xi32>
    %or3A_230 = arith.ori %shift_left3A_226, %and3A_229 : vector<16xi32>
    %swap3A_231 = arith.constant 208 : index
    %swap3A_232 = tpu.vector_load %arg5[%swap3A_231] {strides = array<i32>} : memref<512xi32, #tpu.memory_space<vmem>>, vector<16xi32>,
    %swap3A_233 = vector.shape_cast %swap3A_232 : vector<16xi32> to vector<16xi32>
    %swap3A_234 = vector.shape_cast %or3A_230 : vector<16xi32> to vector<16xi32>
    tpu.vector_store %arg5[%swap3A_231], %swap3A_234 {strides = array<i32>} : memref<512xi32, #tpu.memory_space<vmem>>, vector<16xi32>,
    %get3A_235 = arith.constant 224 : index
    %get3A_236 = tpu.vector_load %arg5[%get3A_235] {strides = array<i32>} : memref<512xi32, #tpu.memory_space<vmem>>, vector<16xi32>,
    %get3A_237 = vector.shape_cast %get3A_236 : vector<16xi32> to vector<16xi32>
    %shift_right_arithmetic3A_238 = arith.constant 16 : i32
    %shift_right_arithmetic3A_239 = vector.broadcast %shift_right_arithmetic3A_238 : i32 to vector<16xi32>
    %shift_right_arithmetic3A_240 = arith.shrsi %get3A_237, %shift_right_arithmetic3A_239 : vector<16xi32>
    %shift_left3A_241 = arith.constant 14 : i32
    %shift_left3A_242 = vector.broadcast %shift_left3A_241 : i32 to vector<16xi32>
    %shift_left3A_243 = arith.shli %shift_right_arithmetic3A_240, %shift_left3A_242 : vector<16xi32>
    %and3A_244 = arith.constant 16383 : i32
    %and3A_245 = vector.broadcast %and3A_244 : i32 to vector<16xi32>
    %and3A_246 = arith.andi %get3A_237, %and3A_245 : vector<16xi32>
    %or3A_247 = arith.ori %shift_left3A_243, %and3A_246 : vector<16xi32>
    %swap3A_248 = arith.constant 224 : index
    %swap3A_249 = tpu.vector_load %arg5[%swap3A_248] {strides = array<i32>} : memref<512xi32, #tpu.memory_space<vmem>>, vector<16xi32>,
    %swap3A_250 = vector.shape_cast %swap3A_249 : vector<16xi32> to vector<16xi32>
    %swap3A_251 = vector.shape_cast %or3A_247 : vector<16xi32> to vector<16xi32>
    tpu.vector_store %arg5[%swap3A_248], %swap3A_251 {strides = array<i32>} : memref<512xi32, #tpu.memory_space<vmem>>, vector<16xi32>,
    %get3A_252 = arith.constant 240 : index
    %get3A_253 = tpu.vector_load %arg5[%get3A_252] {strides = array<i32>} : memref<512xi32, #tpu.memory_space<vmem>>, vector<16xi32>,
    %get3A_254 = vector.shape_cast %get3A_253 : vector<16xi32> to vector<16xi32>
    %shift_right_arithmetic3A_255 = arith.constant 16 : i32
    %shift_right_arithmetic3A_256 = vector.broadcast %shift_right_arithmetic3A_255 : i32 to vector<16xi32>
    %shift_right_arithmetic3A_257 = arith.shrsi %get3A_254, %shift_right_arithmetic3A_256 : vector<16xi32>
    %shift_left3A_258 = arith.constant 14 : i32
    %shift_left3A_259 = vector.broadcast %shift_left3A_258 : i32 to vector<16xi32>
    %shift_left3A_260 = arith.shli %shift_right_arithmetic3A_257, %shift_left3A_259 : vector<16xi32>
    %and3A_261 = arith.constant 16383 : i32
    %and3A_262 = vector.broadcast %and3A_261 : i32 to vector<16xi32>
    %and3A_263 = arith.andi %get3A_254, %and3A_262 : vector<16xi32>
    %or3A_264 = arith.ori %shift_left3A_260, %and3A_263 : vector<16xi32>
    %swap3A_265 = arith.constant 240 : index
    %swap3A_266 = tpu.vector_load %arg5[%swap3A_265] {strides = array<i32>} : memref<512xi32, #tpu.memory_space<vmem>>, vector<16xi32>,
    %swap3A_267 = vector.shape_cast %swap3A_266 : vector<16xi32> to vector<16xi32>
    %swap3A_268 = vector.shape_cast %or3A_264 : vector<16xi32> to vector<16xi32>
    tpu.vector_store %arg5[%swap3A_265], %swap3A_268 {strides = array<i32>} : memref<512xi32, #tpu.memory_space<vmem>>, vector<16xi32>,
    %get3A_269 = arith.constant 256 : index
    %get3A_270 = tpu.vector_load %arg5[%get3A_269] {strides = array<i32>} : memref<512xi32, #tpu.memory_space<vmem>>, vector<16xi32>,
    %get3A_271 = vector.shape_cast %get3A_270 : vector<16xi32> to vector<16xi32>
    %shift_right_arithmetic3A_272 = arith.constant 16 : i32
    %shift_right_arithmetic3A_273 = vector.broadcast %shift_right_arithmetic3A_272 : i32 to vector<16xi32>
    %shift_right_arithmetic3A_274 = arith.shrsi %get3A_271, %shift_right_arithmetic3A_273 : vector<16xi32>
    %shift_left3A_275 = arith.constant 14 : i32
    %shift_left3A_276 = vector.broadcast %shift_left3A_275 : i32 to vector<16xi32>
    %shift_left3A_277 = arith.shli %shift_right_arithmetic3A_274, %shift_left3A_276 : vector<16xi32>
    %and3A_278 = arith.constant 16383 : i32
    %and3A_279 = vector.broadcast %and3A_278 : i32 to vector<16xi32>
    %and3A_280 = arith.andi %get3A_271, %and3A_279 : vector<16xi32>
    %or3A_281 = arith.ori %shift_left3A_277, %and3A_280 : vector<16xi32>
    %swap3A_282 = arith.constant 256 : index
    %swap3A_283 = tpu.vector_load %arg5[%swap3A_282] {strides = array<i32>} : memref<512xi32, #tpu.memory_space<vmem>>, vector<16xi32>,
    %swap3A_284 = vector.shape_cast %swap3A_283 : vector<16xi32> to vector<16xi32>
    %swap3A_285 = vector.shape_cast %or3A_281 : vector<16xi32> to vector<16xi32>
    tpu.vector_store %arg5[%swap3A_282], %swap3A_285 {strides = array<i32>} : memref<512xi32, #tpu.memory_space<vmem>>, vector<16xi32>,
    %get3A_286 = arith.constant 272 : index
    %get3A_287 = tpu.vector_load %arg5[%get3A_286] {strides = array<i32>} : memref<512xi32, #tpu.memory_space<vmem>>, vector<16xi32>,
    %get3A_288 = vector.shape_cast %get3A_287 : vector<16xi32> to vector<16xi32>
    %shift_right_arithmetic3A_289 = arith.constant 16 : i32
    %shift_right_arithmetic3A_290 = vector.broadcast %shift_right_arithmetic3A_289 : i32 to vector<16xi32>
    %shift_right_arithmetic3A_291 = arith.shrsi %get3A_288, %shift_right_arithmetic3A_290 : vector<16xi32>
    %shift_left3A_292 = arith.constant 14 : i32
    %shift_left3A_293 = vector.broadcast %shift_left3A_292 : i32 to vector<16xi32>
    %shift_left3A_294 = arith.shli %shift_right_arithmetic3A_291, %shift_left3A_293 : vector<16xi32>
    %and3A_295 = arith.constant 16383 : i32
    %and3A_296 = vector.broadcast %and3A_295 : i32 to vector<16xi32>
    %and3A_297 = arith.andi %get3A_288, %and3A_296 : vector<16xi32>
    %or3A_298 = arith.ori %shift_left3A_294, %and3A_297 : vector<16xi32>
    %swap3A_299 = arith.constant 272 : index
    %swap3A_300 = tpu.vector_load %arg5[%swap3A_299] {strides = array<i32>} : memref<512xi32, #tpu.memory_space<vmem>>, vector<16xi32>,
    %swap3A_301 = vector.shape_cast %swap3A_300 : vector<16xi32> to vector<16xi32>
    %swap3A_302 = vector.shape_cast %or3A_298 : vector<16xi32> to vector<16xi32>
    tpu.vector_store %arg5[%swap3A_299], %swap3A_302 {strides = array<i32>} : memref<512xi32, #tpu.memory_space<vmem>>, vector<16xi32>,
    %get3A_303 = arith.constant 288 : index
    %get3A_304 = tpu.vector_load %arg5[%get3A_303] {strides = array<i32>} : memref<512xi32, #tpu.memory_space<vmem>>, vector<16xi32>,
    %get3A_305 = vector.shape_cast %get3A_304 : vector<16xi32> to vector<16xi32>
    %shift_right_arithmetic3A_306 = arith.constant 16 : i32
    %shift_right_arithmetic3A_307 = vector.broadcast %shift_right_arithmetic3A_306 : i32 to vector<16xi32>
    %shift_right_arithmetic3A_308 = arith.shrsi %get3A_305, %shift_right_arithmetic3A_307 : vector<16xi32>
    %shift_left3A_309 = arith.constant 14 : i32
    %shift_left3A_310 = vector.broadcast %shift_left3A_309 : i32 to vector<16xi32>
    %shift_left3A_311 = arith.shli %shift_right_arithmetic3A_308, %shift_left3A_310 : vector<16xi32>
    %and3A_312 = arith.constant 16383 : i32
    %and3A_313 = vector.broadcast %and3A_312 : i32 to vector<16xi32>
    %and3A_314 = arith.andi %get3A_305, %and3A_313 : vector<16xi32>
    %or3A_315 = arith.ori %shift_left3A_311, %and3A_314 : vector<16xi32>
    %swap3A_316 = arith.constant 288 : index
    %swap3A_317 = tpu.vector_load %arg5[%swap3A_316] {strides = array<i32>} : memref<512xi32, #tpu.memory_space<vmem>>, vector<16xi32>,
    %swap3A_318 = vector.shape_cast %swap3A_317 : vector<16xi32> to vector<16xi32>
    %swap3A_319 = vector.shape_cast %or3A_315 : vector<16xi32> to vector<16xi32>
    tpu.vector_store %arg5[%swap3A_316], %swap3A_319 {strides = array<i32>} : memref<512xi32, #tpu.memory_space<vmem>>, vector<16xi32>,
    %get3A_320 = arith.constant 304 : index
    %get3A_321 = tpu.vector_load %arg5[%get3A_320] {strides = array<i32>} : memref<512xi32, #tpu.memory_space<vmem>>, vector<16xi32>,
    %get3A_322 = vector.shape_cast %get3A_321 : vector<16xi32> to vector<16xi32>
    %shift_right_arithmetic3A_323 = arith.constant 16 : i32
    %shift_right_arithmetic3A_324 = vector.broadcast %shift_right_arithmetic3A_323 : i32 to vector<16xi32>
    %shift_right_arithmetic3A_325 = arith.shrsi %get3A_322, %shift_right_arithmetic3A_324 : vector<16xi32>
    %shift_left3A_326 = arith.constant 14 : i32
    %shift_left3A_327 = vector.broadcast %shift_left3A_326 : i32 to vector<16xi32>
    %shift_left3A_328 = arith.shli %shift_right_arithmetic3A_325, %shift_left3A_327 : vector<16xi32>
    %and3A_329 = arith.constant 16383 : i32
    %and3A_330 = vector.broadcast %and3A_329 : i32 to vector<16xi32>
    %and3A_331 = arith.andi %get3A_322, %and3A_330 : vector<16xi32>
    %or3A_332 = arith.ori %shift_left3A_328, %and3A_331 : vector<16xi32>
    %swap3A_333 = arith.constant 304 : index
    %swap3A_334 = tpu.vector_load %arg5[%swap3A_333] {strides = array<i32>} : memref<512xi32, #tpu.memory_space<vmem>>, vector<16xi32>,
    %swap3A_335 = vector.shape_cast %swap3A_334 : vector<16xi32> to vector<16xi32>
    %swap3A_336 = vector.shape_cast %or3A_332 : vector<16xi32> to vector<16xi32>
    tpu.vector_store %arg5[%swap3A_333], %swap3A_336 {strides = array<i32>} : memref<512xi32, #tpu.memory_space<vmem>>, vector<16xi32>,
    %get3A_337 = arith.constant 320 : index
    %get3A_338 = tpu.vector_load %arg5[%get3A_337] {strides = array<i32>} : memref<512xi32, #tpu.memory_space<vmem>>, vector<16xi32>,
    %get3A_339 = vector.shape_cast %get3A_338 : vector<16xi32> to vector<16xi32>
    %shift_right_arithmetic3A_340 = arith.constant 16 : i32
    %shift_right_arithmetic3A_341 = vector.broadcast %shift_right_arithmetic3A_340 : i32 to vector<16xi32>
    %shift_right_arithmetic3A_342 = arith.shrsi %get3A_339, %shift_right_arithmetic3A_341 : vector<16xi32>
    %shift_left3A_343 = arith.constant 14 : i32
    %shift_left3A_344 = vector.broadcast %shift_left3A_343 : i32 to vector<16xi32>
    %shift_left3A_345 = arith.shli %shift_right_arithmetic3A_342, %shift_left3A_344 : vector<16xi32>
    %and3A_346 = arith.constant 16383 : i32
    %and3A_347 = vector.broadcast %and3A_346 : i32 to vector<16xi32>
    %and3A_348 = arith.andi %get3A_339, %and3A_347 : vector<16xi32>
    %or3A_349 = arith.ori %shift_left3A_345, %and3A_348 : vector<16xi32>
    %swap3A_350 = arith.constant 320 : index
    %swap3A_351 = tpu.vector_load %arg5[%swap3A_350] {strides = array<i32>} : memref<512xi32, #tpu.memory_space<vmem>>, vector<16xi32>,
    %swap3A_352 = vector.shape_cast %swap3A_351 : vector<16xi32> to vector<16xi32>
    %swap3A_353 = vector.shape_cast %or3A_349 : vector<16xi32> to vector<16xi32>
    tpu.vector_store %arg5[%swap3A_350], %swap3A_353 {strides = array<i32>} : memref<512xi32, #tpu.memory_space<vmem>>, vector<16xi32>,
    %get3A_354 = arith.constant 336 : index
    %get3A_355 = tpu.vector_load %arg5[%get3A_354] {strides = array<i32>} : memref<512xi32, #tpu.memory_space<vmem>>, vector<16xi32>,
    %get3A_356 = vector.shape_cast %get3A_355 : vector<16xi32> to vector<16xi32>
    %shift_right_arithmetic3A_357 = arith.constant 16 : i32
    %shift_right_arithmetic3A_358 = vector.broadcast %shift_right_arithmetic3A_357 : i32 to vector<16xi32>
    %shift_right_arithmetic3A_359 = arith.shrsi %get3A_356, %shift_right_arithmetic3A_358 : vector<16xi32>
    %shift_left3A_360 = arith.constant 14 : i32
    %shift_left3A_361 = vector.broadcast %shift_left3A_360 : i32 to vector<16xi32>
    %shift_left3A_362 = arith.shli %shift_right_arithmetic3A_359, %shift_left3A_361 : vector<16xi32>
    %and3A_363 = arith.constant 16383 : i32
    %and3A_364 = vector.broadcast %and3A_363 : i32 to vector<16xi32>
    %and3A_365 = arith.andi %get3A_356, %and3A_364 : vector<16xi32>
    %or3A_366 = arith.ori %shift_left3A_362, %and3A_365 : vector<16xi32>
    %swap3A_367 = arith.constant 336 : index
    %swap3A_368 = tpu.vector_load %arg5[%swap3A_367] {strides = array<i32>} : memref<512xi32, #tpu.memory_space<vmem>>, vector<16xi32>,
    %swap3A_369 = vector.shape_cast %swap3A_368 : vector<16xi32> to vector<16xi32>
    %swap3A_370 = vector.shape_cast %or3A_366 : vector<16xi32> to vector<16xi32>
    tpu.vector_store %arg5[%swap3A_367], %swap3A_370 {strides = array<i32>} : memref<512xi32, #tpu.memory_space<vmem>>, vector<16xi32>,
    %get3A_371 = arith.constant 352 : index
    %get3A_372 = tpu.vector_load %arg5[%get3A_371] {strides = array<i32>} : memref<512xi32, #tpu.memory_space<vmem>>, vector<16xi32>,
    %get3A_373 = vector.shape_cast %get3A_372 : vector<16xi32> to vector<16xi32>
    %shift_right_arithmetic3A_374 = arith.constant 16 : i32
    %shift_right_arithmetic3A_375 = vector.broadcast %shift_right_arithmetic3A_374 : i32 to vector<16xi32>
    %shift_right_arithmetic3A_376 = arith.shrsi %get3A_373, %shift_right_arithmetic3A_375 : vector<16xi32>
    %shift_left3A_377 = arith.constant 14 : i32
    %shift_left3A_378 = vector.broadcast %shift_left3A_377 : i32 to vector<16xi32>
    %shift_left3A_379 = arith.shli %shift_right_arithmetic3A_376, %shift_left3A_378 : vector<16xi32>
    %and3A_380 = arith.constant 16383 : i32
    %and3A_381 = vector.broadcast %and3A_380 : i32 to vector<16xi32>
    %and3A_382 = arith.andi %get3A_373, %and3A_381 : vector<16xi32>
    %or3A_383 = arith.ori %shift_left3A_379, %and3A_382 : vector<16xi32>
    %swap3A_384 = arith.constant 352 : index
    %swap3A_385 = tpu.vector_load %arg5[%swap3A_384] {strides = array<i32>} : memref<512xi32, #tpu.memory_space<vmem>>, vector<16xi32>,
    %swap3A_386 = vector.shape_cast %swap3A_385 : vector<16xi32> to vector<16xi32>
    %swap3A_387 = vector.shape_cast %or3A_383 : vector<16xi32> to vector<16xi32>
    tpu.vector_store %arg5[%swap3A_384], %swap3A_387 {strides = array<i32>} : memref<512xi32, #tpu.memory_space<vmem>>, vector<16xi32>,
    %get3A_388 = arith.constant 368 : index
    %get3A_389 = tpu.vector_load %arg5[%get3A_388] {strides = array<i32>} : memref<512xi32, #tpu.memory_space<vmem>>, vector<16xi32>,
    %get3A_390 = vector.shape_cast %get3A_389 : vector<16xi32> to vector<16xi32>
    %shift_right_arithmetic3A_391 = arith.constant 16 : i32
    %shift_right_arithmetic3A_392 = vector.broadcast %shift_right_arithmetic3A_391 : i32 to vector<16xi32>
    %shift_right_arithmetic3A_393 = arith.shrsi %get3A_390, %shift_right_arithmetic3A_392 : vector<16xi32>
    %shift_left3A_394 = arith.constant 14 : i32
    %shift_left3A_395 = vector.broadcast %shift_left3A_394 : i32 to vector<16xi32>
    %shift_left3A_396 = arith.shli %shift_right_arithmetic3A_393, %shift_left3A_395 : vector<16xi32>
    %and3A_397 = arith.constant 16383 : i32
    %and3A_398 = vector.broadcast %and3A_397 : i32 to vector<16xi32>
    %and3A_399 = arith.andi %get3A_390, %and3A_398 : vector<16xi32>
    %or3A_400 = arith.ori %shift_left3A_396, %and3A_399 : vector<16xi32>
    %swap3A_401 = arith.constant 368 : index
    %swap3A_402 = tpu.vector_load %arg5[%swap3A_401] {strides = array<i32>} : memref<512xi32, #tpu.memory_space<vmem>>, vector<16xi32>,
    %swap3A_403 = vector.shape_cast %swap3A_402 : vector<16xi32> to vector<16xi32>
    %swap3A_404 = vector.shape_cast %or3A_400 : vector<16xi32> to vector<16xi32>
    tpu.vector_store %arg5[%swap3A_401], %swap3A_404 {strides = array<i32>} : memref<512xi32, #tpu.memory_space<vmem>>, vector<16xi32>,
    %get3A_405 = arith.constant 384 : index
    %get3A_406 = tpu.vector_load %arg5[%get3A_405] {strides = array<i32>} : memref<512xi32, #tpu.memory_space<vmem>>, vector<16xi32>,
    %get3A_407 = vector.shape_cast %get3A_406 : vector<16xi32> to vector<16xi32>
    %shift_right_arithmetic3A_408 = arith.constant 16 : i32
    %shift_right_arithmetic3A_409 = vector.broadcast %shift_right_arithmetic3A_408 : i32 to vector<16xi32>
    %shift_right_arithmetic3A_410 = arith.shrsi %get3A_407, %shift_right_arithmetic3A_409 : vector<16xi32>
    %shift_left3A_411 = arith.constant 14 : i32
    %shift_left3A_412 = vector.broadcast %shift_left3A_411 : i32 to vector<16xi32>
    %shift_left3A_413 = arith.shli %shift_right_arithmetic3A_410, %shift_left3A_412 : vector<16xi32>
    %and3A_414 = arith.constant 16383 : i32
    %and3A_415 = vector.broadcast %and3A_414 : i32 to vector<16xi32>
    %and3A_416 = arith.andi %get3A_407, %and3A_415 : vector<16xi32>
    %or3A_417 = arith.ori %shift_left3A_413, %and3A_416 : vector<16xi32>
    %swap3A_418 = arith.constant 384 : index
    %swap3A_419 = tpu.vector_load %arg5[%swap3A_418] {strides = array<i32>} : memref<512xi32, #tpu.memory_space<vmem>>, vector<16xi32>,
    %swap3A_420 = vector.shape_cast %swap3A_419 : vector<16xi32> to vector<16xi32>
    %swap3A_421 = vector.shape_cast %or3A_417 : vector<16xi32> to vector<16xi32>
    tpu.vector_store %arg5[%swap3A_418], %swap3A_421 {strides = array<i32>} : memref<512xi32, #tpu.memory_space<vmem>>, vector<16xi32>,
    %get3A_422 = arith.constant 400 : index
    %get3A_423 = tpu.vector_load %arg5[%get3A_422] {strides = array<i32>} : memref<512xi32, #tpu.memory_space<vmem>>, vector<16xi32>,
    %get3A_424 = vector.shape_cast %get3A_423 : vector<16xi32> to vector<16xi32>
    %shift_right_arithmetic3A_425 = arith.constant 16 : i32
    %shift_right_arithmetic3A_426 = vector.broadcast %shift_right_arithmetic3A_425 : i32 to vector<16xi32>
    %shift_right_arithmetic3A_427 = arith.shrsi %get3A_424, %shift_right_arithmetic3A_426 : vector<16xi32>
    %shift_left3A_428 = arith.constant 14 : i32
    %shift_left3A_429 = vector.broadcast %shift_left3A_428 : i32 to vector<16xi32>
    %shift_left3A_430 = arith.shli %shift_right_arithmetic3A_427, %shift_left3A_429 : vector<16xi32>
    %and3A_431 = arith.constant 16383 : i32
    %and3A_432 = vector.broadcast %and3A_431 : i32 to vector<16xi32>
    %and3A_433 = arith.andi %get3A_424, %and3A_432 : vector<16xi32>
    %or3A_434 = arith.ori %shift_left3A_430, %and3A_433 : vector<16xi32>
    %swap3A_435 = arith.constant 400 : index
    %swap3A_436 = tpu.vector_load %arg5[%swap3A_435] {strides = array<i32>} : memref<512xi32, #tpu.memory_space<vmem>>, vector<16xi32>,
    %swap3A_437 = vector.shape_cast %swap3A_436 : vector<16xi32> to vector<16xi32>
    %swap3A_438 = vector.shape_cast %or3A_434 : vector<16xi32> to vector<16xi32>
    tpu.vector_store %arg5[%swap3A_435], %swap3A_438 {strides = array<i32>} : memref<512xi32, #tpu.memory_space<vmem>>, vector<16xi32>,
    %get3A_439 = arith.constant 416 : index
    %get3A_440 = tpu.vector_load %arg5[%get3A_439] {strides = array<i32>} : memref<512xi32, #tpu.memory_space<vmem>>, vector<16xi32>,
    %get3A_441 = vector.shape_cast %get3A_440 : vector<16xi32> to vector<16xi32>
    %shift_right_arithmetic3A_442 = arith.constant 16 : i32
    %shift_right_arithmetic3A_443 = vector.broadcast %shift_right_arithmetic3A_442 : i32 to vector<16xi32>
    %shift_right_arithmetic3A_444 = arith.shrsi %get3A_441, %shift_right_arithmetic3A_443 : vector<16xi32>
    %shift_left3A_445 = arith.constant 14 : i32
    %shift_left3A_446 = vector.broadcast %shift_left3A_445 : i32 to vector<16xi32>
    %shift_left3A_447 = arith.shli %shift_right_arithmetic3A_444, %shift_left3A_446 : vector<16xi32>
    %and3A_448 = arith.constant 16383 : i32
    %and3A_449 = vector.broadcast %and3A_448 : i32 to vector<16xi32>
    %and3A_450 = arith.andi %get3A_441, %and3A_449 : vector<16xi32>
    %or3A_451 = arith.ori %shift_left3A_447, %and3A_450 : vector<16xi32>
    %swap3A_452 = arith.constant 416 : index
    %swap3A_453 = tpu.vector_load %arg5[%swap3A_452] {strides = array<i32>} : memref<512xi32, #tpu.memory_space<vmem>>, vector<16xi32>,
    %swap3A_454 = vector.shape_cast %swap3A_453 : vector<16xi32> to vector<16xi32>
    %swap3A_455 = vector.shape_cast %or3A_451 : vector<16xi32> to vector<16xi32>
    tpu.vector_store %arg5[%swap3A_452], %swap3A_455 {strides = array<i32>} : memref<512xi32, #tpu.memory_space<vmem>>, vector<16xi32>,
    %get3A_456 = arith.constant 432 : index
    %get3A_457 = tpu.vector_load %arg5[%get3A_456] {strides = array<i32>} : memref<512xi32, #tpu.memory_space<vmem>>, vector<16xi32>,
    %get3A_458 = vector.shape_cast %get3A_457 : vector<16xi32> to vector<16xi32>
    %shift_right_arithmetic3A_459 = arith.constant 16 : i32
    %shift_right_arithmetic3A_460 = vector.broadcast %shift_right_arithmetic3A_459 : i32 to vector<16xi32>
    %shift_right_arithmetic3A_461 = arith.shrsi %get3A_458, %shift_right_arithmetic3A_460 : vector<16xi32>
    %shift_left3A_462 = arith.constant 14 : i32
    %shift_left3A_463 = vector.broadcast %shift_left3A_462 : i32 to vector<16xi32>
    %shift_left3A_464 = arith.shli %shift_right_arithmetic3A_461, %shift_left3A_463 : vector<16xi32>
    %and3A_465 = arith.constant 16383 : i32
    %and3A_466 = vector.broadcast %and3A_465 : i32 to vector<16xi32>
    %and3A_467 = arith.andi %get3A_458, %and3A_466 : vector<16xi32>
    %or3A_468 = arith.ori %shift_left3A_464, %and3A_467 : vector<16xi32>
    %swap3A_469 = arith.constant 432 : index
    %swap3A_470 = tpu.vector_load %arg5[%swap3A_469] {strides = array<i32>} : memref<512xi32, #tpu.memory_space<vmem>>, vector<16xi32>,
    %swap3A_471 = vector.shape_cast %swap3A_470 : vector<16xi32> to vector<16xi32>
    %swap3A_472 = vector.shape_cast %or3A_468 : vector<16xi32> to vector<16xi32>
    tpu.vector_store %arg5[%swap3A_469], %swap3A_472 {strides = array<i32>} : memref<512xi32, #tpu.memory_space<vmem>>, vector<16xi32>,
    %get3A_473 = arith.constant 448 : index
    %get3A_474 = tpu.vector_load %arg5[%get3A_473] {strides = array<i32>} : memref<512xi32, #tpu.memory_space<vmem>>, vector<16xi32>,
    %get3A_475 = vector.shape_cast %get3A_474 : vector<16xi32> to vector<16xi32>
    %shift_right_arithmetic3A_476 = arith.constant 16 : i32
    %shift_right_arithmetic3A_477 = vector.broadcast %shift_right_arithmetic3A_476 : i32 to vector<16xi32>
    %shift_right_arithmetic3A_478 = arith.shrsi %get3A_475, %shift_right_arithmetic3A_477 : vector<16xi32>
    %shift_left3A_479 = arith.constant 14 : i32
    %shift_left3A_480 = vector.broadcast %shift_left3A_479 : i32 to vector<16xi32>
    %shift_left3A_481 = arith.shli %shift_right_arithmetic3A_478, %shift_left3A_480 : vector<16xi32>
    %and3A_482 = arith.constant 16383 : i32
    %and3A_483 = vector.broadcast %and3A_482 : i32 to vector<16xi32>
    %and3A_484 = arith.andi %get3A_475, %and3A_483 : vector<16xi32>
    %or3A_485 = arith.ori %shift_left3A_481, %and3A_484 : vector<16xi32>
    %swap3A_486 = arith.constant 448 : index
    %swap3A_487 = tpu.vector_load %arg5[%swap3A_486] {strides = array<i32>} : memref<512xi32, #tpu.memory_space<vmem>>, vector<16xi32>,
    %swap3A_488 = vector.shape_cast %swap3A_487 : vector<16xi32> to vector<16xi32>
    %swap3A_489 = vector.shape_cast %or3A_485 : vector<16xi32> to vector<16xi32>
    tpu.vector_store %arg5[%swap3A_486], %swap3A_489 {strides = array<i32>} : memref<512xi32, #tpu.memory_space<vmem>>, vector<16xi32>,
    %get3A_490 = arith.constant 464 : index
    %get3A_491 = tpu.vector_load %arg5[%get3A_490] {strides = array<i32>} : memref<512xi32, #tpu.memory_space<vmem>>, vector<16xi32>,
    %get3A_492 = vector.shape_cast %get3A_491 : vector<16xi32> to vector<16xi32>
    %shift_right_arithmetic3A_493 = arith.constant 16 : i32
    %shift_right_arithmetic3A_494 = vector.broadcast %shift_right_arithmetic3A_493 : i32 to vector<16xi32>
    %shift_right_arithmetic3A_495 = arith.shrsi %get3A_492, %shift_right_arithmetic3A_494 : vector<16xi32>
    %shift_left3A_496 = arith.constant 14 : i32
    %shift_left3A_497 = vector.broadcast %shift_left3A_496 : i32 to vector<16xi32>
    %shift_left3A_498 = arith.shli %shift_right_arithmetic3A_495, %shift_left3A_497 : vector<16xi32>
    %and3A_499 = arith.constant 16383 : i32
    %and3A_500 = vector.broadcast %and3A_499 : i32 to vector<16xi32>
    %and3A_501 = arith.andi %get3A_492, %and3A_500 : vector<16xi32>
    %or3A_502 = arith.ori %shift_left3A_498, %and3A_501 : vector<16xi32>
    %swap3A_503 = arith.constant 464 : index
    %swap3A_504 = tpu.vector_load %arg5[%swap3A_503] {strides = array<i32>} : memref<512xi32, #tpu.memory_space<vmem>>, vector<16xi32>,
    %swap3A_505 = vector.shape_cast %swap3A_504 : vector<16xi32> to vector<16xi32>
    %swap3A_506 = vector.shape_cast %or3A_502 : vector<16xi32> to vector<16xi32>
    tpu.vector_store %arg5[%swap3A_503], %swap3A_506 {strides = array<i32>} : memref<512xi32, #tpu.memory_space<vmem>>, vector<16xi32>,
    %get3A_507 = arith.constant 480 : index
    %get3A_508 = tpu.vector_load %arg5[%get3A_507] {strides = array<i32>} : memref<512xi32, #tpu.memory_space<vmem>>, vector<16xi32>,
    %get3A_509 = vector.shape_cast %get3A_508 : vector<16xi32> to vector<16xi32>
    %shift_right_arithmetic3A_510 = arith.constant 16 : i32
    %shift_right_arithmetic3A_511 = vector.broadcast %shift_right_arithmetic3A_510 : i32 to vector<16xi32>
    %shift_right_arithmetic3A_512 = arith.shrsi %get3A_509, %shift_right_arithmetic3A_511 : vector<16xi32>
    %shift_left3A_513 = arith.constant 14 : i32
    %shift_left3A_514 = vector.broadcast %shift_left3A_513 : i32 to vector<16xi32>
    %shift_left3A_515 = arith.shli %shift_right_arithmetic3A_512, %shift_left3A_514 : vector<16xi32>
    %and3A_516 = arith.constant 16383 : i32
    %and3A_517 = vector.broadcast %and3A_516 : i32 to vector<16xi32>
    %and3A_518 = arith.andi %get3A_509, %and3A_517 : vector<16xi32>
    %or3A_519 = arith.ori %shift_left3A_515, %and3A_518 : vector<16xi32>
    %swap3A_520 = arith.constant 480 : index
    %swap3A_521 = tpu.vector_load %arg5[%swap3A_520] {strides = array<i32>} : memref<512xi32, #tpu.memory_space<vmem>>, vector<16xi32>,
    %swap3A_522 = vector.shape_cast %swap3A_521 : vector<16xi32> to vector<16xi32>
    %swap3A_523 = vector.shape_cast %or3A_519 : vector<16xi32> to vector<16xi32>
    tpu.vector_store %arg5[%swap3A_520], %swap3A_523 {strides = array<i32>} : memref<512xi32, #tpu.memory_space<vmem>>, vector<16xi32>,
    %get3A_524 = arith.constant 496 : index
    %get3A_525 = tpu.vector_load %arg5[%get3A_524] {strides = array<i32>} : memref<512xi32, #tpu.memory_space<vmem>>, vector<16xi32>,
    %get3A_526 = vector.shape_cast %get3A_525 : vector<16xi32> to vector<16xi32>
    %shift_right_arithmetic3A_527 = arith.constant 16 : i32
    %shift_right_arithmetic3A_528 = vector.broadcast %shift_right_arithmetic3A_527 : i32 to vector<16xi32>
    %shift_right_arithmetic3A_529 = arith.shrsi %get3A_526, %shift_right_arithmetic3A_528 : vector<16xi32>
    %shift_left3A_530 = arith.constant 14 : i32
    %shift_left3A_531 = vector.broadcast %shift_left3A_530 : i32 to vector<16xi32>
    %shift_left3A_532 = arith.shli %shift_right_arithmetic3A_529, %shift_left3A_531 : vector<16xi32>
    %and3A_533 = arith.constant 16383 : i32
    %and3A_534 = vector.broadcast %and3A_533 : i32 to vector<16xi32>
    %and3A_535 = arith.andi %get3A_526, %and3A_534 : vector<16xi32>
    %or3A_536 = arith.ori %shift_left3A_532, %and3A_535 : vector<16xi32>
    %swap3A_537 = arith.constant 496 : index
    %swap3A_538 = tpu.vector_load %arg5[%swap3A_537] {strides = array<i32>} : memref<512xi32, #tpu.memory_space<vmem>>, vector<16xi32>,
    %swap3A_539 = vector.shape_cast %swap3A_538 : vector<16xi32> to vector<16xi32>
    %swap3A_540 = vector.shape_cast %or3A_536 : vector<16xi32> to vector<16xi32>
    tpu.vector_store %arg5[%swap3A_537], %swap3A_540 {strides = array<i32>} : memref<512xi32, #tpu.memory_space<vmem>>, vector<16xi32>,
    %dma_start3A = arith.constant 0 : i32
    %dma_start3A_541 = tpu.memref_slice %arg5[%dma_start3A] : memref<512xi32, #tpu.memory_space<vmem>> -> memref<256xi32, #tpu.memory_space<vmem>>
    %dma_start3A_542 = arith.constant 0 : i32
    %dma_start3A_543 = arith.constant 0 : i32
    %dma_start3A_544 = tpu.memref_slice %arg2[%dma_start3A_542, %dma_start3A_543] : memref<32768x128xf32, #tpu.memory_space<hbm>> -> memref<32768x128xf32, #tpu.memory_space<hbm>>
    tpu.enqueue_indirect_dma source(%dma_start3A_544 : memref<32768x128xf32, #tpu.memory_space<hbm>>) target(%arg6 : memref<256x128xf32, #tpu.memory_space<vmem>>) offsets(%dma_start3A_541 : memref<256xi32, #tpu.memory_space<vmem>>) semaphore(%arg8 : memref<!tpu.dma_semaphore, #tpu.memory_space<semaphore_mem>>)
    %dma_start3A_545 = arith.constant 256 : i32
    %dma_start3A_546 = tpu.memref_slice %arg5[%dma_start3A_545] : memref<512xi32, #tpu.memory_space<vmem>> -> memref<256xi32, #tpu.memory_space<vmem>>
    %dma_start3A_547 = arith.constant 0 : i32
    %dma_start3A_548 = arith.constant 0 : i32
    %dma_start3A_549 = tpu.memref_slice %arg2[%dma_start3A_547, %dma_start3A_548] : memref<32768x128xf32, #tpu.memory_space<hbm>> -> memref<32768x128xf32, #tpu.memory_space<hbm>>
    tpu.enqueue_indirect_dma source(%dma_start3A_549 : memref<32768x128xf32, #tpu.memory_space<hbm>>) target(%arg7 : memref<256x128xf32, #tpu.memory_space<vmem>>) offsets(%dma_start3A_546 : memref<256xi32, #tpu.memory_space<vmem>>) semaphore(%arg9 : memref<!tpu.dma_semaphore, #tpu.memory_space<semaphore_mem>>)
    %dma_wait3A = arith.constant 0 : i32
    %dma_wait3A_550 = tpu.memref_slice %arg5[%dma_wait3A] : memref<512xi32, #tpu.memory_space<vmem>> -> memref<256xi32, #tpu.memory_space<vmem>>
    %dma_wait3A_551 = arith.constant 0 : i32
    %dma_wait3A_552 = arith.constant 0 : i32
    %dma_wait3A_553 = tpu.memref_slice %arg2[%dma_wait3A_551, %dma_wait3A_552] : memref<32768x128xf32, #tpu.memory_space<hbm>> -> memref<32768x128xf32, #tpu.memory_space<hbm>>
    tpu.wait_indirect_dma semaphore(%arg8 : memref<!tpu.dma_semaphore, #tpu.memory_space<semaphore_mem>>) src(%dma_wait3A_553 : memref<32768x128xf32, #tpu.memory_space<hbm>>) dst(%arg6 : memref<256x128xf32, #tpu.memory_space<vmem>>)
    "tpu.region"() ({
      %run_scoped3A = tpu.sem_alloc : memref<!tpu.dma_semaphore, #tpu.memory_space<semaphore_mem>>
      %dma_start3A_561 = arith.constant 0 : i32
      %dma_start3A_562 = tpu.memref_slice %arg4[%mul3A_2, %dma_start3A_561] : memref<16384x128xf32, #tpu.memory_space<hbm>> -> memref<256x128xf32, #tpu.memory_space<hbm>>
      %dma_start3A_563 = arith.constant 0 : i32
      %dma_start3A_564 = tpu.memref_slice %arg4[%mul3A_2, %dma_start3A_563] : memref<16384x128xf32, #tpu.memory_space<hbm>> -> memref<256x128xf32, #tpu.memory_space<hbm>>
      tpu.enqueue_dma source(%arg6 : memref<256x128xf32, #tpu.memory_space<vmem>>) target(%dma_start3A_564 : memref<256x128xf32, #tpu.memory_space<hbm>>) target_semaphore(%run_scoped3A : memref<!tpu.dma_semaphore, #tpu.memory_space<semaphore_mem>>)
      %dma_wait3A_565 = arith.constant 0 : i32
      %dma_wait3A_566 = tpu.memref_slice %arg4[%mul3A_2, %dma_wait3A_565] : memref<16384x128xf32, #tpu.memory_space<hbm>> -> memref<256x128xf32, #tpu.memory_space<hbm>>
      %dma_wait3A_567 = arith.constant 0 : i32
      %dma_wait3A_568 = tpu.memref_slice %arg4[%mul3A_2, %dma_wait3A_567] : memref<16384x128xf32, #tpu.memory_space<hbm>> -> memref<256x128xf32, #tpu.memory_space<hbm>>
      tpu.wait_dma2 semaphore(%run_scoped3A : memref<!tpu.dma_semaphore, #tpu.memory_space<semaphore_mem>>) src(%arg6 : memref<256x128xf32, #tpu.memory_space<vmem>>) dst(%dma_wait3A_568 : memref<256x128xf32, #tpu.memory_space<hbm>>)
      tpu.yield
    }) : () -> ()
    %dma_wait3A_554 = arith.constant 256 : i32
    %dma_wait3A_555 = tpu.memref_slice %arg5[%dma_wait3A_554] : memref<512xi32, #tpu.memory_space<vmem>> -> memref<256xi32, #tpu.memory_space<vmem>>
    %dma_wait3A_556 = arith.constant 0 : i32
    %dma_wait3A_557 = arith.constant 0 : i32
    %dma_wait3A_558 = tpu.memref_slice %arg2[%dma_wait3A_556, %dma_wait3A_557] : memref<32768x128xf32, #tpu.memory_space<hbm>> -> memref<32768x128xf32, #tpu.memory_space<hbm>>
    tpu.wait_indirect_dma semaphore(%arg9 : memref<!tpu.dma_semaphore, #tpu.memory_space<semaphore_mem>>) src(%dma_wait3A_558 : memref<32768x128xf32, #tpu.memory_space<hbm>>) dst(%arg7 : memref<256x128xf32, #tpu.memory_space<vmem>>)
    %add3A_559 = arith.constant 256 : i32
    %add3A_560 = arith.addi %mul3A_2, %add3A_559 : i32
    "tpu.region"() ({
      %run_scoped3A = tpu.sem_alloc : memref<!tpu.dma_semaphore, #tpu.memory_space<semaphore_mem>>
      %dma_start3A_561 = arith.constant 0 : i32
      %dma_start3A_562 = tpu.memref_slice %arg4[%add3A_560, %dma_start3A_561] : memref<16384x128xf32, #tpu.memory_space<hbm>> -> memref<256x128xf32, #tpu.memory_space<hbm>>
      %dma_start3A_563 = arith.constant 0 : i32
      %dma_start3A_564 = tpu.memref_slice %arg4[%add3A_560, %dma_start3A_563] : memref<16384x128xf32, #tpu.memory_space<hbm>> -> memref<256x128xf32, #tpu.memory_space<hbm>>
      tpu.enqueue_dma source(%arg7 : memref<256x128xf32, #tpu.memory_space<vmem>>) target(%dma_start3A_564 : memref<256x128xf32, #tpu.memory_space<hbm>>) target_semaphore(%run_scoped3A : memref<!tpu.dma_semaphore, #tpu.memory_space<semaphore_mem>>)
      %dma_wait3A_565 = arith.constant 0 : i32
      %dma_wait3A_566 = tpu.memref_slice %arg4[%add3A_560, %dma_wait3A_565] : memref<16384x128xf32, #tpu.memory_space<hbm>> -> memref<256x128xf32, #tpu.memory_space<hbm>>
      %dma_wait3A_567 = arith.constant 0 : i32
      %dma_wait3A_568 = tpu.memref_slice %arg4[%add3A_560, %dma_wait3A_567] : memref<16384x128xf32, #tpu.memory_space<hbm>> -> memref<256x128xf32, #tpu.memory_space<hbm>>
      tpu.wait_dma2 semaphore(%run_scoped3A : memref<!tpu.dma_semaphore, #tpu.memory_space<semaphore_mem>>) src(%arg7 : memref<256x128xf32, #tpu.memory_space<vmem>>) dst(%dma_wait3A_568 : memref<256x128xf32, #tpu.memory_space<hbm>>)
      tpu.yield
    }) : () -> ()
    return
  }
}

module attributes {stable_mosaic.version = 14 : i64} {
  func.func @_t_body(%arg0: i32, %arg1: memref<32x65536xf32, #tpu.memory_space<vmem>>, %arg2: memref<16384x128xf32, #tpu.memory_space<vmem>>) attributes {dimension_semantics = [#tpu.dimension_semantics<arbitrary>], iteration_bounds = array<i64: 16>, scalar_prefetch = 0 : i64, scratch_operands = 0 : i64, tpu.core_type = #tpu.core_type<tc>, window_params = [{transform_indices = @transform_0, window_bounds = array<i64: 32, 65536>}, {transform_indices = @transform_1, window_bounds = array<i64: 16384, 128>}]} {
    %get3A = arith.constant 0 : index
    %get3A_0 = arith.constant 0 : index
    %get3A_1 = vector.load %arg1[%get3A, %get3A_0] : memref<32x65536xf32, #tpu.memory_space<vmem>>, vector<32x65536xf32>
    %slice3A = vector.extract_strided_slice %get3A_1 {offsets = [0, 0], sizes = [32, 16384], strides = [1, 1]} : vector<32x65536xf32> to vector<32x16384xf32>
    %slice3A_2 = vector.extract_strided_slice %get3A_1 {offsets = [0, 16384], sizes = [32, 16384], strides = [1, 1]} : vector<32x65536xf32> to vector<32x16384xf32>
    %slice3A_3 = vector.extract_strided_slice %get3A_1 {offsets = [0, 32768], sizes = [32, 16384], strides = [1, 1]} : vector<32x65536xf32> to vector<32x16384xf32>
    %slice3A_4 = vector.extract_strided_slice %get3A_1 {offsets = [0, 49152], sizes = [32, 16384], strides = [1, 1]} : vector<32x65536xf32> to vector<32x16384xf32>
    %concatenate3A = tpu.concatenate %slice3A, %slice3A_2, %slice3A_3, %slice3A_4 in 0 : vector<32x16384xf32>, vector<32x16384xf32>, vector<32x16384xf32>, vector<32x16384xf32> -> vector<128x16384xf32>
    %transpose3A = tpu.transpose %concatenate3A, [1, 0] : vector<128x16384xf32> -> vector<16384x128xf32>
    %swap3A = arith.constant 0 : index
    %swap3A_5 = arith.constant 0 : index
    %swap3A_6 = vector.load %arg2[%swap3A, %swap3A_5] : memref<16384x128xf32, #tpu.memory_space<vmem>>, vector<16384x128xf32>
    tpu.vector_store %arg2[%swap3A, %swap3A_5], %transpose3A {strides = array<i32>} : memref<16384x128xf32, #tpu.memory_space<vmem>>, vector<16384x128xf32>,
    return
  }
  func.func @transform_0(%arg0: i32) -> (i32, i32) {
    %c0_i32 = arith.constant 0 : i32
    %c0_i32_0 = arith.constant 0 : i32
    return %c0_i32, %arg0 : i32, i32
  }
  func.func @transform_1(%arg0: i32) -> (i32, i32) {
    %c0_i32 = arith.constant 0 : i32
    %c0_i32_0 = arith.constant 0 : i32
    return %arg0, %c0_i32 : i32, i32
  }
}

module attributes {stable_mosaic.version = 14 : i64} {
  func.func @_t_body(%arg0: i32, %arg1: memref<32x65536xf32, #tpu.memory_space<vmem>>, %arg2: memref<16384x128xf32, #tpu.memory_space<vmem>>) attributes {dimension_semantics = [#tpu.dimension_semantics<arbitrary>], iteration_bounds = array<i64: 2>, scalar_prefetch = 0 : i64, scratch_operands = 0 : i64, tpu.core_type = #tpu.core_type<tc>, window_params = [{transform_indices = @transform_0, window_bounds = array<i64: 32, 65536>}, {transform_indices = @transform_1, window_bounds = array<i64: 16384, 128>}]} {
    %get3A = arith.constant 0 : index
    %get3A_0 = arith.constant 0 : index
    %get3A_1 = vector.load %arg1[%get3A, %get3A_0] : memref<32x65536xf32, #tpu.memory_space<vmem>>, vector<32x65536xf32>
    %slice3A = vector.extract_strided_slice %get3A_1 {offsets = [0, 0], sizes = [32, 16384], strides = [1, 1]} : vector<32x65536xf32> to vector<32x16384xf32>
    %slice3A_2 = vector.extract_strided_slice %get3A_1 {offsets = [0, 16384], sizes = [32, 16384], strides = [1, 1]} : vector<32x65536xf32> to vector<32x16384xf32>
    %slice3A_3 = vector.extract_strided_slice %get3A_1 {offsets = [0, 32768], sizes = [32, 16384], strides = [1, 1]} : vector<32x65536xf32> to vector<32x16384xf32>
    %slice3A_4 = vector.extract_strided_slice %get3A_1 {offsets = [0, 49152], sizes = [32, 16384], strides = [1, 1]} : vector<32x65536xf32> to vector<32x16384xf32>
    %concatenate3A = tpu.concatenate %slice3A, %slice3A_2, %slice3A_3, %slice3A_4 in 0 : vector<32x16384xf32>, vector<32x16384xf32>, vector<32x16384xf32>, vector<32x16384xf32> -> vector<128x16384xf32>
    %transpose3A = tpu.transpose %concatenate3A, [1, 0] : vector<128x16384xf32> -> vector<16384x128xf32>
    %swap3A = arith.constant 0 : index
    %swap3A_5 = arith.constant 0 : index
    %swap3A_6 = vector.load %arg2[%swap3A, %swap3A_5] : memref<16384x128xf32, #tpu.memory_space<vmem>>, vector<16384x128xf32>
    tpu.vector_store %arg2[%swap3A, %swap3A_5], %transpose3A {strides = array<i32>} : memref<16384x128xf32, #tpu.memory_space<vmem>>, vector<16384x128xf32>,
    return
  }
  func.func @transform_0(%arg0: i32) -> (i32, i32) {
    %c0_i32 = arith.constant 0 : i32
    %c0_i32_0 = arith.constant 0 : i32
    return %c0_i32, %arg0 : i32, i32
  }
  func.func @transform_1(%arg0: i32) -> (i32, i32) {
    %c0_i32 = arith.constant 0 : i32
    %c0_i32_0 = arith.constant 0 : i32
    return %arg0, %c0_i32 : i32, i32
  }
}

module attributes {stable_mosaic.version = 14 : i64} {
  func.func @_mlp_body(%arg0: i32, %arg1: memref<2048x128xf32, #tpu.memory_space<vmem>>, %arg2: memref<2048x128xf32, #tpu.memory_space<vmem>>, %arg3: memref<2048xi32, #tpu.memory_space<vmem>>, %arg4: memref<2048xi32, #tpu.memory_space<vmem>>, %arg5: memref<256x128xf32, #tpu.memory_space<vmem>>, %arg6: memref<128xf32, #tpu.memory_space<vmem>>, %arg7: memref<128x64xf32, #tpu.memory_space<vmem>>, %arg8: memref<64xf32, #tpu.memory_space<vmem>>, %arg9: memref<64xf32, #tpu.memory_space<vmem>>, %arg10: memref<1xf32, #tpu.memory_space<vmem>>, %arg11: memref<2048xf32, #tpu.memory_space<vmem>>) attributes {dimension_semantics = [#tpu.dimension_semantics<arbitrary>], iteration_bounds = array<i64: 8>, scalar_prefetch = 0 : i64, scratch_operands = 0 : i64, tpu.core_type = #tpu.core_type<tc>, window_params = [{transform_indices = @transform_0, window_bounds = array<i64: 2048, 128>}, {transform_indices = @transform_1, window_bounds = array<i64: 2048, 128>}, {transform_indices = @transform_2, window_bounds = array<i64: 2048>}, {transform_indices = @transform_3, window_bounds = array<i64: 2048>}, {pipeline_mode = #tpu.pipeline_mode<synchronous>, transform_indices = @transform_4, window_bounds = array<i64: 256, 128>}, {pipeline_mode = #tpu.pipeline_mode<synchronous>, transform_indices = @transform_5, window_bounds = array<i64: 128>}, {pipeline_mode = #tpu.pipeline_mode<synchronous>, transform_indices = @transform_6, window_bounds = array<i64: 128, 64>}, {pipeline_mode = #tpu.pipeline_mode<synchronous>, transform_indices = @transform_7, window_bounds = array<i64: 64>}, {pipeline_mode = #tpu.pipeline_mode<synchronous>, transform_indices = @transform_8, window_bounds = array<i64: 64>}, {pipeline_mode = #tpu.pipeline_mode<synchronous>, transform_indices = @transform_9, window_bounds = array<i64: 1>}, {transform_indices = @transform_10, window_bounds = array<i64: 2048>}]} {
    %get3A = arith.constant 0 : index
    %get3A_0 = arith.constant 0 : index
    %get3A_1 = vector.load %arg1[%get3A, %get3A_0] : memref<2048x128xf32, #tpu.memory_space<vmem>>, vector<2048x128xf32>
    %get3A_2 = arith.constant 0 : index
    %get3A_3 = arith.constant 0 : index
    %get3A_4 = vector.load %arg2[%get3A_2, %get3A_3] : memref<2048x128xf32, #tpu.memory_space<vmem>>, vector<2048x128xf32>
    %get3A_5 = arith.constant 0 : index
    %get3A_6 = vector.load %arg3[%get3A_5] : memref<2048xi32, #tpu.memory_space<vmem>>, vector<2048xi32>
    %shift_right_arithmetic3A = arith.constant 14 : i32
    %shift_right_arithmetic3A_7 = vector.broadcast %shift_right_arithmetic3A : i32 to vector<2048xi32>
    %shift_right_arithmetic3A_8 = arith.shrsi %get3A_6, %shift_right_arithmetic3A_7 : vector<2048xi32>
    %and3A = arith.constant 3 : i32
    %and3A_9 = vector.broadcast %and3A : i32 to vector<2048xi32>
    %and3A_10 = arith.andi %shift_right_arithmetic3A_8, %and3A_9 : vector<2048xi32>
    %get3A_11 = arith.constant 0 : index
    %get3A_12 = vector.load %arg4[%get3A_11] : memref<2048xi32, #tpu.memory_space<vmem>>, vector<2048xi32>
    %shift_right_arithmetic3A_13 = arith.constant 14 : i32
    %shift_right_arithmetic3A_14 = vector.broadcast %shift_right_arithmetic3A_13 : i32 to vector<2048xi32>
    %shift_right_arithmetic3A_15 = arith.shrsi %get3A_12, %shift_right_arithmetic3A_14 : vector<2048xi32>
    %and3A_16 = arith.constant 3 : i32
    %and3A_17 = vector.broadcast %and3A_16 : i32 to vector<2048xi32>
    %and3A_18 = arith.andi %shift_right_arithmetic3A_15, %and3A_17 : vector<2048xi32>
    %iota3A = tpu.iota {dimensions = array<i32: 1>} : vector<1x128xi32>
    %shift_right_arithmetic3A_19 = arith.constant 5 : i32
    %shift_right_arithmetic3A_20 = vector.broadcast %shift_right_arithmetic3A_19 : i32 to vector<1x128xi32>
    %shift_right_arithmetic3A_21 = arith.shrsi %iota3A, %shift_right_arithmetic3A_20 : vector<1x128xi32>
    %broadcast_in_dim3A = vector.shape_cast %and3A_10 : vector<2048xi32> to vector<2048x1xi32>
    %eq3A = vector.broadcast %shift_right_arithmetic3A_21 : vector<1x128xi32> to vector<2048x128xi32>
    %eq3A_22 = vector.broadcast %broadcast_in_dim3A : vector<2048x1xi32> to vector<2048x128xi32>
    %eq3A_23 = arith.cmpi eq, %eq3A, %eq3A_22 : vector<2048x128xi32>
    %jit3A = arith.constant 0.000000e+00 : f32
    %broadcast_in_dim3A_24 = vector.broadcast %jit3A : f32 to vector<2048x128xf32>
    %select_n3A = arith.select %eq3A_23, %get3A_1, %broadcast_in_dim3A_24 : vector<2048x128xi1>, vector<2048x128xf32>
    %broadcast_in_dim3A_25 = vector.shape_cast %and3A_18 : vector<2048xi32> to vector<2048x1xi32>
    %eq3A_26 = vector.broadcast %shift_right_arithmetic3A_21 : vector<1x128xi32> to vector<2048x128xi32>
    %eq3A_27 = vector.broadcast %broadcast_in_dim3A_25 : vector<2048x1xi32> to vector<2048x128xi32>
    %eq3A_28 = arith.cmpi eq, %eq3A_26, %eq3A_27 : vector<2048x128xi32>
    %jit3A_29 = arith.constant 0.000000e+00 : f32
    %broadcast_in_dim3A_30 = vector.broadcast %jit3A_29 : f32 to vector<2048x128xf32>
    %select_n3A_31 = arith.select %eq3A_28, %get3A_4, %broadcast_in_dim3A_30 : vector<2048x128xi1>, vector<2048x128xf32>
    %concatenate3A = tpu.concatenate %select_n3A, %select_n3A_31 in 1 : vector<2048x128xf32>, vector<2048x128xf32> -> vector<2048x256xf32>
    %get3A_32 = arith.constant 0 : index
    %get3A_33 = arith.constant 0 : index
    %get3A_34 = vector.load %arg5[%get3A_32, %get3A_33] : memref<256x128xf32, #tpu.memory_space<vmem>>, vector<256x128xf32>
    %dot_general3A = arith.constant dense<0.000000e+00> : vector<2048x128xf32>
    %dot_general3A_35 = tpu.matmul %concatenate3A, %get3A_34, %dot_general3A {dimension_numbers = #tpu.dot_dimension_numbers<[1], [0], [0], [1], [0, 0, 1, 1], [], []>, transpose_lhs_hint = false} : vector<2048x256xf32>, vector<256x128xf32>, vector<2048x128xf32> -> vector<2048x128xf32>
    %get3A_36 = arith.constant 0 : index
    %get3A_37 = vector.load %arg6[%get3A_36] : memref<128xf32, #tpu.memory_space<vmem>>, vector<128xf32>
    %broadcast_in_dim3A_38 = vector.shape_cast %get3A_37 : vector<128xf32> to vector<1x128xf32>
    %add3A = vector.broadcast %broadcast_in_dim3A_38 : vector<1x128xf32> to vector<2048x128xf32>
    %add3A_39 = arith.addf %dot_general3A_35, %add3A : vector<2048x128xf32>
    %max3A = arith.constant 0.000000e+00 : f32
    %max3A_40 = vector.broadcast %max3A : f32 to vector<2048x128xf32>
    %max3A_41 = arith.maximumf %add3A_39, %max3A_40 : vector<2048x128xf32>
    %get3A_42 = arith.constant 0 : index
    %get3A_43 = arith.constant 0 : index
    %get3A_44 = vector.load %arg7[%get3A_42, %get3A_43] : memref<128x64xf32, #tpu.memory_space<vmem>>, vector<128x64xf32>
    %dot_general3A_45 = arith.constant dense<0.000000e+00> : vector<2048x64xf32>
    %dot_general3A_46 = tpu.matmul %max3A_41, %get3A_44, %dot_general3A_45 {dimension_numbers = #tpu.dot_dimension_numbers<[1], [0], [0], [1], [0, 0, 1, 1], [], []>, transpose_lhs_hint = false} : vector<2048x128xf32>, vector<128x64xf32>, vector<2048x64xf32> -> vector<2048x64xf32>
    %get3A_47 = arith.constant 0 : index
    %get3A_48 = vector.load %arg8[%get3A_47] : memref<64xf32, #tpu.memory_space<vmem>>, vector<64xf32>
    %broadcast_in_dim3A_49 = vector.shape_cast %get3A_48 : vector<64xf32> to vector<1x64xf32>
    %add3A_50 = vector.broadcast %broadcast_in_dim3A_49 : vector<1x64xf32> to vector<2048x64xf32>
    %add3A_51 = arith.addf %dot_general3A_46, %add3A_50 : vector<2048x64xf32>
    %max3A_52 = arith.constant 0.000000e+00 : f32
    %max3A_53 = vector.broadcast %max3A_52 : f32 to vector<2048x64xf32>
    %max3A_54 = arith.maximumf %add3A_51, %max3A_53 : vector<2048x64xf32>
    %get3A_55 = arith.constant 0 : index
    %get3A_56 = vector.load %arg9[%get3A_55] : memref<64xf32, #tpu.memory_space<vmem>>, vector<64xf32>
    %reshape3A = vector.shape_cast %get3A_56 : vector<64xf32> to vector<1x64xf32>
    %dot_general3A_57 = arith.constant dense<0.000000e+00> : vector<1x2048xf32>
    %dot_general3A_58 = tpu.matmul %reshape3A, %max3A_54, %dot_general3A_57 {dimension_numbers = #tpu.dot_dimension_numbers<[1], [1], [0], [0], [0, 0, 1, 0], [], []>, transpose_lhs_hint = false} : vector<1x64xf32>, vector<2048x64xf32>, vector<1x2048xf32> -> vector<1x2048xf32>
    %reshape3A_59 = vector.shape_cast %dot_general3A_58 : vector<1x2048xf32> to vector<2048xf32>
    %get3A_60 = arith.constant 0 : index
    %get3A_61 = vector.load %arg10[%get3A_60] : memref<1xf32, #tpu.memory_space<vmem>>, vector<1xf32>
    %get3A_62 = vector.extract %get3A_61[0] : f32 from vector<1xf32>
    %add3A_63 = vector.broadcast %get3A_62 : f32 to vector<2048xf32>
    %add3A_64 = arith.addf %reshape3A_59, %add3A_63 : vector<2048xf32>
    %swap3A = arith.constant 0 : index
    %swap3A_65 = vector.load %arg11[%swap3A] : memref<2048xf32, #tpu.memory_space<vmem>>, vector<2048xf32>
    tpu.vector_store %arg11[%swap3A], %add3A_64 {strides = array<i32>} : memref<2048xf32, #tpu.memory_space<vmem>>, vector<2048xf32>,
    return
  }
  func.func @transform_0(%arg0: i32) -> (i32, i32) {
    %c0_i32 = arith.constant 0 : i32
    %c0_i32_0 = arith.constant 0 : i32
    return %arg0, %c0_i32 : i32, i32
  }
  func.func @transform_1(%arg0: i32) -> (i32, i32) {
    %c0_i32 = arith.constant 0 : i32
    %c0_i32_0 = arith.constant 0 : i32
    return %arg0, %c0_i32 : i32, i32
  }
  func.func @transform_2(%arg0: i32) -> i32 {
    %c0_i32 = arith.constant 0 : i32
    return %arg0 : i32
  }
  func.func @transform_3(%arg0: i32) -> i32 {
    %c0_i32 = arith.constant 0 : i32
    return %arg0 : i32
  }
  func.func @transform_4(%arg0: i32) -> (i32, i32) {
    %c0_i32 = arith.constant 0 : i32
    %c0_i32_0 = arith.constant 0 : i32
    %c0_i32_1 = arith.constant 0 : i32
    return %c0_i32, %c0_i32_0 : i32, i32
  }
  func.func @transform_5(%arg0: i32) -> i32 {
    %c0_i32 = arith.constant 0 : i32
    %c0_i32_0 = arith.constant 0 : i32
    return %c0_i32 : i32
  }
  func.func @transform_6(%arg0: i32) -> (i32, i32) {
    %c0_i32 = arith.constant 0 : i32
    %c0_i32_0 = arith.constant 0 : i32
    %c0_i32_1 = arith.constant 0 : i32
    return %c0_i32, %c0_i32_0 : i32, i32
  }
  func.func @transform_7(%arg0: i32) -> i32 {
    %c0_i32 = arith.constant 0 : i32
    %c0_i32_0 = arith.constant 0 : i32
    return %c0_i32 : i32
  }
  func.func @transform_8(%arg0: i32) -> i32 {
    %c0_i32 = arith.constant 0 : i32
    %c0_i32_0 = arith.constant 0 : i32
    return %c0_i32 : i32
  }
  func.func @transform_9(%arg0: i32) -> i32 {
    %c0_i32 = arith.constant 0 : i32
    %c0_i32_0 = arith.constant 0 : i32
    return %c0_i32 : i32
  }
  func.func @transform_10(%arg0: i32) -> i32 {
    %c0_i32 = arith.constant 0 : i32
    return %arg0 : i32
  }
}

</mosaic_0001>

<sc_bundles>
// kernel: kernel.10.cloned.1.call-start
scs
__scs_entry_jumppad:
0x0: {  	(pc) =	sbr.rel $0x88, $3  }
0x1: {  	(tag) =	ssettag $0x0;
	lr =	simm.s32 $0x1  }
0x2: {  	[smem:$0x3F97] =	sst lr;
	_ =	strace $0xD0000000  }
0x3: {  	_ = 	snop  }
0x4: {  	_ = 	snop  }
0x5: {  	_ = 	snop  }
0x6: {  	_ = 	snop  }
0x7: {  	_ = 	snop  }
__scs_overlays_trampoline_lowered:
0x8: {  	[smem:$0x3FA6] =	sst s0  }
0x9: {  	[smem:$0x3FA7] =	sst s1  }
0xa: {  	[smem:$0x3FA8] =	sst s2  }
0xb: {  	[smem:$0x3FA9] =	sst s3  }
0xc: {  	[smem:$0x3FAA] =	sst s4  }
0xd: {  	[smem:$0x3FAB] =	sst s5  }
0xe: {  	[smem:$0x3FAC] =	sst s6  }
0xf: {  	[smem:$0x3FAD] =	sst s7  }
0x10: {  	[smem:$0x3FAE] =	sst s8  }
0x11: {  	[smem:$0x3FAF] =	sst s9;
	s0 =	simm.s32 @!p0 $0x0  }
0x12: {  	s1 =	sld [smem:$0x3F95];
	s0 =	simm.s32 @p0 $0x1  }
0x13: {  	[smem:$0x3FB0] =	sst s0;
	s0 =	simm.s32 @!p1 $0x0  }
0x14: {  	s2 =	sld [smem:$0x3F94];
	s0 =	simm.s32 @p1 $0x1  }
0x15: {  	[smem:$0x3FB1] =	sst s0;
	s0 =	simm.s32 @!p2 $0x0  }
0x16: {  	s3 =	sld [smem:$0x3FDB];
	s0 =	simm.s32 @p2 $0x1  }
0x17: {  	s4 =	simm.s32 $0x1BF5;
	[smem:$0x3FB3] =	sst s0  }
0x18: {  	s0 =	sld [smem:$0x3F96];
	_ =	swait.ge [sflag:s4], $0x0  }
0x19: {  	s7 =	sld [smem:$0x3F97]  }
0x1a: {  	s8 =	sadd.s32 $0xFFFFE003, lr  }
0x1b: {  	s9 =	sadd.s32 $0xFFFFFEF7, lr;
	s5 =	simm.s32 $0xFFFFFFFF;
	p2 =	slt.u32 s8, $0xFFFFF086  }
0x1c: {  	p1 =	slt.u32 s9, $0xF7A;
	s5 =	simm.s32 @!p2 $0x0  }
0x1d: {  	s5 =	simm.s32 @p1 $0x1;
	p0 =	seq.s32 s7, s2  }
0x1e: {  	s7 =	smul.u32 @!p0 $0xF7A, s2;
	p2 =	seq.s32 @!p0 s5, $0x0  }
0x1f: {  	s9 =	smul.u32 $0xF7A, s1;
	s8 =	simm.s32 @!p0 $0x1BF5;
	p2 =	por !p2, p0  }
0x20: {  	[sflag:s8] =	ssyncset.s32 @!p0 $0xFFFFF086;
	s6 =	sadd.s32 @!p0 s3, s7;
	s7 =	simm.s32 @!p0 $0x108  }
0x21: {  	s3 =	sadd.s32 s3, s9;
	s6 =	sadd.s32 @!p0 $0x88, s6;
	s7 =	simm.s32 @p2 $0x1082  }
0x22: {  	[simem:s7], [sflag:s8] =	dma.local @!p0 [hbm:s6], $0xF7A  }
0x23: {  	s9 =	sor.u32 $0xD0000000, s2;
	s6 =	simm.s32 $0x108;
	_ =	swait.ge @!p0 [sflag:s8], $0x0  }
0x24: {  	s3 =	sadd.s32 $0x88, s3;
	s6 =	simm.s32 @!p1 $0x1082;
	[sflag:s4] =	ssyncset.s32 $0xFFFFF086  }
0x25: {  	[simem:s6], [sflag:s4] =	dma.local [hbm:s3], $0xF7A  }
0x26: {  	[smem:$0x3F97] =	sst s1;
	(tag) =	ssettag s2;
	_ =	strace s9  }
0x27: {  	s1 =	sld [smem:$0x3FA7]  }
0x28: {  	s2 =	sld [smem:$0x3FA8]  }
0x29: {  	s4 =	sld [smem:$0x3FAA]  }
0x2a: {  	p0 =	seq.s32 s5, $0x0;
	s5 =	sld [smem:$0x3FAB]  }
0x2b: {  	s6 =	sld [smem:$0x3FAC]  }
0x2c: {  	s7 =	sld [smem:$0x3FAD]  }
0x2d: {  	s3 =	simm.s32 $0x108;
	s8 =	sld [smem:$0x3FAE]  }
0x2e: {  	s3 =	simm.s32 @!p0 $0x1082;
	s9 =	sld [smem:$0x3FAF]  }
0x2f: {  	lr =	sadd.s32 s0, s3;
	s0 =	sld [smem:$0x3FA6]  }
0x30: {  	s3 =	sld [smem:$0x3FA9]  }
0x31: {  	[smem:$0x3FB2] =	sst s10  }
0x32: {  	s10 =	sld [smem:$0x3FB0];
	_ =	sdelay $0x3  }
0x33: {  	p0 =	seq.s32 s10, $0x1;
	s10 =	sld [smem:$0x3FB2];
	_ =	sdelay $0x3  }
0x34: {  	[smem:$0x3FB2] =	sst s10  }
0x35: {  	s10 =	sld [smem:$0x3FB1];
	_ =	sdelay $0x3  }
0x36: {  	p1 =	seq.s32 s10, $0x1;
	s10 =	sld [smem:$0x3FB2];
	_ =	sdelay $0x3  }
0x37: {  	[smem:$0x3FB2] =	sst s10  }
0x38: {  	s10 =	sld [smem:$0x3FB3]  }
0x39: {  	_ = 	snop;
	(pc) =	sbr.ind lr, $3  }
0x3a: {  	_ = 	snop  }
0x3b: {  	_ = 	snop  }
0x3c: {  	p2 =	seq.s32 s10, $0x1;
	s10 =	sld [smem:$0x3FB2]  }
0x3d: {  	_ =	shalt  }
0x3e: {  	_ =	shalt  }
0x3f: {  	_ =	shalt  }
0x40: {  	_ =	shalt  }
0x41: {  	_ =	shalt  }
0x42: {  	_ =	shalt  }
0x43: {  	_ =	shalt  }
0x44: {  	_ =	shalt  }
0x45: {  	_ =	shalt  }
0x46: {  	_ =	shalt  }
0x47: {  	_ =	shalt  }
0x48: {  	_ =	shalt  }
0x49: {  	_ =	shalt  }
0x4a: {  	_ =	shalt  }
0x4b: {  	_ =	shalt  }
0x4c: {  	_ =	shalt  }
0x4d: {  	_ =	shalt  }
0x4e: {  	_ =	shalt  }
0x4f: {  	_ =	shalt  }
0x50: {  	_ =	shalt  }
0x51: {  	_ =	shalt  }
0x52: {  	_ =	shalt  }
0x53: {  	_ =	shalt  }
0x54: {  	_ =	shalt  }
0x55: {  	_ =	shalt  }
0x56: {  	_ =	shalt  }
0x57: {  	_ =	shalt  }
0x58: {  	_ =	shalt  }
0x59: {  	_ =	shalt  }
0x5a: {  	_ =	shalt  }
0x5b: {  	_ =	shalt  }
0x5c: {  	_ =	shalt  }
0x5d: {  	_ =	shalt  }
0x5e: {  	_ =	shalt  }
0x5f: {  	_ =	shalt  }
0x60: {  	_ =	shalt  }
0x61: {  	_ =	shalt  }
0x62: {  	_ =	shalt  }
0x63: {  	_ =	shalt  }
0x64: {  	_ =	shalt  }
0x65: {  	_ =	shalt  }
0x66: {  	_ =	shalt  }
0x67: {  	_ =	shalt  }
0x68: {  	_ =	shalt  }
0x69: {  	_ =	shalt  }
0x6a: {  	_ =	shalt  }
0x6b: {  	_ =	shalt  }
0x6c: {  	_ =	shalt  }
0x6d: {  	_ =	shalt  }
0x6e: {  	_ =	shalt  }
0x6f: {  	_ =	shalt  }
0x70: {  	_ =	shalt  }
0x71: {  	_ =	shalt  }
0x72: {  	_ =	shalt  }
0x73: {  	_ =	shalt  }
0x74: {  	_ =	shalt  }
0x75: {  	_ =	shalt  }
0x76: {  	_ =	shalt  }
0x77: {  	_ =	shalt  }
0x78: {  	_ =	shalt  }
0x79: {  	_ =	shalt  }
0x7a: {  	_ =	shalt  }
0x7b: {  	_ =	shalt  }
0x7c: {  	_ =	shalt  }
0x7d: {  	_ =	shalt  }
0x7e: {  	_ =	shalt  }
0x7f: {  	_ =	shalt  }
0x80: {  	_ =	shalt  }
0x81: {  	_ =	shalt  }
0x82: {  	_ =	shalt  }
0x83: {  	_ =	shalt  }
0x84: {  	_ =	shalt  }
0x85: {  	_ =	shalt  }
0x86: {  	_ =	shalt  }
0x87: {  	_ =	shalt  }
.Lfunc_end0:
.L_simem_size_0:
called_computation.1_lowered:
.L_overlay_start_0:
0x88: {  	s2 =	sld [smem:$0x3FD9]  }
0x89: {  	s3 =	sld [smem:$0x3FFE];
	_ =	sdelay $0x1  }
0x8a: {  	s1 =	srdreg.scid  }
0x8b: {  	s0 =	sand.u32 $0x1, s1  }
0x8c: {  	s17 =	sshll.u32 s0, $0xA;
	s2 =	sadd.s32 s3, s2  }
0x8d: {  	s2 =	sadd.s32 s2, s17  }
0x8e: {  	[smem:$0x3FBE] =	sst s2  }
0x8f: {  	_ = 	snop  }
0x90: {  	s2 =	sld [smem:$0x3FC9];
	(tm) =	ssettm $0x1  }
0x91: {  	s18 =	sld [smem:$0x3FFB];
	_ =	sdelay $0x3  }
0x92: {  	_ =	strace s18  }
0x93: {  	s3 =	sld [smem:$0x3FFC];
	_ =	sdelay $0x3  }
0x94: {  	_ =	strace s3  }
0x95: {  	s3 =	sld [smem:$0x3FFD];
	_ =	sdelay $0x3  }
0x96: {  	_ =	strace s3  }
0x97: {  	_ =	strace $0x8FFFFFFF  }
0x98: {  	s19 =	sld [smem:$0x3FDB];
	_ =	sdelay $0x1  }
0x99: {  	s4 =	simm.s32 $_scs_section_size  }
0x9a: {  	s5 =	simm.s32 $_size__tile_overlayer_lowered;
	s6 =	simm.s32 $_tile_overlayer_lowered  }
0x9b: {  	s22 =	simm.s32 $0x1BFF;
	s21 =	sshll.u32 s6, $0x1;
	s3 =	sadd.s32 s4, s19  }
0x9c: {  	s7 =	simm.s32 $0x0;
	s20 =	sshll.u32 s5, $0x1;
	s5 =	sadd.s32 s21, s3  }
0x9d: {  	[timem:s7], [sflag:s22] =	dma.local [hbm:s5], s20  }
0x9e: {  	_ =	swait.ge [sflag:s22], s20  }
0x9f: {  	s4 =	ssub.s32 $0x0, s20;
	[sflag:s22] =	ssyncset.done $0x0  }
0xa0: {  	[sflag:s22] =	ssyncadd.s32 s4;
	_ =	sdelay $0x1  }
0xa1: {  	s23 =	simm.s32 $0x1B8B  }
0xa2: {  	_ =	swait.ge [sflag:s23], $0x1  }
0xa3: {  	[sflag:s23] =	ssyncset.done $0x0  }
0xa4: {  	s25 =	simm.s32 $0x1B8E;
	s24 =	sld [smem:$0x3FFE];
	[sflag:s23] =	ssyncadd.s32 $0xFFFFFFFF  }
0xa5: {  	s26 =	simm.s32 $execute0_lowered;
	[smem:$0x3FD2] =	sst s25  }
0xa6: {  	s5 =	sshll.u32 s26, $0x1;
	_ =	strace $0x80000046;
	[dreg:$0x1] =	wrdreg $0xFFFFFFFF  }
0xa7: {  	s28 =	simm.s32 $_size_execute0_lowered;
	s3 =	sadd.s32 s3, s5;
	[dreg:$0x0] =	wrdreg $0x0  }
0xa8: {  	s5 =	sshll.u32 s28, $0x1;
	[dreg:$0x2] =	wrdreg s3  }
0xa9: {  	[dreg:$0x3] =	wrdreg s5  }
0xaa: {  	[dreg:$0x4] =	wrdreg $0xC0  }
0xab: {  	_ =	task [dreg:s7], $0x5FFFF  }
0xac: {  	[dreg:$0x1] =	wrdreg $0xFFFFFFFF  }
0xad: {  	[dreg:$0x0] =	wrdreg $0x60  }
0xae: {  	[dreg:$0x2] =	wrdreg s24  }
0xaf: {  	[dreg:$0x3] =	wrdreg s2  }
0xb0: {  	[dreg:$0x4] =	wrdreg $0xA  }
0xb1: {  	_ =	task.clear_ibuf [dreg:s7], $0x5FFFF;
	_ =	strace $0x90000046  }
0xb2: {  	s29 =	simm.s32 $0xA;
	_ =	strace $0x80000048  }
0xb3: {  	_ =	swait.ge [sflag:s29], $0x1  }
0xb4: {  	[sflag:s29] =	ssyncadd.s32 $0xFFFFFFFF  }
0xb5: {  	_ =	strace $0x90000048  }
0xb6: {  	_ =	sfence  }
0xb7: {  	s30 =	sld [smem:$0x0];
	_ =	sdelay $0x2  }
0xb8: {  	s31 =	sshll.u32 s1, $0xD;
	s1 =	sshrl.u32 s1, $0x2  }
0xb9: {  	s3 =	sand.u32 $0x4000, s31;
	s1 =	sadd.s32 s1, s30  }
0xba: {  	s0 =	sor.u32 s3, s0;
	s1 =	sshll.u32 s1, $0x11  }
0xbb: {  	s0 =	sor.u32 s1, s0  }
0xbc: {  	s0 =	sadd.s32 $0x8F2B, s0  }
0xbd: {  	[sflag:s0] =	ssyncadd.remote.s32 $0x1  }
0xbe: {  	_ =	sfence.sel $0xFFFF  }
0xbf: {  	[dreg:$0x0] =	wrdreg $0xFFFFFFFF;
	(pc) =	sbr.abs _section_cstart, $3  }
0xc0: {  	[dreg:$0x1] =	wrdreg $0xFFFFFFFF  }
0xc1: {  	_ =	task.clear_ibuf [dreg:s7], $0x2FFFF;
	_ =	strace $0x9FFFFFFF  }
0xc2: {  	(tm) =	ssettm $0x7FFFFFFF  }
0xc3: {  	_ =	shalt  }
tec
execute0_lowered:
.L_overlay_start_1:
0x0: {  	(tag) =	ssettag $0x1  }
0x1: {  	s5 =	srdreg.scid  }
0x2: {  	s3 =	rddreg [dreg:$0x0];
	s6 =	sand.u32 $0x1, s5  }
0x3: {  	s4 =	rddreg [dreg:$0x1];
	s8 =	sshll.u32 s6, $0x9;
	s6 =	ssub.s32 $0x2, s6  }
0x4: {  	s0 =	rddreg [dreg:$0x2];
	s2 =	simm.s32 $0x0;
	s9 =	sshrl.u32 s6, $0x1  }
0x5: {  	s1 =	stileid.u32;
	s10 =	simm.s32 $0x100;
	s6 =	ssub.s32 s6, s9  }
0x6: {  	s11 =	simm.s32 $0x1;
	p0 =	por $0x0, $0x0;
	s13 =	smax.u32 s6, $0x1  }
0x7: {  	[smem:$0x7FF] =	sst s2;
	s7 =	sshll.u32 s1, $0xA;
	p1 =	sne.s32 s13, $0x1  }
.Ltmp0:
0x8: {  	s5 =	sadd.s32 $0x1C00, s3;
	s7 =	sor.u32 s8, s7;
	(pc) =	sbr.rel @!p1 .LBB2_3-.Ltmp0, $4  }
0x9: {  	_ =	strace $0x80000047;
	s8 =	sshll.u32 s7, $0x4;
	s7 =	sshrl.u32 s7, $0x3  }
0xa: {  	s9 =	simm.s32 $0x200;
	s3 =	sadd.s32 s8, s3;
	s12 =	sadd.s32 s4, s7  }
0xb: {  	s6 =	simm.s32 $0x8200;
	s8 =	simm.s32 $0x2;
	s7 =	sadd.s32 $0x401C00, s3  }
0xc: {  	s4 =	sadd.s32 $0x402C00, s3;
	s3 =	simm.s32 $0x3;
	s13 =	sadd.s32 $0xFFFFFFFF, s13  }
0xd: {  	[tilespmem:s2], [sflag:$0x3] =	stream.linear.gather [hbm4b:s12+s2], $0x200, $0x38;
	[tilespmem:$0x10200] =	vst v63  }
0xe: {  	_ =	swait.ge [sflag:s3], $0x200  }
0xf: {  	[sflag:s3] =	ssyncset.done $0x0  }
0x10: {  	[sflag:s3] =	ssyncadd.s32 $0xFFFFFE00  }
0x11: {  	v0 =	vld [tilespmem:$0x180]  }
0x12: {  	v1 =	vld [tilespmem:$0x120]  }
0x13: {  	v2 =	vld [tilespmem:$0xD0]  }
0x14: {  	v3 =	vld [tilespmem:$0x1C0]  }
0x15: {  	v4 =	vld [tilespmem:$0x1B0]  }
0x16: {  	v6 =	vld [tilespmem:$0x1A0]  }
0x17: {  	v38 =	vld [tilespmem:$0x1D0]  }
0x18: {  	v39 =	vld [tilespmem:$0x160]  }
0x19: {  	v10 =	vld [tilespmem:$0x50]  }
0x1a: {  	v12 =	vld [tilespmem:$0x30]  }
0x1b: {  	v40 =	vld [tilespmem:$0x40]  }
0x1c: {  	v14 =	vld [tilespmem:$0x0]  }
0x1d: {  	v16 =	vld [tilespmem:$0x20]  }
0x1e: {  	v43 =	vld [tilespmem:$0xF0]  }
0x1f: {  	v44 =	vld [tilespmem:$0x80]  }
0x20: {  	v45 =	vld [tilespmem:$0x1E0];
	v5 =	vshra.s32 v0, $0x2  }
0x21: {  	v47 =	vld [tilespmem:$0x70];
	v7 =	vshra.s32 v1, $0x2;
	v0 =	vand.u32 $0x3FFF, v0;
	v1 =	vand.u32 $0x3FFF, v1  }
0x22: {  	v49 =	vld [tilespmem:$0x10];
	v8 =	vand.u32 $0x3FFF, v2;
	v9 =	vshra.s32 v3, $0x2;
	v2 =	vshra.s32 v2, $0x2  }
0x23: {  	v53 =	vld [tilespmem:$0x60];
	v11 =	vshra.s32 v4, $0x2;
	v4 =	vand.u32 $0x3FFF, v4;
	v13 =	vshra.s32 v6, $0x2  }
0x24: {  	v55 =	vld [tilespmem:$0xE0];
	v6 =	vand.u32 $0x3FFF, v6;
	v3 =	vand.u32 $0x3FFF, v3;
	v41 =	vshra.s32 v38, $0x2  }
0x25: {  	v58 =	vld [tilespmem:$0xC0];
	v15 =	vshra.s32 v39, $0x2;
	v42 =	vshra.s32 v10, $0x2;
	v17 =	vand.u32 $0x3FFF, v12  }
0x26: {  	v20 =	vld [tilespmem:$0x110];
	v10 =	vand.u32 $0x3FFF, v10;
	v12 =	vshra.s32 v12, $0x2;
	v18 =	vand.u32 $0x3FFF, v40  }
0x27: {  	v24 =	vld [tilespmem:$0x100];
	v46 =	vshra.s32 v14, $0x2;
	v14 =	vand.u32 $0x3FFF, v14;
	v50 =	vand.u32 $0x3FFF, v16  }
0x28: {  	v51 =	vshra.s32 v16, $0x2;
	v52 =	vand.u32 $0x3FFF, v43;
	v54 =	vshra.s32 v44, $0x2  }
0x29: {  	v56 =	vshra.s32 v45, $0x2;
	v59 =	vshra.s32 v47, $0x2;
	v61 =	vshra.s32 v49, $0x2  }
0x2a: {  	v21 =	vand.u32 $0x3FFF, v53;
	v22 =	vshra.s32 v55, $0x2;
	v23 =	vshra.s32 v58, $0x2  }
0x2b: {  	v30 =	vand.u32 $0x3FFF, v20;
	v33 =	vshra.s32 v20, $0x2;
	v7 =	vand.u32 $0xFFFFC000, v7  }
0x2c: {  	v34 =	vshra.s32 v24, $0x2;
	v11 =	vand.u32 $0xFFFFC000, v11;
	v1 =	vor.u32 v1, v7  }
0x2d: {  	v5 =	vand.u32 $0xFFFFC000, v5;
	v9 =	vand.u32 $0xFFFFC000, v9;
	v4 =	vor.u32 v4, v11;
	[tilespmem:$0x120] =	vst v1  }
0x2e: {  	v27 =	vld [tilespmem:$0x1F0];
	v13 =	vand.u32 $0xFFFFC000, v13;
	v15 =	vand.u32 $0xFFFFC000, v15;
	v0 =	vor.u32 v0, v5;
	[tilespmem:$0x1B0] =	vst v4  }
0x2f: {  	v29 =	vld [tilespmem:$0xB0];
	v12 =	vand.u32 $0xFFFFC000, v12;
	v57 =	vand.u32 $0xFFFFC000, v54;
	v6 =	vor.u32 v6, v13;
	[tilespmem:$0x180] =	vst v0  }
0x30: {  	v62 =	vand.u32 $0xFFFFC000, v59;
	v19 =	vand.u32 $0xFFFFC000, v56;
	v3 =	vor.u32 v3, v9;
	[tilespmem:$0x1A0] =	vst v6  }
0x31: {  	v2 =	vand.u32 $0xFFFFC000, v2;
	v7 =	vand.u32 $0x3FFF, v39;
	v12 =	vor.u32 v17, v12;
	[tilespmem:$0x1C0] =	vst v3  }
0x32: {  	v13 =	vand.u32 $0xFFFFC000, v41;
	v9 =	vand.u32 $0xFFFFC000, v42;
	v2 =	vor.u32 v8, v2;
	[tilespmem:$0x30] =	vst v12  }
0x33: {  	v5 =	vand.u32 $0x3FFF, v38;
	v11 =	vshra.s32 v40, $0x2;
	v9 =	vor.u32 v10, v9;
	[tilespmem:$0xD0] =	vst v2  }
0x34: {  	v38 =	vand.u32 $0x3FFF, v27;
	v39 =	vshra.s32 v29, $0x2;
	v5 =	vor.u32 v5, v13;
	[tilespmem:$0x50] =	vst v9  }
0x35: {  	v31 =	vld [tilespmem:$0x190];
	v42 =	vand.u32 $0x3FFF, v29;
	v7 =	vor.u32 v7, v15;
	v13 =	vand.u32 $0xFFFFC000, v46;
	[tilespmem:$0x1D0] =	vst v5  }
0x36: {  	v11 =	vand.u32 $0xFFFFC000, v11;
	v6 =	vand.u32 $0xFFFFC000, v51;
	v48 =	vor.u32 v14, v13;
	[tilespmem:$0x160] =	vst v7  }
0x37: {  	v10 =	vshra.s32 v43, $0x2;
	v15 =	vand.u32 $0x3FFF, v44;
	v11 =	vor.u32 v18, v11;
	[tilespmem:$0x0] =	vst v48  }
0x38: {  	v4 =	vand.u32 $0x3FFF, v47;
	v1 =	vand.u32 $0x3FFF, v45;
	v6 =	vor.u32 v50, v6;
	[tilespmem:$0x40] =	vst v11  }
0x39: {  	v3 =	vand.u32 $0x3FFF, v58;
	v2 =	vand.u32 $0xFFFFC000, v34;
	v60 =	vor.u32 v15, v57;
	[tilespmem:$0x20] =	vst v6  }
0x3a: {  	v41 =	vand.u32 $0xFFFFC000, v39;
	v44 =	vand.u32 $0x3FFF, v31;
	v63 =	vor.u32 v4, v62;
	[tilespmem:$0x80] =	vst v60  }
0x3b: {  	v35 =	vld [tilespmem:$0x170];
	v13 =	vand.u32 $0x3FFF, v49;
	v14 =	vand.u32 $0xFFFFC000, v61;
	v1 =	vor.u32 v1, v19;
	[tilespmem:$0x70] =	vst v63  }
0x3c: {  	v45 =	vshra.s32 v31, $0x2;
	v10 =	vand.u32 $0xFFFFC000, v10;
	v13 =	vor.u32 v13, v14;
	[tilespmem:$0x1E0] =	vst v1  }
0x3d: {  	v32 =	vld [tilespmem:$0xA0];
	v9 =	vshra.s32 v53, $0x2;
	v7 =	vand.u32 $0x3FFF, v24;
	v10 =	vor.u32 v52, v10;
	[tilespmem:$0x10] =	vst v13  }
0x3e: {  	v46 =	vshra.s32 v27, $0x2;
	v25 =	vand.u32 $0xFFFFC000, v9;
	v2 =	vor.u32 v7, v2;
	[tilespmem:$0xF0] =	vst v10  }
0x3f: {  	v17 =	vld [tilespmem:$0x90];
	v5 =	vand.u32 $0x3FFF, v55;
	v11 =	vand.u32 $0xFFFFC000, v22;
	v0 =	vor.u32 v21, v25;
	[tilespmem:$0x100] =	vst v2  }
0x40: {  	v40 =	vld [tilespmem:$0x150];
	v51 =	vshra.s32 v35, $0x2;
	v6 =	vand.u32 $0xFFFFC000, v23;
	v36 =	vor.u32 v5, v11;
	[tilespmem:$0x60] =	vst v0  }
0x41: {  	v48 =	vand.u32 $0x3FFF, v35;
	v52 =	vand.u32 $0xFFFFC000, v51;
	v3 =	vor.u32 v3, v6;
	[tilespmem:$0xE0] =	vst v36  }
0x42: {  	v43 =	vld [tilespmem:$0x130];
	v47 =	vshra.s32 v32, $0x2;
	v10 =	vand.u32 $0xFFFFC000, v33;
	v2 =	vor.u32 v48, v52;
	[tilespmem:$0xC0] =	vst v3  }
0x43: {  	v50 =	vand.u32 $0x3FFF, v32;
	v5 =	vand.u32 $0xFFFFC000, v47;
	v37 =	vor.u32 v30, v10;
	[tilespmem:$0x170] =	vst v2  }
0x44: {  	v49 =	vld [tilespmem:$0x140];
	v26 =	vand.u32 $0x3FFF, v17;
	v0 =	vor.u32 v42, v41;
	v3 =	vand.u32 $0xFFFFC000, v46;
	[tilespmem:$0x110] =	vst v37  }
0x45: {  	v28 =	vshra.s32 v17, $0x2;
	v53 =	vand.u32 $0x3FFF, v40;
	[tilespmem:$0xB0] =	vst v0;
	v3 =	vor.u32 v38, v3  }
0x46: {  	v57 =	vshra.s32 v40, $0x2;
	v1 =	vand.u32 $0xFFFFC000, v28;
	v0 =	vor.u32 v50, v5;
	[tilespmem:$0x1F0] =	vst v3  }
0x47: {  	v54 =	vshra.s32 v43, $0x2;
	v60 =	vand.u32 $0xFFFFC000, v57;
	v1 =	vor.u32 v26, v1;
	[tilespmem:$0xA0] =	vst v0  }
0x48: {  	v55 =	vand.u32 $0x3FFF, v43;
	v56 =	vand.u32 $0xFFFFC000, v54;
	v0 =	vor.u32 v53, v60;
	[tilespmem:$0x90] =	vst v1  }
0x49: {  	v59 =	vshra.s32 v49, $0x2;
	v1 =	vand.u32 $0xFFFFC000, v45;
	v58 =	vor.u32 v55, v56;
	[tilespmem:$0x150] =	vst v0  }
0x4a: {  	v62 =	vand.u32 $0x3FFF, v49;
	v61 =	vand.u32 $0xFFFFC000, v59;
	[tilespmem:$0x130] =	vst v58;
	v1 =	vor.u32 v44, v1  }
0x4b: {  	v63 =	vor.u32 v62, v61;
	[tilespmem:$0x190] =	vst v1  }
0x4c: {  	[tilespmem:$0x140] =	vst v63  }
0x4d: {  	[tilespmem:s9], [sflag:$0x1] =	stream.indirect.gather [hbm4b:s5+s10], $0x80, s2, s10, $0xb8;
	[tilespmem:$0x10200] =	vst v63  }
0x4e: {  	_ = 	snop  }
0x4f: {  	[tilespmem:s6], [sflag:$0x2] =	stream.indirect.gather [hbm4b:s5+s10], $0x80, s10, s10, $0xb8;
	[tilespmem:$0x10200] =	vst v63  }
0x50: {  	_ =	swait.ge [sflag:s11], $0x8000  }
0x51: {  	[sflag:s11] =	ssyncset.done $0x0  }
0x52: {  	p1 =	sne.s32 s13, $0x1;
	[sflag:s11] =	ssyncadd.s32 $0xFFFF8000  }
0x53: {  	[hbm4b:s7+s2] =	stream.linear.scatter [tilespmem:s9], [sflag:$0x3], $0x8000, $0x38;
	[tilespmem:$0x10200] =	vst v63  }
.Ltmp1:
0x54: {  	_ = 	snop;
	(pc) =	sbr.rel @!p1 .LBB2_3-.Ltmp1, $4  }
0x55: {  	_ =	swait.ge [sflag:s3], $0x8000  }
0x56: {  	[sflag:s3] =	ssyncset.done $0x0  }
0x57: {  	[sflag:s3] =	ssyncadd.s32 $0xFFFF8000  }
0x58: {  	s13 =	sadd.s32 $0xFFFFFFFF, s13;
	p0 =	por $0x1, $0x1;
	_ =	swait.ge [sflag:s8], $0x8000  }
.LBB2_2:
0x59: {  	p1 =	sne.s32 s13, $0x1;
	s13 =	sadd.s32 $0xFFFFFFFF, s13;
	[sflag:s8] =	ssyncset.done $0x0  }
0x5a: {  	[sflag:s8] =	ssyncadd.s32 $0xFFFF8000  }
0x5b: {  	[hbm4b:s4+s2] =	stream.linear.scatter [tilespmem:s6], [sflag:$0x3], $0x8000, $0x38;
	[tilespmem:$0x10200] =	vst v63  }
0x5c: {  	_ =	swait.ge [sflag:s3], $0x8000  }
0x5d: {  	[sflag:s3] =	ssyncset.done $0x0  }
0x5e: {  	[sflag:s3] =	ssyncadd.s32 $0xFFFF8000  }
0x5f: {  	[tilespmem:s2], [sflag:$0x3] =	stream.linear.gather [hbm4b:s12+s2], $0x200, $0x38;
	[tilespmem:$0x10200] =	vst v63  }
0x60: {  	_ =	swait.ge [sflag:s3], $0x200  }
0x61: {  	[sflag:s3] =	ssyncset.done $0x0  }
0x62: {  	[sflag:s3] =	ssyncadd.s32 $0xFFFFFE00  }
0x63: {  	v0 =	vld [tilespmem:$0x180]  }
0x64: {  	v1 =	vld [tilespmem:$0x120]  }
0x65: {  	v2 =	vld [tilespmem:$0xD0]  }
0x66: {  	v3 =	vld [tilespmem:$0x1C0]  }
0x67: {  	v4 =	vld [tilespmem:$0x1B0]  }
0x68: {  	v5 =	vshra.s32 v0, $0x2;
	v6 =	vld [tilespmem:$0x1A0]  }
0x69: {  	v0 =	vand.u32 $0x3FFF, v0;
	v7 =	vshra.s32 v1, $0x2;
	v5 =	vand.u32 $0xFFFFC000, v5  }
0x6a: {  	v1 =	vand.u32 $0x3FFF, v1;
	v7 =	vand.u32 $0xFFFFC000, v7;
	v0 =	vor.u32 v0, v5;
	v5 =	vld [tilespmem:$0x1D0]  }
0x6b: {  	v8 =	vand.u32 $0x3FFF, v2;
	v1 =	vor.u32 v1, v7;
	v7 =	vld [tilespmem:$0x160];
	v9 =	vshra.s32 v3, $0x2  }
0x6c: {  	v2 =	vshra.s32 v2, $0x2;
	v10 =	vld [tilespmem:$0x50];
	[tilespmem:$0x120] =	vst v1;
	v1 =	vshra.s32 v4, $0x2;
	v4 =	vand.u32 $0x3FFF, v4  }
0x6d: {  	v9 =	vand.u32 $0xFFFFC000, v9;
	v11 =	vld [tilespmem:$0x30];
	v12 =	vshra.s32 v6, $0x2;
	v1 =	vand.u32 $0xFFFFC000, v1  }
0x6e: {  	v6 =	vand.u32 $0x3FFF, v6;
	v12 =	vand.u32 $0xFFFFC000, v12;
	v1 =	vor.u32 v4, v1  }
0x6f: {  	v4 =	vld [tilespmem:$0x40];
	v6 =	vor.u32 v6, v12;
	[tilespmem:$0x1B0] =	vst v1;
	v1 =	vand.u32 $0x3FFF, v3;
	v3 =	vshra.s32 v5, $0x2  }
0x70: {  	v12 =	vld [tilespmem:$0x0];
	v13 =	vshra.s32 v7, $0x2;
	v7 =	vand.u32 $0x3FFF, v7;
	v1 =	vor.u32 v1, v9  }
0x71: {  	v9 =	vshra.s32 v10, $0x2;
	v13 =	vand.u32 $0xFFFFC000, v13;
	[tilespmem:$0x180] =	vst v0;
	v0 =	vand.u32 $0xFFFFC000, v3;
	v3 =	vld [tilespmem:$0x1E0]  }
0x72: {  	v10 =	vand.u32 $0x3FFF, v10;
	v14 =	vld [tilespmem:$0x20];
	v15 =	vand.u32 $0x3FFF, v11;
	v9 =	vand.u32 $0xFFFFC000, v9  }
0x73: {  	v5 =	vand.u32 $0x3FFF, v5;
	v11 =	vshra.s32 v11, $0x2;
	v9 =	vor.u32 v10, v9;
	v10 =	vld [tilespmem:$0xF0];
	[tilespmem:$0x1A0] =	vst v6  }
0x74: {  	v7 =	vor.u32 v7, v13;
	v0 =	vor.u32 v5, v0;
	v6 =	vand.u32 $0x3FFF, v4;
	[tilespmem:$0x50] =	vst v9;
	v9 =	vld [tilespmem:$0x80]  }
0x75: {  	v11 =	vand.u32 $0xFFFFC000, v11;
	v5 =	vshra.s32 v12, $0x2;
	v12 =	vand.u32 $0x3FFF, v12;
	v13 =	vld [tilespmem:$0x70];
	[tilespmem:$0x1D0] =	vst v0  }
0x76: {  	v4 =	vshra.s32 v4, $0x2;
	v0 =	vand.u32 $0xFFFFC000, v5;
	v5 =	vor.u32 v15, v11;
	v11 =	vld [tilespmem:$0x60];
	[tilespmem:$0x1C0] =	vst v1  }
0x77: {  	v4 =	vand.u32 $0xFFFFC000, v4;
	v0 =	vor.u32 v12, v0;
	v1 =	vld [tilespmem:$0x10];
	v12 =	vand.u32 $0x3FFF, v14;
	[tilespmem:$0x160] =	vst v7  }
0x78: {  	v4 =	vor.u32 v6, v4;
	[tilespmem:$0x0] =	vst v0;
	v0 =	vshra.s32 v14, $0x2;
	v6 =	vand.u32 $0x3FFF, v10  }
0x79: {  	v7 =	vshra.s32 v10, $0x2;
	v10 =	vshra.s32 v3, $0x2;
	v0 =	vand.u32 $0xFFFFC000, v0;
	[tilespmem:$0x40] =	vst v4;
	v4 =	vld [tilespmem:$0xE0]  }
0x7a: {  	v3 =	vand.u32 $0x3FFF, v3;
	v0 =	vor.u32 v12, v0;
	[tilespmem:$0x30] =	vst v5;
	v5 =	vshra.s32 v9, $0x2;
	v12 =	vld [tilespmem:$0xC0]  }
0x7b: {  	v10 =	vand.u32 $0xFFFFC000, v10;
	[tilespmem:$0x20] =	vst v0;
	v0 =	vand.u32 $0xFFFFC000, v5;
	v5 =	vand.u32 $0x3FFF, v9;
	v9 =	vld [tilespmem:$0x90]  }
0x7c: {  	v14 =	vshra.s32 v13, $0x2;
	v13 =	vand.u32 $0x3FFF, v13;
	v0 =	vor.u32 v5, v0  }
0x7d: {  	v14 =	vand.u32 $0xFFFFC000, v14;
	v5 =	vshra.s32 v1, $0x2;
	v1 =	vand.u32 $0x3FFF, v1;
	[tilespmem:$0x80] =	vst v0  }
0x7e: {  	v13 =	vor.u32 v13, v14;
	v0 =	vand.u32 $0xFFFFC000, v5;
	v5 =	vand.u32 $0x3FFF, v11;
	v14 =	vld [tilespmem:$0x110]  }
0x7f: {  	v3 =	vor.u32 v3, v10;
	v0 =	vor.u32 v1, v0;
	v1 =	vshra.s32 v4, $0x2;
	[tilespmem:$0x70] =	vst v13;
	v13 =	vld [tilespmem:$0x100]  }
0x80: {  	v7 =	vand.u32 $0xFFFFC000, v7;
	v4 =	vand.u32 $0x3FFF, v4;
	v10 =	vshra.s32 v12, $0x2;
	[tilespmem:$0x1E0] =	vst v3  }
0x81: {  	v2 =	vand.u32 $0xFFFFC000, v2;
	v3 =	vor.u32 v6, v7;
	[tilespmem:$0x10] =	vst v0;
	v0 =	vshra.s32 v11, $0x2  }
0x82: {  	v2 =	vor.u32 v8, v2;
	v6 =	vand.u32 $0x3FFF, v9;
	v0 =	vand.u32 $0xFFFFC000, v0;
	[tilespmem:$0xF0] =	vst v3;
	v3 =	vld [tilespmem:$0x1F0]  }
0x83: {  	v7 =	vshra.s32 v9, $0x2;
	v9 =	vand.u32 $0xFFFFC000, v10;
	v8 =	vld [tilespmem:$0xB0];
	[tilespmem:$0xD0] =	vst v2;
	v2 =	vand.u32 $0x3FFF, v14  }
0x84: {  	v1 =	vand.u32 $0xFFFFC000, v1;
	v10 =	vand.u32 $0x3FFF, v12;
	v7 =	vand.u32 $0xFFFFC000, v7;
	v11 =	vld [tilespmem:$0x190]  }
0x85: {  	v0 =	vor.u32 v5, v0;
	v5 =	vor.u32 v6, v7;
	v7 =	vshra.s32 v14, $0x2;
	v6 =	vld [tilespmem:$0xA0]  }
0x86: {  	v12 =	vand.u32 $0x3FFF, v13;
	v7 =	vand.u32 $0xFFFFC000, v7;
	[tilespmem:$0x60] =	vst v0;
	v0 =	vshra.s32 v13, $0x2;
	v13 =	vld [tilespmem:$0x170]  }
0x87: {  	v1 =	vor.u32 v4, v1;
	v2 =	vor.u32 v2, v7;
	[tilespmem:$0x90] =	vst v5;
	v4 =	vand.u32 $0x3FFF, v3  }
0x88: {  	v7 =	vor.u32 v10, v9;
	v0 =	vand.u32 $0xFFFFC000, v0;
	v5 =	vshra.s32 v8, $0x2;
	[tilespmem:$0xE0] =	vst v1;
	v1 =	vld [tilespmem:$0x150]  }
0x89: {  	v8 =	vand.u32 $0x3FFF, v8;
	v5 =	vand.u32 $0xFFFFC000, v5;
	[tilespmem:$0xC0] =	vst v7;
	v7 =	vld [tilespmem:$0x130];
	v9 =	vand.u32 $0x3FFF, v11  }
0x8a: {  	v3 =	vshra.s32 v3, $0x2;
	v5 =	vor.u32 v8, v5;
	[tilespmem:$0x110] =	vst v2;
	v2 =	vld [tilespmem:$0x140];
	v8 =	vshra.s32 v11, $0x2  }
0x8b: {  	v3 =	vand.u32 $0xFFFFC000, v3;
	v10 =	vshra.s32 v6, $0x2;
	[tilespmem:$0xB0] =	vst v5;
	v5 =	vand.u32 $0x3FFF, v13  }
0x8c: {  	v0 =	vor.u32 v12, v0;
	v6 =	vand.u32 $0x3FFF, v6;
	v11 =	vshra.s32 v13, $0x2  }
0x8d: {  	v10 =	vand.u32 $0xFFFFC000, v10;
	v11 =	vand.u32 $0xFFFFC000, v11;
	[tilespmem:$0x100] =	vst v0;
	v0 =	vand.u32 $0x3FFF, v1  }
0x8e: {  	v3 =	vor.u32 v4, v3;
	v1 =	vshra.s32 v1, $0x2;
	v5 =	vor.u32 v5, v11  }
0x8f: {  	v8 =	vand.u32 $0xFFFFC000, v8;
	v4 =	vshra.s32 v7, $0x2;
	v7 =	vand.u32 $0x3FFF, v7;
	[tilespmem:$0x1F0] =	vst v3  }
0x90: {  	v3 =	vor.u32 v6, v10;
	v4 =	vand.u32 $0xFFFFC000, v4;
	v6 =	vshra.s32 v2, $0x2;
	[tilespmem:$0x170] =	vst v5  }
0x91: {  	v2 =	vand.u32 $0x3FFF, v2;
	[tilespmem:$0xA0] =	vst v3;
	v3 =	vor.u32 v7, v4;
	v4 =	vand.u32 $0xFFFFC000, v6  }
0x92: {  	v1 =	vand.u32 $0xFFFFC000, v1;
	[tilespmem:$0x130] =	vst v3;
	v2 =	vor.u32 v2, v4;
	v3 =	vor.u32 v9, v8  }
0x93: {  	v0 =	vor.u32 v0, v1;
	[tilespmem:$0x190] =	vst v3  }
0x94: {  	[tilespmem:$0x150] =	vst v0  }
0x95: {  	[tilespmem:$0x140] =	vst v2  }
0x96: {  	[tilespmem:s9], [sflag:$0x1] =	stream.indirect.gather [hbm4b:s5+s10], $0x80, s2, s10, $0xb8;
	[tilespmem:$0x10200] =	vst v63  }
0x97: {  	_ = 	snop  }
0x98: {  	[tilespmem:s6], [sflag:$0x2] =	stream.indirect.gather [hbm4b:s5+s10], $0x80, s10, s10, $0xb8;
	[tilespmem:$0x10200] =	vst v63  }
0x99: {  	_ =	swait.ge [sflag:s11], $0x8000  }
0x9a: {  	[sflag:s11] =	ssyncset.done $0x0  }
0x9b: {  	[sflag:s11] =	ssyncadd.s32 $0xFFFF8000  }
0x9c: {  	[hbm4b:s7+s2] =	stream.linear.scatter [tilespmem:s9], [sflag:$0x3], $0x8000, $0x38;
	[tilespmem:$0x10200] =	vst v63  }
.Ltmp2:
0x9d: {  	_ = 	snop;
	(pc) =	sbr.rel @p1 .LBB2_2-.Ltmp2, $4  }
0x9e: {  	_ =	swait.ge [sflag:s3], $0x8000  }
0x9f: {  	[sflag:s3] =	ssyncset.done $0x0  }
0xa0: {  	[sflag:s3] =	ssyncadd.s32 $0xFFFF8000  }
0xa1: {  	_ =	swait.ge [sflag:s8], $0x8000  }
.LBB2_3:
0xa2: {  	[sflag:s8] =	ssyncset.done @p0 $0x0  }
0xa3: {  	[sflag:s8] =	ssyncadd.s32 @p0 $0xFFFF8000  }
0xa4: {  	[hbm4b:s4+s2] =	stream.linear.scatter @p0 [tilespmem:s6], [sflag:$0x3], $0x8000, $0x38;
	[tilespmem:$0x10200] =	vst v63  }
0xa5: {  	_ =	swait.ge @p0 [sflag:s3], $0x8000  }
0xa6: {  	[sflag:s3] =	ssyncset.done @p0 $0x0  }
0xa7: {  	[sflag:s3] =	ssyncadd.s32 @p0 $0xFFFF8000  }
0xa8: {  	[tilespmem:s2], [sflag:$0x3] =	stream.linear.gather [hbm4b:s12+s2], $0x200, $0x38;
	[tilespmem:$0x10200] =	vst v63  }
0xa9: {  	_ =	swait.ge [sflag:s3], $0x200  }
0xaa: {  	[sflag:s3] =	ssyncset.done $0x0  }
0xab: {  	[sflag:s3] =	ssyncadd.s32 $0xFFFFFE00  }
0xac: {  	v0 =	vld [tilespmem:$0x180]  }
0xad: {  	v1 =	vld [tilespmem:$0x120]  }
0xae: {  	v2 =	vld [tilespmem:$0xD0]  }
0xaf: {  	v3 =	vld [tilespmem:$0x1C0]  }
0xb0: {  	v4 =	vld [tilespmem:$0x1B0]  }
0xb1: {  	v6 =	vld [tilespmem:$0x1A0]  }
0xb2: {  	v38 =	vld [tilespmem:$0x1D0]  }
0xb3: {  	v39 =	vld [tilespmem:$0x160]  }
0xb4: {  	v10 =	vld [tilespmem:$0x50]  }
0xb5: {  	v12 =	vld [tilespmem:$0x30]  }
0xb6: {  	v40 =	vld [tilespmem:$0x40]  }
0xb7: {  	v14 =	vld [tilespmem:$0x0]  }
0xb8: {  	v16 =	vld [tilespmem:$0x20]  }
0xb9: {  	v43 =	vld [tilespmem:$0xF0]  }
0xba: {  	v44 =	vld [tilespmem:$0x80]  }
0xbb: {  	v45 =	vld [tilespmem:$0x1E0];
	v5 =	vshra.s32 v0, $0x2  }
0xbc: {  	v47 =	vld [tilespmem:$0x70];
	v7 =	vshra.s32 v1, $0x2;
	v0 =	vand.u32 $0x3FFF, v0;
	v1 =	vand.u32 $0x3FFF, v1  }
0xbd: {  	v49 =	vld [tilespmem:$0x10];
	v8 =	vand.u32 $0x3FFF, v2;
	v9 =	vshra.s32 v3, $0x2;
	v2 =	vshra.s32 v2, $0x2  }
0xbe: {  	v53 =	vld [tilespmem:$0x60];
	v11 =	vshra.s32 v4, $0x2;
	v4 =	vand.u32 $0x3FFF, v4;
	v13 =	vshra.s32 v6, $0x2  }
0xbf: {  	v55 =	vld [tilespmem:$0xE0];
	v6 =	vand.u32 $0x3FFF, v6;
	v3 =	vand.u32 $0x3FFF, v3;
	v41 =	vshra.s32 v38, $0x2  }
0xc0: {  	v58 =	vld [tilespmem:$0xC0];
	v15 =	vshra.s32 v39, $0x2;
	v42 =	vshra.s32 v10, $0x2;
	v17 =	vand.u32 $0x3FFF, v12  }
0xc1: {  	v20 =	vld [tilespmem:$0x110];
	v10 =	vand.u32 $0x3FFF, v10;
	v12 =	vshra.s32 v12, $0x2;
	v18 =	vand.u32 $0x3FFF, v40  }
0xc2: {  	v24 =	vld [tilespmem:$0x100];
	v46 =	vshra.s32 v14, $0x2;
	v14 =	vand.u32 $0x3FFF, v14;
	v50 =	vand.u32 $0x3FFF, v16  }
0xc3: {  	v51 =	vshra.s32 v16, $0x2;
	v52 =	vand.u32 $0x3FFF, v43;
	v54 =	vshra.s32 v44, $0x2  }
0xc4: {  	v56 =	vshra.s32 v45, $0x2;
	v59 =	vshra.s32 v47, $0x2;
	v61 =	vshra.s32 v49, $0x2  }
0xc5: {  	v21 =	vand.u32 $0x3FFF, v53;
	v22 =	vshra.s32 v55, $0x2;
	v23 =	vshra.s32 v58, $0x2  }
0xc6: {  	v30 =	vand.u32 $0x3FFF, v20;
	v33 =	vshra.s32 v20, $0x2;
	v7 =	vand.u32 $0xFFFFC000, v7  }
0xc7: {  	v34 =	vshra.s32 v24, $0x2;
	v11 =	vand.u32 $0xFFFFC000, v11;
	v1 =	vor.u32 v1, v7  }
0xc8: {  	v5 =	vand.u32 $0xFFFFC000, v5;
	v9 =	vand.u32 $0xFFFFC000, v9;
	v4 =	vor.u32 v4, v11;
	[tilespmem:$0x120] =	vst v1  }
0xc9: {  	v27 =	vld [tilespmem:$0x1F0];
	v13 =	vand.u32 $0xFFFFC000, v13;
	v15 =	vand.u32 $0xFFFFC000, v15;
	v0 =	vor.u32 v0, v5;
	[tilespmem:$0x1B0] =	vst v4  }
0xca: {  	v29 =	vld [tilespmem:$0xB0];
	v12 =	vand.u32 $0xFFFFC000, v12;
	v57 =	vand.u32 $0xFFFFC000, v54;
	v6 =	vor.u32 v6, v13;
	[tilespmem:$0x180] =	vst v0  }
0xcb: {  	v62 =	vand.u32 $0xFFFFC000, v59;
	v19 =	vand.u32 $0xFFFFC000, v56;
	v3 =	vor.u32 v3, v9;
	[tilespmem:$0x1A0] =	vst v6  }
0xcc: {  	v2 =	vand.u32 $0xFFFFC000, v2;
	v7 =	vand.u32 $0x3FFF, v39;
	v12 =	vor.u32 v17, v12;
	[tilespmem:$0x1C0] =	vst v3  }
0xcd: {  	v13 =	vand.u32 $0xFFFFC000, v41;
	v9 =	vand.u32 $0xFFFFC000, v42;
	v2 =	vor.u32 v8, v2;
	[tilespmem:$0x30] =	vst v12  }
0xce: {  	v5 =	vand.u32 $0x3FFF, v38;
	v11 =	vshra.s32 v40, $0x2;
	v9 =	vor.u32 v10, v9;
	[tilespmem:$0xD0] =	vst v2  }
0xcf: {  	v38 =	vand.u32 $0x3FFF, v27;
	v39 =	vshra.s32 v29, $0x2;
	v5 =	vor.u32 v5, v13;
	[tilespmem:$0x50] =	vst v9  }
0xd0: {  	v31 =	vld [tilespmem:$0x190];
	v42 =	vand.u32 $0x3FFF, v29;
	v7 =	vor.u32 v7, v15;
	v13 =	vand.u32 $0xFFFFC000, v46;
	[tilespmem:$0x1D0] =	vst v5  }
0xd1: {  	v11 =	vand.u32 $0xFFFFC000, v11;
	v6 =	vand.u32 $0xFFFFC000, v51;
	v48 =	vor.u32 v14, v13;
	[tilespmem:$0x160] =	vst v7  }
0xd2: {  	v10 =	vshra.s32 v43, $0x2;
	v15 =	vand.u32 $0x3FFF, v44;
	v11 =	vor.u32 v18, v11;
	[tilespmem:$0x0] =	vst v48  }
0xd3: {  	v4 =	vand.u32 $0x3FFF, v47;
	v1 =	vand.u32 $0x3FFF, v45;
	v6 =	vor.u32 v50, v6;
	[tilespmem:$0x40] =	vst v11  }
0xd4: {  	v3 =	vand.u32 $0x3FFF, v58;
	v2 =	vand.u32 $0xFFFFC000, v34;
	v60 =	vor.u32 v15, v57;
	[tilespmem:$0x20] =	vst v6  }
0xd5: {  	v41 =	vand.u32 $0xFFFFC000, v39;
	v44 =	vand.u32 $0x3FFF, v31;
	v63 =	vor.u32 v4, v62;
	[tilespmem:$0x80] =	vst v60  }
0xd6: {  	v35 =	vld [tilespmem:$0x170];
	v13 =	vand.u32 $0x3FFF, v49;
	v14 =	vand.u32 $0xFFFFC000, v61;
	v1 =	vor.u32 v1, v19;
	[tilespmem:$0x70] =	vst v63  }
0xd7: {  	v45 =	vshra.s32 v31, $0x2;
	v10 =	vand.u32 $0xFFFFC000, v10;
	v13 =	vor.u32 v13, v14;
	[tilespmem:$0x1E0] =	vst v1  }
0xd8: {  	v32 =	vld [tilespmem:$0xA0];
	v9 =	vshra.s32 v53, $0x2;
	v7 =	vand.u32 $0x3FFF, v24;
	v10 =	vor.u32 v52, v10;
	[tilespmem:$0x10] =	vst v13  }
0xd9: {  	v46 =	vshra.s32 v27, $0x2;
	v25 =	vand.u32 $0xFFFFC000, v9;
	v2 =	vor.u32 v7, v2;
	[tilespmem:$0xF0] =	vst v10  }
0xda: {  	v17 =	vld [tilespmem:$0x90];
	v5 =	vand.u32 $0x3FFF, v55;
	v11 =	vand.u32 $0xFFFFC000, v22;
	v0 =	vor.u32 v21, v25;
	[tilespmem:$0x100] =	vst v2  }
0xdb: {  	v40 =	vld [tilespmem:$0x150];
	v51 =	vshra.s32 v35, $0x2;
	v6 =	vand.u32 $0xFFFFC000, v23;
	v36 =	vor.u32 v5, v11;
	[tilespmem:$0x60] =	vst v0  }
0xdc: {  	v48 =	vand.u32 $0x3FFF, v35;
	v52 =	vand.u32 $0xFFFFC000, v51;
	v3 =	vor.u32 v3, v6;
	[tilespmem:$0xE0] =	vst v36  }
0xdd: {  	v43 =	vld [tilespmem:$0x130];
	v47 =	vshra.s32 v32, $0x2;
	v10 =	vand.u32 $0xFFFFC000, v33;
	v2 =	vor.u32 v48, v52;
	[tilespmem:$0xC0] =	vst v3  }
0xde: {  	v50 =	vand.u32 $0x3FFF, v32;
	v5 =	vand.u32 $0xFFFFC000, v47;
	v37 =	vor.u32 v30, v10;
	[tilespmem:$0x170] =	vst v2  }
0xdf: {  	v49 =	vld [tilespmem:$0x140];
	v26 =	vand.u32 $0x3FFF, v17;
	v0 =	vor.u32 v42, v41;
	v3 =	vand.u32 $0xFFFFC000, v46;
	[tilespmem:$0x110] =	vst v37  }
0xe0: {  	v28 =	vshra.s32 v17, $0x2;
	v53 =	vand.u32 $0x3FFF, v40;
	[tilespmem:$0xB0] =	vst v0;
	v3 =	vor.u32 v38, v3  }
0xe1: {  	v57 =	vshra.s32 v40, $0x2;
	v1 =	vand.u32 $0xFFFFC000, v28;
	v0 =	vor.u32 v50, v5;
	[tilespmem:$0x1F0] =	vst v3  }
0xe2: {  	v54 =	vshra.s32 v43, $0x2;
	v60 =	vand.u32 $0xFFFFC000, v57;
	v1 =	vor.u32 v26, v1;
	[tilespmem:$0xA0] =	vst v0  }
0xe3: {  	v55 =	vand.u32 $0x3FFF, v43;
	v56 =	vand.u32 $0xFFFFC000, v54;
	v0 =	vor.u32 v53, v60;
	[tilespmem:$0x90] =	vst v1  }
0xe4: {  	v59 =	vshra.s32 v49, $0x2;
	v1 =	vand.u32 $0xFFFFC000, v45;
	v58 =	vor.u32 v55, v56;
	[tilespmem:$0x150] =	vst v0  }
0xe5: {  	v62 =	vand.u32 $0x3FFF, v49;
	v61 =	vand.u32 $0xFFFFC000, v59;
	[tilespmem:$0x130] =	vst v58;
	v1 =	vor.u32 v44, v1  }
0xe6: {  	v63 =	vor.u32 v62, v61;
	[tilespmem:$0x190] =	vst v1  }
0xe7: {  	[tilespmem:$0x140] =	vst v63  }
0xe8: {  	[tilespmem:s9], [sflag:$0x1] =	stream.indirect.gather [hbm4b:s5+s10], $0x80, s2, s10, $0xb8;
	[tilespmem:$0x10200] =	vst v63  }
0xe9: {  	_ = 	snop  }
0xea: {  	[tilespmem:s6], [sflag:$0x2] =	stream.indirect.gather [hbm4b:s5+s10], $0x80, s10, s10, $0xb8;
	[tilespmem:$0x10200] =	vst v63  }
0xeb: {  	_ =	swait.ge [sflag:s11], $0x8000  }
0xec: {  	[sflag:s11] =	ssyncset.done $0x0  }
0xed: {  	[sflag:s11] =	ssyncadd.s32 $0xFFFF8000  }
0xee: {  	[hbm4b:s7+s2] =	stream.linear.scatter [tilespmem:s9], [sflag:$0x3], $0x8000, $0x38;
	[tilespmem:$0x10200] =	vst v63  }
0xef: {  	_ =	swait.ge [sflag:s3], $0x8000  }
0xf0: {  	[sflag:s3] =	ssyncset.done $0x0  }
0xf1: {  	[sflag:s3] =	ssyncadd.s32 $0xFFFF8000  }
0xf2: {  	_ =	swait.ge [sflag:s8], $0x8000  }
0xf3: {  	[sflag:s8] =	ssyncset.done $0x0  }
0xf4: {  	[sflag:s8] =	ssyncadd.s32 $0xFFFF8000  }
0xf5: {  	[hbm4b:s4+s2] =	stream.linear.scatter [tilespmem:s6], [sflag:$0x3], $0x8000, $0x38;
	[tilespmem:$0x10200] =	vst v63  }
0xf6: {  	_ =	swait.ge [sflag:s3], $0x8000  }
0xf7: {  	[sflag:s3] =	ssyncset.done $0x0  }
0xf8: {  	[sflag:s3] =	ssyncadd.s32 $0xFFFF8000  }
0xf9: {  	_ =	sfence.sel $0x180000  }
0xfa: {  	[bflag:$0x0] =	sbarrier.arrive $0xFFFF  }
0xfb: {  	p0 =	sne.s32 s1, $0x0;
	_ =	strace $0x90000047  }
0xfc: {  	s0 =	sadd.s32 @!p0 $0x100000, s0;
	[bflag:$0x2] =	sbarrier.arrive $0xFFFF  }
0xfd: {  	[sflag:s0] =	ssyncadd.tile.s32 @!p0 $0x1;
	_ =	shalt  }
.Lfunc_end2:
_tile_overlayer_lowered:
.L_overlay_start_2:
0xfe: {  	(tag) =	ssettag $0x2  }
0xff: {  	s0 =	rddreg [dreg:$0x0];
	s2 =	stileid.u32  }
0x100: {  	s1 =	rddreg [dreg:$0x1];
	p0 =	sne.s32 s2, $0x0  }
0x101: {  	s3 =	rddreg [dreg:$0x2];
	[bflag:$0x3] =	sbarrier.arrive $0xFFFF;
	s2 =	simm.s32 @!p0 $0x1C03  }
0x102: {  	[timem:s3], [sflag:s2] =	dma.local @!p0 [hbm:s0], s1  }
0x103: {  	s0 =	simm.s32 @!p0 $0x3  }
0x104: {  	_ =	swait.ge @!p0 [sflag:s0], s1  }
0x105: {  	s1 =	ssub.s32 @!p0 $0x0, s1;
	[sflag:s0] =	ssyncset.done @!p0 $0x0  }
0x106: {  	[sflag:s0] =	ssyncadd.s32 @!p0 s1  }
0x107: {  	[bflag:$0x3] =	sbarrier.arrive $0xFFFF  }
0x108: {  	_ =	shalt  }

// kernel: kernel.7.cloned.1.call-start
scs
__scs_entry_jumppad:
0x0: {  	(pc) =	sbr.rel $0x88, $3  }
0x1: {  	(tag) =	ssettag $0x0;
	lr =	simm.s32 $0x1  }
0x2: {  	[smem:$0x3F97] =	sst lr;
	_ =	strace $0xD0000000  }
0x3: {  	_ = 	snop  }
0x4: {  	_ = 	snop  }
0x5: {  	_ = 	snop  }
0x6: {  	_ = 	snop  }
0x7: {  	_ = 	snop  }
__scs_overlays_trampoline_lowered:
0x8: {  	[smem:$0x3FA6] =	sst s0  }
0x9: {  	[smem:$0x3FA7] =	sst s1  }
0xa: {  	[smem:$0x3FA8] =	sst s2  }
0xb: {  	[smem:$0x3FA9] =	sst s3  }
0xc: {  	[smem:$0x3FAA] =	sst s4  }
0xd: {  	[smem:$0x3FAB] =	sst s5  }
0xe: {  	[smem:$0x3FAC] =	sst s6  }
0xf: {  	[smem:$0x3FAD] =	sst s7  }
0x10: {  	[smem:$0x3FAE] =	sst s8  }
0x11: {  	[smem:$0x3FAF] =	sst s9;
	s0 =	simm.s32 @!p0 $0x0  }
0x12: {  	s1 =	sld [smem:$0x3F95];
	s0 =	simm.s32 @p0 $0x1  }
0x13: {  	[smem:$0x3FB0] =	sst s0;
	s0 =	simm.s32 @!p1 $0x0  }
0x14: {  	s2 =	sld [smem:$0x3F94];
	s0 =	simm.s32 @p1 $0x1  }
0x15: {  	[smem:$0x3FB1] =	sst s0;
	s0 =	simm.s32 @!p2 $0x0  }
0x16: {  	s3 =	sld [smem:$0x3FDB];
	s0 =	simm.s32 @p2 $0x1  }
0x17: {  	s4 =	simm.s32 $0x1BF5;
	[smem:$0x3FB3] =	sst s0  }
0x18: {  	s0 =	sld [smem:$0x3F96];
	_ =	swait.ge [sflag:s4], $0x0  }
0x19: {  	s7 =	sld [smem:$0x3F97]  }
0x1a: {  	s8 =	sadd.s32 $0xFFFFE003, lr  }
0x1b: {  	s9 =	sadd.s32 $0xFFFFFEF7, lr;
	s5 =	simm.s32 $0xFFFFFFFF;
	p2 =	slt.u32 s8, $0xFFFFF086  }
0x1c: {  	p1 =	slt.u32 s9, $0xF7A;
	s5 =	simm.s32 @!p2 $0x0  }
0x1d: {  	s5 =	simm.s32 @p1 $0x1;
	p0 =	seq.s32 s7, s2  }
0x1e: {  	s7 =	smul.u32 @!p0 $0xF7A, s2;
	p2 =	seq.s32 @!p0 s5, $0x0  }
0x1f: {  	s9 =	smul.u32 $0xF7A, s1;
	s8 =	simm.s32 @!p0 $0x1BF5;
	p2 =	por !p2, p0  }
0x20: {  	[sflag:s8] =	ssyncset.s32 @!p0 $0xFFFFF086;
	s6 =	sadd.s32 @!p0 s3, s7;
	s7 =	simm.s32 @!p0 $0x108  }
0x21: {  	s3 =	sadd.s32 s3, s9;
	s6 =	sadd.s32 @!p0 $0x88, s6;
	s7 =	simm.s32 @p2 $0x1082  }
0x22: {  	[simem:s7], [sflag:s8] =	dma.local @!p0 [hbm:s6], $0xF7A  }
0x23: {  	s9 =	sor.u32 $0xD0000000, s2;
	s6 =	simm.s32 $0x108;
	_ =	swait.ge @!p0 [sflag:s8], $0x0  }
0x24: {  	s3 =	sadd.s32 $0x88, s3;
	s6 =	simm.s32 @!p1 $0x1082;
	[sflag:s4] =	ssyncset.s32 $0xFFFFF086  }
0x25: {  	[simem:s6], [sflag:s4] =	dma.local [hbm:s3], $0xF7A  }
0x26: {  	[smem:$0x3F97] =	sst s1;
	(tag) =	ssettag s2;
	_ =	strace s9  }
0x27: {  	s1 =	sld [smem:$0x3FA7]  }
0x28: {  	s2 =	sld [smem:$0x3FA8]  }
0x29: {  	s4 =	sld [smem:$0x3FAA]  }
0x2a: {  	p0 =	seq.s32 s5, $0x0;
	s5 =	sld [smem:$0x3FAB]  }
0x2b: {  	s6 =	sld [smem:$0x3FAC]  }
0x2c: {  	s7 =	sld [smem:$0x3FAD]  }
0x2d: {  	s3 =	simm.s32 $0x108;
	s8 =	sld [smem:$0x3FAE]  }
0x2e: {  	s3 =	simm.s32 @!p0 $0x1082;
	s9 =	sld [smem:$0x3FAF]  }
0x2f: {  	lr =	sadd.s32 s0, s3;
	s0 =	sld [smem:$0x3FA6]  }
0x30: {  	s3 =	sld [smem:$0x3FA9]  }
0x31: {  	[smem:$0x3FB2] =	sst s10  }
0x32: {  	s10 =	sld [smem:$0x3FB0];
	_ =	sdelay $0x3  }
0x33: {  	p0 =	seq.s32 s10, $0x1;
	s10 =	sld [smem:$0x3FB2];
	_ =	sdelay $0x3  }
0x34: {  	[smem:$0x3FB2] =	sst s10  }
0x35: {  	s10 =	sld [smem:$0x3FB1];
	_ =	sdelay $0x3  }
0x36: {  	p1 =	seq.s32 s10, $0x1;
	s10 =	sld [smem:$0x3FB2];
	_ =	sdelay $0x3  }
0x37: {  	[smem:$0x3FB2] =	sst s10  }
0x38: {  	s10 =	sld [smem:$0x3FB3]  }
0x39: {  	_ = 	snop;
	(pc) =	sbr.ind lr, $3  }
0x3a: {  	_ = 	snop  }
0x3b: {  	_ = 	snop  }
0x3c: {  	p2 =	seq.s32 s10, $0x1;
	s10 =	sld [smem:$0x3FB2]  }
0x3d: {  	_ =	shalt  }
0x3e: {  	_ =	shalt  }
0x3f: {  	_ =	shalt  }
0x40: {  	_ =	shalt  }
0x41: {  	_ =	shalt  }
0x42: {  	_ =	shalt  }
0x43: {  	_ =	shalt  }
0x44: {  	_ =	shalt  }
0x45: {  	_ =	shalt  }
0x46: {  	_ =	shalt  }
0x47: {  	_ =	shalt  }
0x48: {  	_ =	shalt  }
0x49: {  	_ =	shalt  }
0x4a: {  	_ =	shalt  }
0x4b: {  	_ =	shalt  }
0x4c: {  	_ =	shalt  }
0x4d: {  	_ =	shalt  }
0x4e: {  	_ =	shalt  }
0x4f: {  	_ =	shalt  }
0x50: {  	_ =	shalt  }
0x51: {  	_ =	shalt  }
0x52: {  	_ =	shalt  }
0x53: {  	_ =	shalt  }
0x54: {  	_ =	shalt  }
0x55: {  	_ =	shalt  }
0x56: {  	_ =	shalt  }
0x57: {  	_ =	shalt  }
0x58: {  	_ =	shalt  }
0x59: {  	_ =	shalt  }
0x5a: {  	_ =	shalt  }
0x5b: {  	_ =	shalt  }
0x5c: {  	_ =	shalt  }
0x5d: {  	_ =	shalt  }
0x5e: {  	_ =	shalt  }
0x5f: {  	_ =	shalt  }
0x60: {  	_ =	shalt  }
0x61: {  	_ =	shalt  }
0x62: {  	_ =	shalt  }
0x63: {  	_ =	shalt  }
0x64: {  	_ =	shalt  }
0x65: {  	_ =	shalt  }
0x66: {  	_ =	shalt  }
0x67: {  	_ =	shalt  }
0x68: {  	_ =	shalt  }
0x69: {  	_ =	shalt  }
0x6a: {  	_ =	shalt  }
0x6b: {  	_ =	shalt  }
0x6c: {  	_ =	shalt  }
0x6d: {  	_ =	shalt  }
0x6e: {  	_ =	shalt  }
0x6f: {  	_ =	shalt  }
0x70: {  	_ =	shalt  }
0x71: {  	_ =	shalt  }
0x72: {  	_ =	shalt  }
0x73: {  	_ =	shalt  }
0x74: {  	_ =	shalt  }
0x75: {  	_ =	shalt  }
0x76: {  	_ =	shalt  }
0x77: {  	_ =	shalt  }
0x78: {  	_ =	shalt  }
0x79: {  	_ =	shalt  }
0x7a: {  	_ =	shalt  }
0x7b: {  	_ =	shalt  }
0x7c: {  	_ =	shalt  }
0x7d: {  	_ =	shalt  }
0x7e: {  	_ =	shalt  }
0x7f: {  	_ =	shalt  }
0x80: {  	_ =	shalt  }
0x81: {  	_ =	shalt  }
0x82: {  	_ =	shalt  }
0x83: {  	_ =	shalt  }
0x84: {  	_ =	shalt  }
0x85: {  	_ =	shalt  }
0x86: {  	_ =	shalt  }
0x87: {  	_ =	shalt  }
.Lfunc_end0:
.L_simem_size_0:
called_computation_lowered:
.L_overlay_start_0:
0x88: {  	s2 =	sld [smem:$0x3FD9]  }
0x89: {  	s3 =	sld [smem:$0x3FFE];
	_ =	sdelay $0x1  }
0x8a: {  	s1 =	srdreg.scid  }
0x8b: {  	s0 =	sand.u32 $0x1, s1  }
0x8c: {  	s17 =	sshll.u32 s0, $0xA;
	s2 =	sadd.s32 s3, s2  }
0x8d: {  	s2 =	sadd.s32 s2, s17  }
0x8e: {  	[smem:$0x3FBE] =	sst s2  }
0x8f: {  	_ = 	snop  }
0x90: {  	s18 =	sld [smem:$0x3FC8];
	(tm) =	ssettm $0x1  }
0x91: {  	s19 =	sld [smem:$0x3FFB];
	_ =	sdelay $0x3  }
0x92: {  	_ =	strace s19  }
0x93: {  	s2 =	sld [smem:$0x3FFC];
	_ =	sdelay $0x3  }
0x94: {  	_ =	strace s2  }
0x95: {  	s2 =	sld [smem:$0x3FFD];
	_ =	sdelay $0x3  }
0x96: {  	_ =	strace s2  }
0x97: {  	_ =	strace $0x8FFFFFFF  }
0x98: {  	s20 =	sld [smem:$0x3FDB];
	_ =	sdelay $0x1  }
0x99: {  	s4 =	simm.s32 $_scs_section_size  }
0x9a: {  	s5 =	simm.s32 $_size__tile_overlayer_lowered;
	s6 =	simm.s32 $_tile_overlayer_lowered  }
0x9b: {  	s7 =	simm.s32 $0x1BFF;
	s21 =	sshll.u32 s6, $0x1;
	s4 =	sadd.s32 s4, s20  }
0x9c: {  	s22 =	simm.s32 $0x0;
	s5 =	sshll.u32 s5, $0x1;
	s6 =	sadd.s32 s21, s4  }
0x9d: {  	[timem:s22], [sflag:s7] =	dma.local [hbm:s6], s5  }
0x9e: {  	_ =	swait.ge [sflag:s7], s5  }
0x9f: {  	s5 =	ssub.s32 $0x0, s5;
	[sflag:s7] =	ssyncset.done $0x0  }
0xa0: {  	[sflag:s7] =	ssyncadd.s32 s5;
	_ =	sdelay $0x1  }
0xa1: {  	s23 =	simm.s32 $0x1B8B  }
0xa2: {  	_ =	swait.ge [sflag:s23], $0x1  }
0xa3: {  	[sflag:s23] =	ssyncset.done $0x0  }
0xa4: {  	[sflag:s23] =	ssyncadd.s32 $0xFFFFFFFF  }
0xa5: {  	s5 =	sld [smem:$0x0]  }
0xa6: {  	s6 =	sand.u32 $0xFFFFFFFE, s1  }
0xa7: {  	p0 =	sne.s32 s1, s6  }
0xa8: {  	s6 =	sshll.u32 @p0 s6, $0xE  }
0xa9: {  	s6 =	sadd.s32 @p0 $0x11B8D, s6;
	s7 =	sshll.u32 @p0 s5, $0x11  }
0xaa: {  	s6 =	sor.u32 @p0 s7, s6  }
0xab: {  	[sflag:s6] =	ssyncadd.remote.s32 @p0 $0x1;
	_ =	sdelay $0x1  }
0xac: {  	s6 =	simm.s32 @p0 $0x1B8D  }
0xad: {  	_ =	swait.eq @p0 [sflag:s6], $0x1  }
0xae: {  	[sflag:s6] =	ssyncadd.s32 @p0 $0xFFFFFFFF  }
0xaf: {  	s7 =	sshll.u32 @!p0 s1, $0xE  }
0xb0: {  	s7 =	sor.u32 @!p0 $0x4000, s7;
	s6 =	simm.s32 @!p0 $0x1B8D  }
0xb1: {  	s5 =	sshll.u32 @!p0 s5, $0x11;
	s7 =	sadd.s32 @!p0 $0x11B8D, s7;
	_ =	swait.eq @!p0 [sflag:s6], $0x1  }
0xb2: {  	s5 =	sor.u32 @!p0 s5, s7;
	[sflag:s6] =	ssyncadd.s32 @!p0 $0xFFFFFFFF  }
0xb3: {  	s25 =	simm.s32 $0x1B8E;
	s24 =	sld [smem:$0x3FFE];
	[sflag:s5] =	ssyncadd.remote.s32 @!p0 $0x1  }
0xb4: {  	s26 =	simm.s32 $execute0_lowered;
	[smem:$0x3FD2] =	sst s25  }
0xb5: {  	s6 =	sshll.u32 s26, $0x1;
	_ =	strace $0x80000049;
	[dreg:$0x1] =	wrdreg $0xFFFFFFFF  }
0xb6: {  	s28 =	simm.s32 $_size_execute0_lowered;
	s4 =	sadd.s32 s4, s6;
	[dreg:$0x0] =	wrdreg $0x0  }
0xb7: {  	s6 =	sshll.u32 s28, $0x1;
	[dreg:$0x2] =	wrdreg s4  }
0xb8: {  	[dreg:$0x3] =	wrdreg s6  }
0xb9: {  	[dreg:$0x4] =	wrdreg $0xC0  }
0xba: {  	_ =	task [dreg:s22], $0x5FFFF  }
0xbb: {  	[dreg:$0x1] =	wrdreg $0xFFFFFFFF  }
0xbc: {  	[dreg:$0x0] =	wrdreg $0x60  }
0xbd: {  	[dreg:$0x2] =	wrdreg s24  }
0xbe: {  	[dreg:$0x3] =	wrdreg s18  }
0xbf: {  	[dreg:$0x4] =	wrdreg $0x9  }
0xc0: {  	_ =	task.clear_ibuf [dreg:s22], $0x5FFFF;
	_ =	strace $0x90000049  }
0xc1: {  	s29 =	simm.s32 $0x9;
	_ =	strace $0x8000004B  }
0xc2: {  	_ =	swait.ge [sflag:s29], $0x1  }
0xc3: {  	[sflag:s29] =	ssyncadd.s32 $0xFFFFFFFF  }
0xc4: {  	_ =	strace $0x9000004B  }
0xc5: {  	_ =	sfence  }
0xc6: {  	s30 =	sld [smem:$0x0];
	_ =	sdelay $0x2  }
0xc7: {  	s31 =	sshll.u32 s1, $0xD;
	s1 =	sshrl.u32 s1, $0x2  }
0xc8: {  	s4 =	sand.u32 $0x4000, s31;
	s1 =	sadd.s32 s1, s30  }
0xc9: {  	s0 =	sor.u32 s4, s0;
	s1 =	sshll.u32 s1, $0x11  }
0xca: {  	s0 =	sor.u32 s1, s0  }
0xcb: {  	s0 =	sadd.s32 $0x8F2B, s0  }
0xcc: {  	[sflag:s0] =	ssyncadd.remote.s32 $0x1  }
0xcd: {  	_ =	sfence.sel $0xFFFF  }
0xce: {  	[dreg:$0x0] =	wrdreg $0xFFFFFFFF;
	(pc) =	sbr.abs _section_cstart, $3  }
0xcf: {  	[dreg:$0x1] =	wrdreg $0xFFFFFFFF  }
0xd0: {  	_ =	task.clear_ibuf [dreg:s22], $0x2FFFF;
	_ =	strace $0x9FFFFFFF  }
0xd1: {  	(tm) =	ssettm $0x7FFFFFFF  }
tec
execute0_lowered:
.L_overlay_start_1:
0x0: {  	(tag) =	ssettag $0x1  }
0x1: {  	s5 =	srdreg.scid  }
0x2: {  	s3 =	rddreg [dreg:$0x0];
	s6 =	sand.u32 $0x1, s5  }
0x3: {  	s4 =	rddreg [dreg:$0x1];
	s8 =	sshll.u32 s6, $0x9;
	s6 =	ssub.s32 $0x2, s6  }
0x4: {  	s0 =	rddreg [dreg:$0x2];
	s2 =	simm.s32 $0x0;
	s9 =	sshrl.u32 s6, $0x1  }
0x5: {  	s1 =	stileid.u32;
	s10 =	simm.s32 $0x100;
	s6 =	ssub.s32 s6, s9  }
0x6: {  	s11 =	simm.s32 $0x1;
	p0 =	por $0x0, $0x0;
	s13 =	smax.u32 s6, $0x1  }
0x7: {  	[smem:$0x7FF] =	sst s2;
	s7 =	sshll.u32 s1, $0xA;
	p1 =	sne.s32 s13, $0x1  }
.Ltmp0:
0x8: {  	s5 =	sadd.s32 $0x441C00, s3;
	s7 =	sor.u32 s8, s7;
	(pc) =	sbr.rel @!p1 .LBB2_3-.Ltmp0, $4  }
0x9: {  	_ =	strace $0x8000004A;
	s8 =	sshll.u32 s7, $0x4;
	s7 =	sshrl.u32 s7, $0x3  }
0xa: {  	s9 =	simm.s32 $0x200;
	s3 =	sadd.s32 s8, s3;
	s12 =	sadd.s32 s4, s7  }
0xb: {  	s6 =	simm.s32 $0x8200;
	s8 =	simm.s32 $0x2;
	s7 =	sadd.s32 $0x4C1C00, s3  }
0xc: {  	s4 =	sadd.s32 $0x4C2C00, s3;
	s3 =	simm.s32 $0x3;
	s13 =	sadd.s32 $0xFFFFFFFF, s13  }
0xd: {  	[tilespmem:s2], [sflag:$0x3] =	stream.linear.gather [hbm4b:s12+s2], $0x200, $0x38;
	[tilespmem:$0x10200] =	vst v63  }
0xe: {  	_ =	swait.ge [sflag:s3], $0x200  }
0xf: {  	[sflag:s3] =	ssyncset.done $0x0  }
0x10: {  	[sflag:s3] =	ssyncadd.s32 $0xFFFFFE00  }
0x11: {  	v0 =	vld [tilespmem:$0x180]  }
0x12: {  	v1 =	vld [tilespmem:$0x120]  }
0x13: {  	v2 =	vld [tilespmem:$0xD0]  }
0x14: {  	v3 =	vld [tilespmem:$0x1C0]  }
0x15: {  	v4 =	vld [tilespmem:$0x1B0]  }
0x16: {  	v6 =	vld [tilespmem:$0x1A0]  }
0x17: {  	v38 =	vld [tilespmem:$0x1D0]  }
0x18: {  	v39 =	vld [tilespmem:$0x160]  }
0x19: {  	v10 =	vld [tilespmem:$0x50]  }
0x1a: {  	v12 =	vld [tilespmem:$0x30]  }
0x1b: {  	v40 =	vld [tilespmem:$0x40]  }
0x1c: {  	v14 =	vld [tilespmem:$0x0]  }
0x1d: {  	v16 =	vld [tilespmem:$0x20]  }
0x1e: {  	v43 =	vld [tilespmem:$0xF0]  }
0x1f: {  	v44 =	vld [tilespmem:$0x80]  }
0x20: {  	v45 =	vld [tilespmem:$0x1E0];
	v5 =	vshra.s32 v0, $0x2  }
0x21: {  	v47 =	vld [tilespmem:$0x70];
	v7 =	vshra.s32 v1, $0x2;
	v0 =	vand.u32 $0x3FFF, v0;
	v1 =	vand.u32 $0x3FFF, v1  }
0x22: {  	v49 =	vld [tilespmem:$0x10];
	v8 =	vand.u32 $0x3FFF, v2;
	v9 =	vshra.s32 v3, $0x2;
	v2 =	vshra.s32 v2, $0x2  }
0x23: {  	v53 =	vld [tilespmem:$0x60];
	v11 =	vshra.s32 v4, $0x2;
	v4 =	vand.u32 $0x3FFF, v4;
	v13 =	vshra.s32 v6, $0x2  }
0x24: {  	v55 =	vld [tilespmem:$0xE0];
	v6 =	vand.u32 $0x3FFF, v6;
	v3 =	vand.u32 $0x3FFF, v3;
	v41 =	vshra.s32 v38, $0x2  }
0x25: {  	v58 =	vld [tilespmem:$0xC0];
	v15 =	vshra.s32 v39, $0x2;
	v42 =	vshra.s32 v10, $0x2;
	v17 =	vand.u32 $0x3FFF, v12  }
0x26: {  	v20 =	vld [tilespmem:$0x110];
	v10 =	vand.u32 $0x3FFF, v10;
	v12 =	vshra.s32 v12, $0x2;
	v18 =	vand.u32 $0x3FFF, v40  }
0x27: {  	v24 =	vld [tilespmem:$0x100];
	v46 =	vshra.s32 v14, $0x2;
	v14 =	vand.u32 $0x3FFF, v14;
	v50 =	vand.u32 $0x3FFF, v16  }
0x28: {  	v51 =	vshra.s32 v16, $0x2;
	v52 =	vand.u32 $0x3FFF, v43;
	v54 =	vshra.s32 v44, $0x2  }
0x29: {  	v56 =	vshra.s32 v45, $0x2;
	v59 =	vshra.s32 v47, $0x2;
	v61 =	vshra.s32 v49, $0x2  }
0x2a: {  	v21 =	vand.u32 $0x3FFF, v53;
	v22 =	vshra.s32 v55, $0x2;
	v23 =	vshra.s32 v58, $0x2  }
0x2b: {  	v30 =	vand.u32 $0x3FFF, v20;
	v33 =	vshra.s32 v20, $0x2;
	v7 =	vand.u32 $0xFFFFC000, v7  }
0x2c: {  	v34 =	vshra.s32 v24, $0x2;
	v11 =	vand.u32 $0xFFFFC000, v11;
	v1 =	vor.u32 v1, v7  }
0x2d: {  	v5 =	vand.u32 $0xFFFFC000, v5;
	v9 =	vand.u32 $0xFFFFC000, v9;
	v4 =	vor.u32 v4, v11;
	[tilespmem:$0x120] =	vst v1  }
0x2e: {  	v27 =	vld [tilespmem:$0x1F0];
	v13 =	vand.u32 $0xFFFFC000, v13;
	v15 =	vand.u32 $0xFFFFC000, v15;
	v0 =	vor.u32 v0, v5;
	[tilespmem:$0x1B0] =	vst v4  }
0x2f: {  	v29 =	vld [tilespmem:$0xB0];
	v12 =	vand.u32 $0xFFFFC000, v12;
	v57 =	vand.u32 $0xFFFFC000, v54;
	v6 =	vor.u32 v6, v13;
	[tilespmem:$0x180] =	vst v0  }
0x30: {  	v62 =	vand.u32 $0xFFFFC000, v59;
	v19 =	vand.u32 $0xFFFFC000, v56;
	v3 =	vor.u32 v3, v9;
	[tilespmem:$0x1A0] =	vst v6  }
0x31: {  	v2 =	vand.u32 $0xFFFFC000, v2;
	v7 =	vand.u32 $0x3FFF, v39;
	v12 =	vor.u32 v17, v12;
	[tilespmem:$0x1C0] =	vst v3  }
0x32: {  	v13 =	vand.u32 $0xFFFFC000, v41;
	v9 =	vand.u32 $0xFFFFC000, v42;
	v2 =	vor.u32 v8, v2;
	[tilespmem:$0x30] =	vst v12  }
0x33: {  	v5 =	vand.u32 $0x3FFF, v38;
	v11 =	vshra.s32 v40, $0x2;
	v9 =	vor.u32 v10, v9;
	[tilespmem:$0xD0] =	vst v2  }
0x34: {  	v38 =	vand.u32 $0x3FFF, v27;
	v39 =	vshra.s32 v29, $0x2;
	v5 =	vor.u32 v5, v13;
	[tilespmem:$0x50] =	vst v9  }
0x35: {  	v31 =	vld [tilespmem:$0x190];
	v42 =	vand.u32 $0x3FFF, v29;
	v7 =	vor.u32 v7, v15;
	v13 =	vand.u32 $0xFFFFC000, v46;
	[tilespmem:$0x1D0] =	vst v5  }
0x36: {  	v11 =	vand.u32 $0xFFFFC000, v11;
	v6 =	vand.u32 $0xFFFFC000, v51;
	v48 =	vor.u32 v14, v13;
	[tilespmem:$0x160] =	vst v7  }
0x37: {  	v10 =	vshra.s32 v43, $0x2;
	v15 =	vand.u32 $0x3FFF, v44;
	v11 =	vor.u32 v18, v11;
	[tilespmem:$0x0] =	vst v48  }
0x38: {  	v4 =	vand.u32 $0x3FFF, v47;
	v1 =	vand.u32 $0x3FFF, v45;
	v6 =	vor.u32 v50, v6;
	[tilespmem:$0x40] =	vst v11  }
0x39: {  	v3 =	vand.u32 $0x3FFF, v58;
	v2 =	vand.u32 $0xFFFFC000, v34;
	v60 =	vor.u32 v15, v57;
	[tilespmem:$0x20] =	vst v6  }
0x3a: {  	v41 =	vand.u32 $0xFFFFC000, v39;
	v44 =	vand.u32 $0x3FFF, v31;
	v63 =	vor.u32 v4, v62;
	[tilespmem:$0x80] =	vst v60  }
0x3b: {  	v35 =	vld [tilespmem:$0x170];
	v13 =	vand.u32 $0x3FFF, v49;
	v14 =	vand.u32 $0xFFFFC000, v61;
	v1 =	vor.u32 v1, v19;
	[tilespmem:$0x70] =	vst v63  }
0x3c: {  	v45 =	vshra.s32 v31, $0x2;
	v10 =	vand.u32 $0xFFFFC000, v10;
	v13 =	vor.u32 v13, v14;
	[tilespmem:$0x1E0] =	vst v1  }
0x3d: {  	v32 =	vld [tilespmem:$0xA0];
	v9 =	vshra.s32 v53, $0x2;
	v7 =	vand.u32 $0x3FFF, v24;
	v10 =	vor.u32 v52, v10;
	[tilespmem:$0x10] =	vst v13  }
0x3e: {  	v46 =	vshra.s32 v27, $0x2;
	v25 =	vand.u32 $0xFFFFC000, v9;
	v2 =	vor.u32 v7, v2;
	[tilespmem:$0xF0] =	vst v10  }
0x3f: {  	v17 =	vld [tilespmem:$0x90];
	v5 =	vand.u32 $0x3FFF, v55;
	v11 =	vand.u32 $0xFFFFC000, v22;
	v0 =	vor.u32 v21, v25;
	[tilespmem:$0x100] =	vst v2  }
0x40: {  	v40 =	vld [tilespmem:$0x150];
	v51 =	vshra.s32 v35, $0x2;
	v6 =	vand.u32 $0xFFFFC000, v23;
	v36 =	vor.u32 v5, v11;
	[tilespmem:$0x60] =	vst v0  }
0x41: {  	v48 =	vand.u32 $0x3FFF, v35;
	v52 =	vand.u32 $0xFFFFC000, v51;
	v3 =	vor.u32 v3, v6;
	[tilespmem:$0xE0] =	vst v36  }
0x42: {  	v43 =	vld [tilespmem:$0x130];
	v47 =	vshra.s32 v32, $0x2;
	v10 =	vand.u32 $0xFFFFC000, v33;
	v2 =	vor.u32 v48, v52;
	[tilespmem:$0xC0] =	vst v3  }
0x43: {  	v50 =	vand.u32 $0x3FFF, v32;
	v5 =	vand.u32 $0xFFFFC000, v47;
	v37 =	vor.u32 v30, v10;
	[tilespmem:$0x170] =	vst v2  }
0x44: {  	v49 =	vld [tilespmem:$0x140];
	v26 =	vand.u32 $0x3FFF, v17;
	v0 =	vor.u32 v42, v41;
	v3 =	vand.u32 $0xFFFFC000, v46;
	[tilespmem:$0x110] =	vst v37  }
0x45: {  	v28 =	vshra.s32 v17, $0x2;
	v53 =	vand.u32 $0x3FFF, v40;
	[tilespmem:$0xB0] =	vst v0;
	v3 =	vor.u32 v38, v3  }
0x46: {  	v57 =	vshra.s32 v40, $0x2;
	v1 =	vand.u32 $0xFFFFC000, v28;
	v0 =	vor.u32 v50, v5;
	[tilespmem:$0x1F0] =	vst v3  }
0x47: {  	v54 =	vshra.s32 v43, $0x2;
	v60 =	vand.u32 $0xFFFFC000, v57;
	v1 =	vor.u32 v26, v1;
	[tilespmem:$0xA0] =	vst v0  }
0x48: {  	v55 =	vand.u32 $0x3FFF, v43;
	v56 =	vand.u32 $0xFFFFC000, v54;
	v0 =	vor.u32 v53, v60;
	[tilespmem:$0x90] =	vst v1  }
0x49: {  	v59 =	vshra.s32 v49, $0x2;
	v1 =	vand.u32 $0xFFFFC000, v45;
	v58 =	vor.u32 v55, v56;
	[tilespmem:$0x150] =	vst v0  }
0x4a: {  	v62 =	vand.u32 $0x3FFF, v49;
	v61 =	vand.u32 $0xFFFFC000, v59;
	[tilespmem:$0x130] =	vst v58;
	v1 =	vor.u32 v44, v1  }
0x4b: {  	v63 =	vor.u32 v62, v61;
	[tilespmem:$0x190] =	vst v1  }
0x4c: {  	[tilespmem:$0x140] =	vst v63  }
0x4d: {  	[tilespmem:s9], [sflag:$0x1] =	stream.indirect.gather [hbm4b:s5+s10], $0x80, s2, s10, $0xb8;
	[tilespmem:$0x10200] =	vst v63  }
0x4e: {  	_ = 	snop  }
0x4f: {  	[tilespmem:s6], [sflag:$0x2] =	stream.indirect.gather [hbm4b:s5+s10], $0x80, s10, s10, $0xb8;
	[tilespmem:$0x10200] =	vst v63  }
0x50: {  	_ =	swait.ge [sflag:s11], $0x8000  }
0x51: {  	[sflag:s11] =	ssyncset.done $0x0  }
0x52: {  	p1 =	sne.s32 s13, $0x1;
	[sflag:s11] =	ssyncadd.s32 $0xFFFF8000  }
0x53: {  	[hbm4b:s7+s2] =	stream.linear.scatter [tilespmem:s9], [sflag:$0x3], $0x8000, $0x38;
	[tilespmem:$0x10200] =	vst v63  }
.Ltmp1:
0x54: {  	_ = 	snop;
	(pc) =	sbr.rel @!p1 .LBB2_3-.Ltmp1, $4  }
0x55: {  	_ =	swait.ge [sflag:s3], $0x8000  }
0x56: {  	[sflag:s3] =	ssyncset.done $0x0  }
0x57: {  	[sflag:s3] =	ssyncadd.s32 $0xFFFF8000  }
0x58: {  	s13 =	sadd.s32 $0xFFFFFFFF, s13;
	p0 =	por $0x1, $0x1;
	_ =	swait.ge [sflag:s8], $0x8000  }
.LBB2_2:
0x59: {  	p1 =	sne.s32 s13, $0x1;
	s13 =	sadd.s32 $0xFFFFFFFF, s13;
	[sflag:s8] =	ssyncset.done $0x0  }
0x5a: {  	[sflag:s8] =	ssyncadd.s32 $0xFFFF8000  }
0x5b: {  	[hbm4b:s4+s2] =	stream.linear.scatter [tilespmem:s6], [sflag:$0x3], $0x8000, $0x38;
	[tilespmem:$0x10200] =	vst v63  }
0x5c: {  	_ =	swait.ge [sflag:s3], $0x8000  }
0x5d: {  	[sflag:s3] =	ssyncset.done $0x0  }
0x5e: {  	[sflag:s3] =	ssyncadd.s32 $0xFFFF8000  }
0x5f: {  	[tilespmem:s2], [sflag:$0x3] =	stream.linear.gather [hbm4b:s12+s2], $0x200, $0x38;
	[tilespmem:$0x10200] =	vst v63  }
0x60: {  	_ =	swait.ge [sflag:s3], $0x200  }
0x61: {  	[sflag:s3] =	ssyncset.done $0x0  }
0x62: {  	[sflag:s3] =	ssyncadd.s32 $0xFFFFFE00  }
0x63: {  	v0 =	vld [tilespmem:$0x180]  }
0x64: {  	v1 =	vld [tilespmem:$0x120]  }
0x65: {  	v2 =	vld [tilespmem:$0xD0]  }
0x66: {  	v3 =	vld [tilespmem:$0x1C0]  }
0x67: {  	v4 =	vld [tilespmem:$0x1B0]  }
0x68: {  	v5 =	vshra.s32 v0, $0x2;
	v6 =	vld [tilespmem:$0x1A0]  }
0x69: {  	v0 =	vand.u32 $0x3FFF, v0;
	v7 =	vshra.s32 v1, $0x2;
	v5 =	vand.u32 $0xFFFFC000, v5  }
0x6a: {  	v1 =	vand.u32 $0x3FFF, v1;
	v7 =	vand.u32 $0xFFFFC000, v7;
	v0 =	vor.u32 v0, v5;
	v5 =	vld [tilespmem:$0x1D0]  }
0x6b: {  	v8 =	vand.u32 $0x3FFF, v2;
	v1 =	vor.u32 v1, v7;
	v7 =	vld [tilespmem:$0x160];
	v9 =	vshra.s32 v3, $0x2  }
0x6c: {  	v2 =	vshra.s32 v2, $0x2;
	v10 =	vld [tilespmem:$0x50];
	[tilespmem:$0x120] =	vst v1;
	v1 =	vshra.s32 v4, $0x2;
	v4 =	vand.u32 $0x3FFF, v4  }
0x6d: {  	v9 =	vand.u32 $0xFFFFC000, v9;
	v11 =	vld [tilespmem:$0x30];
	v12 =	vshra.s32 v6, $0x2;
	v1 =	vand.u32 $0xFFFFC000, v1  }
0x6e: {  	v6 =	vand.u32 $0x3FFF, v6;
	v12 =	vand.u32 $0xFFFFC000, v12;
	v1 =	vor.u32 v4, v1  }
0x6f: {  	v4 =	vld [tilespmem:$0x40];
	v6 =	vor.u32 v6, v12;
	[tilespmem:$0x1B0] =	vst v1;
	v1 =	vand.u32 $0x3FFF, v3;
	v3 =	vshra.s32 v5, $0x2  }
0x70: {  	v12 =	vld [tilespmem:$0x0];
	v13 =	vshra.s32 v7, $0x2;
	v7 =	vand.u32 $0x3FFF, v7;
	v1 =	vor.u32 v1, v9  }
0x71: {  	v9 =	vshra.s32 v10, $0x2;
	v13 =	vand.u32 $0xFFFFC000, v13;
	[tilespmem:$0x180] =	vst v0;
	v0 =	vand.u32 $0xFFFFC000, v3;
	v3 =	vld [tilespmem:$0x1E0]  }
0x72: {  	v10 =	vand.u32 $0x3FFF, v10;
	v14 =	vld [tilespmem:$0x20];
	v15 =	vand.u32 $0x3FFF, v11;
	v9 =	vand.u32 $0xFFFFC000, v9  }
0x73: {  	v5 =	vand.u32 $0x3FFF, v5;
	v11 =	vshra.s32 v11, $0x2;
	v9 =	vor.u32 v10, v9;
	v10 =	vld [tilespmem:$0xF0];
	[tilespmem:$0x1A0] =	vst v6  }
0x74: {  	v7 =	vor.u32 v7, v13;
	v0 =	vor.u32 v5, v0;
	v6 =	vand.u32 $0x3FFF, v4;
	[tilespmem:$0x50] =	vst v9;
	v9 =	vld [tilespmem:$0x80]  }
0x75: {  	v11 =	vand.u32 $0xFFFFC000, v11;
	v5 =	vshra.s32 v12, $0x2;
	v12 =	vand.u32 $0x3FFF, v12;
	v13 =	vld [tilespmem:$0x70];
	[tilespmem:$0x1D0] =	vst v0  }
0x76: {  	v4 =	vshra.s32 v4, $0x2;
	v0 =	vand.u32 $0xFFFFC000, v5;
	v5 =	vor.u32 v15, v11;
	v11 =	vld [tilespmem:$0x60];
	[tilespmem:$0x1C0] =	vst v1  }
0x77: {  	v4 =	vand.u32 $0xFFFFC000, v4;
	v0 =	vor.u32 v12, v0;
	v1 =	vld [tilespmem:$0x10];
	v12 =	vand.u32 $0x3FFF, v14;
	[tilespmem:$0x160] =	vst v7  }
0x78: {  	v4 =	vor.u32 v6, v4;
	[tilespmem:$0x0] =	vst v0;
	v0 =	vshra.s32 v14, $0x2;
	v6 =	vand.u32 $0x3FFF, v10  }
0x79: {  	v7 =	vshra.s32 v10, $0x2;
	v10 =	vshra.s32 v3, $0x2;
	v0 =	vand.u32 $0xFFFFC000, v0;
	[tilespmem:$0x40] =	vst v4;
	v4 =	vld [tilespmem:$0xE0]  }
0x7a: {  	v3 =	vand.u32 $0x3FFF, v3;
	v0 =	vor.u32 v12, v0;
	[tilespmem:$0x30] =	vst v5;
	v5 =	vshra.s32 v9, $0x2;
	v12 =	vld [tilespmem:$0xC0]  }
0x7b: {  	v10 =	vand.u32 $0xFFFFC000, v10;
	[tilespmem:$0x20] =	vst v0;
	v0 =	vand.u32 $0xFFFFC000, v5;
	v5 =	vand.u32 $0x3FFF, v9;
	v9 =	vld [tilespmem:$0x90]  }
0x7c: {  	v14 =	vshra.s32 v13, $0x2;
	v13 =	vand.u32 $0x3FFF, v13;
	v0 =	vor.u32 v5, v0  }
0x7d: {  	v14 =	vand.u32 $0xFFFFC000, v14;
	v5 =	vshra.s32 v1, $0x2;
	v1 =	vand.u32 $0x3FFF, v1;
	[tilespmem:$0x80] =	vst v0  }
0x7e: {  	v13 =	vor.u32 v13, v14;
	v0 =	vand.u32 $0xFFFFC000, v5;
	v5 =	vand.u32 $0x3FFF, v11;
	v14 =	vld [tilespmem:$0x110]  }
0x7f: {  	v3 =	vor.u32 v3, v10;
	v0 =	vor.u32 v1, v0;
	v1 =	vshra.s32 v4, $0x2;
	[tilespmem:$0x70] =	vst v13;
	v13 =	vld [tilespmem:$0x100]  }
0x80: {  	v7 =	vand.u32 $0xFFFFC000, v7;
	v4 =	vand.u32 $0x3FFF, v4;
	v10 =	vshra.s32 v12, $0x2;
	[tilespmem:$0x1E0] =	vst v3  }
0x81: {  	v2 =	vand.u32 $0xFFFFC000, v2;
	v3 =	vor.u32 v6, v7;
	[tilespmem:$0x10] =	vst v0;
	v0 =	vshra.s32 v11, $0x2  }
0x82: {  	v2 =	vor.u32 v8, v2;
	v6 =	vand.u32 $0x3FFF, v9;
	v0 =	vand.u32 $0xFFFFC000, v0;
	[tilespmem:$0xF0] =	vst v3;
	v3 =	vld [tilespmem:$0x1F0]  }
0x83: {  	v7 =	vshra.s32 v9, $0x2;
	v9 =	vand.u32 $0xFFFFC000, v10;
	v8 =	vld [tilespmem:$0xB0];
	[tilespmem:$0xD0] =	vst v2;
	v2 =	vand.u32 $0x3FFF, v14  }
0x84: {  	v1 =	vand.u32 $0xFFFFC000, v1;
	v10 =	vand.u32 $0x3FFF, v12;
	v7 =	vand.u32 $0xFFFFC000, v7;
	v11 =	vld [tilespmem:$0x190]  }
0x85: {  	v0 =	vor.u32 v5, v0;
	v5 =	vor.u32 v6, v7;
	v7 =	vshra.s32 v14, $0x2;
	v6 =	vld [tilespmem:$0xA0]  }
0x86: {  	v12 =	vand.u32 $0x3FFF, v13;
	v7 =	vand.u32 $0xFFFFC000, v7;
	[tilespmem:$0x60] =	vst v0;
	v0 =	vshra.s32 v13, $0x2;
	v13 =	vld [tilespmem:$0x170]  }
0x87: {  	v1 =	vor.u32 v4, v1;
	v2 =	vor.u32 v2, v7;
	[tilespmem:$0x90] =	vst v5;
	v4 =	vand.u32 $0x3FFF, v3  }
0x88: {  	v7 =	vor.u32 v10, v9;
	v0 =	vand.u32 $0xFFFFC000, v0;
	v5 =	vshra.s32 v8, $0x2;
	[tilespmem:$0xE0] =	vst v1;
	v1 =	vld [tilespmem:$0x150]  }
0x89: {  	v8 =	vand.u32 $0x3FFF, v8;
	v5 =	vand.u32 $0xFFFFC000, v5;
	[tilespmem:$0xC0] =	vst v7;
	v7 =	vld [tilespmem:$0x130];
	v9 =	vand.u32 $0x3FFF, v11  }
0x8a: {  	v3 =	vshra.s32 v3, $0x2;
	v5 =	vor.u32 v8, v5;
	[tilespmem:$0x110] =	vst v2;
	v2 =	vld [tilespmem:$0x140];
	v8 =	vshra.s32 v11, $0x2  }
0x8b: {  	v3 =	vand.u32 $0xFFFFC000, v3;
	v10 =	vshra.s32 v6, $0x2;
	[tilespmem:$0xB0] =	vst v5;
	v5 =	vand.u32 $0x3FFF, v13  }
0x8c: {  	v0 =	vor.u32 v12, v0;
	v6 =	vand.u32 $0x3FFF, v6;
	v11 =	vshra.s32 v13, $0x2  }
0x8d: {  	v10 =	vand.u32 $0xFFFFC000, v10;
	v11 =	vand.u32 $0xFFFFC000, v11;
	[tilespmem:$0x100] =	vst v0;
	v0 =	vand.u32 $0x3FFF, v1  }
0x8e: {  	v3 =	vor.u32 v4, v3;
	v1 =	vshra.s32 v1, $0x2;
	v5 =	vor.u32 v5, v11  }
0x8f: {  	v8 =	vand.u32 $0xFFFFC000, v8;
	v4 =	vshra.s32 v7, $0x2;
	v7 =	vand.u32 $0x3FFF, v7;
	[tilespmem:$0x1F0] =	vst v3  }
0x90: {  	v3 =	vor.u32 v6, v10;
	v4 =	vand.u32 $0xFFFFC000, v4;
	v6 =	vshra.s32 v2, $0x2;
	[tilespmem:$0x170] =	vst v5  }
0x91: {  	v2 =	vand.u32 $0x3FFF, v2;
	[tilespmem:$0xA0] =	vst v3;
	v3 =	vor.u32 v7, v4;
	v4 =	vand.u32 $0xFFFFC000, v6  }
0x92: {  	v1 =	vand.u32 $0xFFFFC000, v1;
	[tilespmem:$0x130] =	vst v3;
	v2 =	vor.u32 v2, v4;
	v3 =	vor.u32 v9, v8  }
0x93: {  	v0 =	vor.u32 v0, v1;
	[tilespmem:$0x190] =	vst v3  }
0x94: {  	[tilespmem:$0x150] =	vst v0  }
0x95: {  	[tilespmem:$0x140] =	vst v2  }
0x96: {  	[tilespmem:s9], [sflag:$0x1] =	stream.indirect.gather [hbm4b:s5+s10], $0x80, s2, s10, $0xb8;
	[tilespmem:$0x10200] =	vst v63  }
0x97: {  	_ = 	snop  }
0x98: {  	[tilespmem:s6], [sflag:$0x2] =	stream.indirect.gather [hbm4b:s5+s10], $0x80, s10, s10, $0xb8;
	[tilespmem:$0x10200] =	vst v63  }
0x99: {  	_ =	swait.ge [sflag:s11], $0x8000  }
0x9a: {  	[sflag:s11] =	ssyncset.done $0x0  }
0x9b: {  	[sflag:s11] =	ssyncadd.s32 $0xFFFF8000  }
0x9c: {  	[hbm4b:s7+s2] =	stream.linear.scatter [tilespmem:s9], [sflag:$0x3], $0x8000, $0x38;
	[tilespmem:$0x10200] =	vst v63  }
.Ltmp2:
0x9d: {  	_ = 	snop;
	(pc) =	sbr.rel @p1 .LBB2_2-.Ltmp2, $4  }
0x9e: {  	_ =	swait.ge [sflag:s3], $0x8000  }
0x9f: {  	[sflag:s3] =	ssyncset.done $0x0  }
0xa0: {  	[sflag:s3] =	ssyncadd.s32 $0xFFFF8000  }
0xa1: {  	_ =	swait.ge [sflag:s8], $0x8000  }
.LBB2_3:
0xa2: {  	[sflag:s8] =	ssyncset.done @p0 $0x0  }
0xa3: {  	[sflag:s8] =	ssyncadd.s32 @p0 $0xFFFF8000  }
0xa4: {  	[hbm4b:s4+s2] =	stream.linear.scatter @p0 [tilespmem:s6], [sflag:$0x3], $0x8000, $0x38;
	[tilespmem:$0x10200] =	vst v63  }
0xa5: {  	_ =	swait.ge @p0 [sflag:s3], $0x8000  }
0xa6: {  	[sflag:s3] =	ssyncset.done @p0 $0x0  }
0xa7: {  	[sflag:s3] =	ssyncadd.s32 @p0 $0xFFFF8000  }
0xa8: {  	[tilespmem:s2], [sflag:$0x3] =	stream.linear.gather [hbm4b:s12+s2], $0x200, $0x38;
	[tilespmem:$0x10200] =	vst v63  }
0xa9: {  	_ =	swait.ge [sflag:s3], $0x200  }
0xaa: {  	[sflag:s3] =	ssyncset.done $0x0  }
0xab: {  	[sflag:s3] =	ssyncadd.s32 $0xFFFFFE00  }
0xac: {  	v0 =	vld [tilespmem:$0x180]  }
0xad: {  	v1 =	vld [tilespmem:$0x120]  }
0xae: {  	v2 =	vld [tilespmem:$0xD0]  }
0xaf: {  	v3 =	vld [tilespmem:$0x1C0]  }
0xb0: {  	v4 =	vld [tilespmem:$0x1B0]  }
0xb1: {  	v6 =	vld [tilespmem:$0x1A0]  }
0xb2: {  	v38 =	vld [tilespmem:$0x1D0]  }
0xb3: {  	v39 =	vld [tilespmem:$0x160]  }
0xb4: {  	v10 =	vld [tilespmem:$0x50]  }
0xb5: {  	v12 =	vld [tilespmem:$0x30]  }
0xb6: {  	v40 =	vld [tilespmem:$0x40]  }
0xb7: {  	v14 =	vld [tilespmem:$0x0]  }
0xb8: {  	v16 =	vld [tilespmem:$0x20]  }
0xb9: {  	v43 =	vld [tilespmem:$0xF0]  }
0xba: {  	v44 =	vld [tilespmem:$0x80]  }
0xbb: {  	v45 =	vld [tilespmem:$0x1E0];
	v5 =	vshra.s32 v0, $0x2  }
0xbc: {  	v47 =	vld [tilespmem:$0x70];
	v7 =	vshra.s32 v1, $0x2;
	v0 =	vand.u32 $0x3FFF, v0;
	v1 =	vand.u32 $0x3FFF, v1  }
0xbd: {  	v49 =	vld [tilespmem:$0x10];
	v8 =	vand.u32 $0x3FFF, v2;
	v9 =	vshra.s32 v3, $0x2;
	v2 =	vshra.s32 v2, $0x2  }
0xbe: {  	v53 =	vld [tilespmem:$0x60];
	v11 =	vshra.s32 v4, $0x2;
	v4 =	vand.u32 $0x3FFF, v4;
	v13 =	vshra.s32 v6, $0x2  }
0xbf: {  	v55 =	vld [tilespmem:$0xE0];
	v6 =	vand.u32 $0x3FFF, v6;
	v3 =	vand.u32 $0x3FFF, v3;
	v41 =	vshra.s32 v38, $0x2  }
0xc0: {  	v58 =	vld [tilespmem:$0xC0];
	v15 =	vshra.s32 v39, $0x2;
	v42 =	vshra.s32 v10, $0x2;
	v17 =	vand.u32 $0x3FFF, v12  }
0xc1: {  	v20 =	vld [tilespmem:$0x110];
	v10 =	vand.u32 $0x3FFF, v10;
	v12 =	vshra.s32 v12, $0x2;
	v18 =	vand.u32 $0x3FFF, v40  }
0xc2: {  	v24 =	vld [tilespmem:$0x100];
	v46 =	vshra.s32 v14, $0x2;
	v14 =	vand.u32 $0x3FFF, v14;
	v50 =	vand.u32 $0x3FFF, v16  }
0xc3: {  	v51 =	vshra.s32 v16, $0x2;
	v52 =	vand.u32 $0x3FFF, v43;
	v54 =	vshra.s32 v44, $0x2  }
0xc4: {  	v56 =	vshra.s32 v45, $0x2;
	v59 =	vshra.s32 v47, $0x2;
	v61 =	vshra.s32 v49, $0x2  }
0xc5: {  	v21 =	vand.u32 $0x3FFF, v53;
	v22 =	vshra.s32 v55, $0x2;
	v23 =	vshra.s32 v58, $0x2  }
0xc6: {  	v30 =	vand.u32 $0x3FFF, v20;
	v33 =	vshra.s32 v20, $0x2;
	v7 =	vand.u32 $0xFFFFC000, v7  }
0xc7: {  	v34 =	vshra.s32 v24, $0x2;
	v11 =	vand.u32 $0xFFFFC000, v11;
	v1 =	vor.u32 v1, v7  }
0xc8: {  	v5 =	vand.u32 $0xFFFFC000, v5;
	v9 =	vand.u32 $0xFFFFC000, v9;
	v4 =	vor.u32 v4, v11;
	[tilespmem:$0x120] =	vst v1  }
0xc9: {  	v27 =	vld [tilespmem:$0x1F0];
	v13 =	vand.u32 $0xFFFFC000, v13;
	v15 =	vand.u32 $0xFFFFC000, v15;
	v0 =	vor.u32 v0, v5;
	[tilespmem:$0x1B0] =	vst v4  }
0xca: {  	v29 =	vld [tilespmem:$0xB0];
	v12 =	vand.u32 $0xFFFFC000, v12;
	v57 =	vand.u32 $0xFFFFC000, v54;
	v6 =	vor.u32 v6, v13;
	[tilespmem:$0x180] =	vst v0  }
0xcb: {  	v62 =	vand.u32 $0xFFFFC000, v59;
	v19 =	vand.u32 $0xFFFFC000, v56;
	v3 =	vor.u32 v3, v9;
	[tilespmem:$0x1A0] =	vst v6  }
0xcc: {  	v2 =	vand.u32 $0xFFFFC000, v2;
	v7 =	vand.u32 $0x3FFF, v39;
	v12 =	vor.u32 v17, v12;
	[tilespmem:$0x1C0] =	vst v3  }
0xcd: {  	v13 =	vand.u32 $0xFFFFC000, v41;
	v9 =	vand.u32 $0xFFFFC000, v42;
	v2 =	vor.u32 v8, v2;
	[tilespmem:$0x30] =	vst v12  }
0xce: {  	v5 =	vand.u32 $0x3FFF, v38;
	v11 =	vshra.s32 v40, $0x2;
	v9 =	vor.u32 v10, v9;
	[tilespmem:$0xD0] =	vst v2  }
0xcf: {  	v38 =	vand.u32 $0x3FFF, v27;
	v39 =	vshra.s32 v29, $0x2;
	v5 =	vor.u32 v5, v13;
	[tilespmem:$0x50] =	vst v9  }
0xd0: {  	v31 =	vld [tilespmem:$0x190];
	v42 =	vand.u32 $0x3FFF, v29;
	v7 =	vor.u32 v7, v15;
	v13 =	vand.u32 $0xFFFFC000, v46;
	[tilespmem:$0x1D0] =	vst v5  }
0xd1: {  	v11 =	vand.u32 $0xFFFFC000, v11;
	v6 =	vand.u32 $0xFFFFC000, v51;
	v48 =	vor.u32 v14, v13;
	[tilespmem:$0x160] =	vst v7  }
0xd2: {  	v10 =	vshra.s32 v43, $0x2;
	v15 =	vand.u32 $0x3FFF, v44;
	v11 =	vor.u32 v18, v11;
	[tilespmem:$0x0] =	vst v48  }
0xd3: {  	v4 =	vand.u32 $0x3FFF, v47;
	v1 =	vand.u32 $0x3FFF, v45;
	v6 =	vor.u32 v50, v6;
	[tilespmem:$0x40] =	vst v11  }
0xd4: {  	v3 =	vand.u32 $0x3FFF, v58;
	v2 =	vand.u32 $0xFFFFC000, v34;
	v60 =	vor.u32 v15, v57;
	[tilespmem:$0x20] =	vst v6  }
0xd5: {  	v41 =	vand.u32 $0xFFFFC000, v39;
	v44 =	vand.u32 $0x3FFF, v31;
	v63 =	vor.u32 v4, v62;
	[tilespmem:$0x80] =	vst v60  }
0xd6: {  	v35 =	vld [tilespmem:$0x170];
	v13 =	vand.u32 $0x3FFF, v49;
	v14 =	vand.u32 $0xFFFFC000, v61;
	v1 =	vor.u32 v1, v19;
	[tilespmem:$0x70] =	vst v63  }
0xd7: {  	v45 =	vshra.s32 v31, $0x2;
	v10 =	vand.u32 $0xFFFFC000, v10;
	v13 =	vor.u32 v13, v14;
	[tilespmem:$0x1E0] =	vst v1  }
0xd8: {  	v32 =	vld [tilespmem:$0xA0];
	v9 =	vshra.s32 v53, $0x2;
	v7 =	vand.u32 $0x3FFF, v24;
	v10 =	vor.u32 v52, v10;
	[tilespmem:$0x10] =	vst v13  }
0xd9: {  	v46 =	vshra.s32 v27, $0x2;
	v25 =	vand.u32 $0xFFFFC000, v9;
	v2 =	vor.u32 v7, v2;
	[tilespmem:$0xF0] =	vst v10  }
0xda: {  	v17 =	vld [tilespmem:$0x90];
	v5 =	vand.u32 $0x3FFF, v55;
	v11 =	vand.u32 $0xFFFFC000, v22;
	v0 =	vor.u32 v21, v25;
	[tilespmem:$0x100] =	vst v2  }
0xdb: {  	v40 =	vld [tilespmem:$0x150];
	v51 =	vshra.s32 v35, $0x2;
	v6 =	vand.u32 $0xFFFFC000, v23;
	v36 =	vor.u32 v5, v11;
	[tilespmem:$0x60] =	vst v0  }
0xdc: {  	v48 =	vand.u32 $0x3FFF, v35;
	v52 =	vand.u32 $0xFFFFC000, v51;
	v3 =	vor.u32 v3, v6;
	[tilespmem:$0xE0] =	vst v36  }
0xdd: {  	v43 =	vld [tilespmem:$0x130];
	v47 =	vshra.s32 v32, $0x2;
	v10 =	vand.u32 $0xFFFFC000, v33;
	v2 =	vor.u32 v48, v52;
	[tilespmem:$0xC0] =	vst v3  }
0xde: {  	v50 =	vand.u32 $0x3FFF, v32;
	v5 =	vand.u32 $0xFFFFC000, v47;
	v37 =	vor.u32 v30, v10;
	[tilespmem:$0x170] =	vst v2  }
0xdf: {  	v49 =	vld [tilespmem:$0x140];
	v26 =	vand.u32 $0x3FFF, v17;
	v0 =	vor.u32 v42, v41;
	v3 =	vand.u32 $0xFFFFC000, v46;
	[tilespmem:$0x110] =	vst v37  }
0xe0: {  	v28 =	vshra.s32 v17, $0x2;
	v53 =	vand.u32 $0x3FFF, v40;
	[tilespmem:$0xB0] =	vst v0;
	v3 =	vor.u32 v38, v3  }
0xe1: {  	v57 =	vshra.s32 v40, $0x2;
	v1 =	vand.u32 $0xFFFFC000, v28;
	v0 =	vor.u32 v50, v5;
	[tilespmem:$0x1F0] =	vst v3  }
0xe2: {  	v54 =	vshra.s32 v43, $0x2;
	v60 =	vand.u32 $0xFFFFC000, v57;
	v1 =	vor.u32 v26, v1;
	[tilespmem:$0xA0] =	vst v0  }
0xe3: {  	v55 =	vand.u32 $0x3FFF, v43;
	v56 =	vand.u32 $0xFFFFC000, v54;
	v0 =	vor.u32 v53, v60;
	[tilespmem:$0x90] =	vst v1  }
0xe4: {  	v59 =	vshra.s32 v49, $0x2;
	v1 =	vand.u32 $0xFFFFC000, v45;
	v58 =	vor.u32 v55, v56;
	[tilespmem:$0x150] =	vst v0  }
0xe5: {  	v62 =	vand.u32 $0x3FFF, v49;
	v61 =	vand.u32 $0xFFFFC000, v59;
	[tilespmem:$0x130] =	vst v58;
	v1 =	vor.u32 v44, v1  }
0xe6: {  	v63 =	vor.u32 v62, v61;
	[tilespmem:$0x190] =	vst v1  }
0xe7: {  	[tilespmem:$0x140] =	vst v63  }
0xe8: {  	[tilespmem:s9], [sflag:$0x1] =	stream.indirect.gather [hbm4b:s5+s10], $0x80, s2, s10, $0xb8;
	[tilespmem:$0x10200] =	vst v63  }
0xe9: {  	_ = 	snop  }
0xea: {  	[tilespmem:s6], [sflag:$0x2] =	stream.indirect.gather [hbm4b:s5+s10], $0x80, s10, s10, $0xb8;
	[tilespmem:$0x10200] =	vst v63  }
0xeb: {  	_ =	swait.ge [sflag:s11], $0x8000  }
0xec: {  	[sflag:s11] =	ssyncset.done $0x0  }
0xed: {  	[sflag:s11] =	ssyncadd.s32 $0xFFFF8000  }
0xee: {  	[hbm4b:s7+s2] =	stream.linear.scatter [tilespmem:s9], [sflag:$0x3], $0x8000, $0x38;
	[tilespmem:$0x10200] =	vst v63  }
0xef: {  	_ =	swait.ge [sflag:s3], $0x8000  }
0xf0: {  	[sflag:s3] =	ssyncset.done $0x0  }
0xf1: {  	[sflag:s3] =	ssyncadd.s32 $0xFFFF8000  }
0xf2: {  	_ =	swait.ge [sflag:s8], $0x8000  }
0xf3: {  	[sflag:s8] =	ssyncset.done $0x0  }
0xf4: {  	[sflag:s8] =	ssyncadd.s32 $0xFFFF8000  }
0xf5: {  	[hbm4b:s4+s2] =	stream.linear.scatter [tilespmem:s6], [sflag:$0x3], $0x8000, $0x38;
	[tilespmem:$0x10200] =	vst v63  }
0xf6: {  	_ =	swait.ge [sflag:s3], $0x8000  }
0xf7: {  	[sflag:s3] =	ssyncset.done $0x0  }
0xf8: {  	[sflag:s3] =	ssyncadd.s32 $0xFFFF8000  }
0xf9: {  	_ =	sfence.sel $0x180000  }
0xfa: {  	[bflag:$0x0] =	sbarrier.arrive $0xFFFF  }
0xfb: {  	p0 =	sne.s32 s1, $0x0;
	_ =	strace $0x9000004A  }
0xfc: {  	s0 =	sadd.s32 @!p0 $0x100000, s0;
	[bflag:$0x2] =	sbarrier.arrive $0xFFFF  }
0xfd: {  	[sflag:s0] =	ssyncadd.tile.s32 @!p0 $0x1;
	_ =	shalt  }
.Lfunc_end2:
_tile_overlayer_lowered:
.L_overlay_start_2:
0xfe: {  	(tag) =	ssettag $0x2  }
0xff: {  	s0 =	rddreg [dreg:$0x0];
	s2 =	stileid.u32  }
0x100: {  	s1 =	rddreg [dreg:$0x1];
	p0 =	sne.s32 s2, $0x0  }
0x101: {  	s3 =	rddreg [dreg:$0x2];
	[bflag:$0x3] =	sbarrier.arrive $0xFFFF;
	s2 =	simm.s32 @!p0 $0x1C03  }
0x102: {  	[timem:s3], [sflag:s2] =	dma.local @!p0 [hbm:s0], s1  }
0x103: {  	s0 =	simm.s32 @!p0 $0x3  }
0x104: {  	_ =	swait.ge @!p0 [sflag:s0], s1  }
0x105: {  	s1 =	ssub.s32 @!p0 $0x0, s1;
	[sflag:s0] =	ssyncset.done @!p0 $0x0  }
0x106: {  	[sflag:s0] =	ssyncadd.s32 @!p0 s1  }
0x107: {  	[bflag:$0x3] =	sbarrier.arrive $0xFFFF  }
0x108: {  	_ =	shalt  }

</sc_bundles>
